<compile_context>
chip_gen: v7x
topology: tpu7x:2x2x1
jax: 0.10.2.dev20260603
libtpu: 0.0.44.dev20260713+nightly
codegen_flags: <defaults>
</compile_context>

<pallas_src>
import jax
import jax.numpy as jnp
from jax import lax
from jax.experimental import pallas as pl
from jax.experimental.pallas import tpu as pltpu
from jax.experimental.pallas import tpu_sc as plsc

C = 768
HW = 112 * 112
TOPK = 384
L = 16
NSUB = 16
CPT = C // NSUB
NVREG = C // L

NBUF = 4
CB = 96
NCHUNK = C // CB


def _mean_body(x_hbm, o_ref, *scratch):
    bufs, sems = scratch[:NBUF], scratch[NBUF:]

    def copy(c):
        b = c % NBUF
        return pltpu.make_async_copy(
            x_hbm.at[pl.ds(c * CB, CB)], bufs[b], sems[b])

    for c in range(min(NBUF, NCHUNK)):
        copy(c).start()
    for c in range(NCHUNK):
        copy(c).wait()
        x = bufs[c % NBUF][...]
        o_ref[pl.ds(c * CB, CB)] = (
            jnp.sum(x, axis=1, keepdims=True) * (1.0 / HW))
        if c + NBUF < NCHUNK:
            copy(c + NBUF).start()


def _channel_means(x2):
    return pl.pallas_call(
        _mean_body,
        in_specs=[pl.BlockSpec(memory_space=pltpu.MemorySpace.HBM)],
        out_specs=pl.BlockSpec(memory_space=pltpu.MemorySpace.VMEM),
        out_shape=jax.ShapeDtypeStruct((C, 1), jnp.float32),
        scratch_shapes=(
            [pltpu.VMEM((CB, HW), jnp.float32)] * NBUF
            + [pltpu.SemaphoreType.DMA] * NBUF),
    )(x2)


def _topk_body(means_hbm, out_hbm, means_v, ranks_mine, ids_mine, out_sh):
    sid = lax.axis_index("s")
    iota = jnp.arange(L, dtype=jnp.int32)
    ones = jnp.ones((L,), jnp.int32)
    zeros = jnp.zeros((L,), jnp.int32)

    pltpu.sync_copy(means_hbm, means_v)

    for tl in range(CPT // L):
        tbase = (sid * (CPT // L) + tl) * L
        v = means_v[pl.ds(tbase, L)]
        idx_t = iota + tbase

        @plsc.parallel_loop(0, NVREG, unroll=4, carry=zeros)
        def acc(m, acc, v=v, idx_t=idx_t):
            u = means_v[pl.ds(m * L, L)]
            for k in range(L):
                us = u.at[jnp.full((L,), k, jnp.int32)].get(
                    mode='promise_in_bounds')
                j = m * L + k
                cond = (us > v) | ((us == v) & (j > idx_t))
                acc = acc + jnp.where(cond, ones, zeros)
            return acc
        ranks_mine[pl.ds(tl * L, L)] = acc
        ids_mine[pl.ds(tl * L, L)] = idx_t

    pltpu.sync_copy(ids_mine, out_sh.at[ranks_mine])
    plsc.subcore_barrier()

    @pl.when(sid == 0)
    def _():
        pltpu.sync_copy(out_sh.at[pl.ds(0, TOPK)], out_hbm)


def _topk_sc(means):
    mesh = plsc.VectorSubcoreMesh(
        core_axis_name="c", subcore_axis_name="s", num_cores=1)
    f = pl.kernel(
        _topk_body,
        out_type=jax.ShapeDtypeStruct((TOPK,), jnp.int32),
        mesh=mesh,
        scratch_types=[
            pltpu.VMEM((C,), jnp.float32),
            pltpu.VMEM((CPT,), jnp.int32),
            pltpu.VMEM((CPT,), jnp.int32),
            pltpu.VMEM_SHARED((C,), jnp.int32),
        ],
    )
    return f(means)


@jax.jit
def kernel(input):
    means = _channel_means(input.reshape(C, HW)).reshape(C)
    return _topk_sc(means)

# --- scband reference (transcript-rebuilt; emitter-appended) ---
"""Pipeline reference for scband-rank-channels-59811714564332 (READ-ONLY COPY).

The authoritative reference and input builder live on the scoring server;
editing this copy changes nothing except your own understanding.
"""

import jax, jax.numpy as jnp
import numpy as np

K = 384  # int(channels[0])
CHANNEL_MODE = 'strong'

def setup_inputs(seed: int = 0) -> dict:
    key = jax.random.key(seed)
    x = jax.random.normal(key, (1, 768, 112, 112), dtype=jnp.float32)
    return {"input": x}

def reference(input) -> jnp.ndarray:
    # sort_channels: mean of each channel of input.squeeze(0)
    means = jnp.mean(input[0], axis=(1, 2))  # [C]
    # sorted ascending by (value, index), then reversed for 'strong' mode
    # -> descending by value (ties broken by larger index first, matching
    #    python's stable ascending sort followed by reverse)
    order = jnp.argsort(means)[::-1]
    # return first top_channels channel indices
    return order[:K]

if __name__ == "__main__":
    import jax
    _d = setup_inputs()
    print(jax.jit(kernel)(*tuple(_d.values())))

</pallas_src>

<mosaic_0001>
#map = affine_map<(d0, d1) -> (0)>
module attributes {stable_mosaic.version = 14 : i64} {
  func.func @_topk_body(%arg0: i32, %arg1: i32, %arg2: memref<768xf32, #tpu.memory_space<hbm>>, %arg3: memref<384xi32, #tpu.memory_space<hbm>>, %arg4: memref<768xf32, #tpu.memory_space<vmem>>, %arg5: memref<48xi32, #tpu.memory_space<vmem>>, %arg6: memref<48xi32, #tpu.memory_space<vmem>>, %arg7: memref<768xi32, #tpu.memory_space<vmem_shared>>) attributes {dimension_semantics = [#tpu.dimension_semantics<core_parallel>, #tpu.dimension_semantics<subcore_parallel>], iteration_bounds = array<i64: 1, 16>, scalar_prefetch = 0 : i64, scratch_operands = 4 : i64, tpu.core_type = #tpu.core_type<sc_vector_subcore>, window_params = [{transform_indices = #map}, {transform_indices = #map}]} {
    %iota3A = tpu.iota {dimensions = array<i32: 0>} : vector<16xi32>
    %broadcast_in_dim3A = arith.constant 1 : i32
    %broadcast_in_dim3A_0 = vector.broadcast %broadcast_in_dim3A : i32 to vector<16xi32>
    %broadcast_in_dim3A_1 = arith.constant 0 : i32
    %broadcast_in_dim3A_2 = vector.broadcast %broadcast_in_dim3A_1 : i32 to vector<16xi32>
    "tpu.region"() ({
      %run_scoped3A = tpu.sem_alloc : memref<!tpu.dma_semaphore, #tpu.memory_space<semaphore_mem>>
      tpu.enqueue_dma source(%arg2 : memref<768xf32, #tpu.memory_space<hbm>>) target(%arg4 : memref<768xf32, #tpu.memory_space<vmem>>) target_semaphore(%run_scoped3A : memref<!tpu.dma_semaphore, #tpu.memory_space<semaphore_mem>>)
      tpu.wait_dma2 semaphore(%run_scoped3A : memref<!tpu.dma_semaphore, #tpu.memory_space<semaphore_mem>>) src(%arg2 : memref<768xf32, #tpu.memory_space<hbm>>) dst(%arg4 : memref<768xf32, #tpu.memory_space<vmem>>)
      tpu.yield
    }) : () -> ()
    %mul3A = arith.constant 3 : i32
    %mul3A_3 = arith.muli %arg1, %mul3A : i32
    %add3A = arith.constant 0 : i32
    %add3A_4 = arith.addi %mul3A_3, %add3A : i32
    %mul3A_5 = arith.constant 16 : i32
    %mul3A_6 = arith.muli %add3A_4, %mul3A_5 : i32
    %get3A = arith.index_cast %mul3A_6 : i32 to index
    %get3A_7 = tpu.vector_load %arg4[%get3A] {strides = array<i32>} : memref<768xf32, #tpu.memory_space<vmem>>, vector<16xf32>,
    %get3A_8 = vector.shape_cast %get3A_7 : vector<16xf32> to vector<16xf32>
    %add3A_9 = vector.broadcast %mul3A_6 : i32 to vector<16xi32>
    %add3A_10 = arith.addi %iota3A, %add3A_9 : vector<16xi32>
    %parallel_loop3A = arith.constant 0 : i32
    %parallel_loop3A_11 = arith.constant 48 : i32
    %parallel_loop3A_12 = arith.constant 1 : i32
    %parallel_loop3A_13 = scf.for %parallel_loop3A_69 = %parallel_loop3A to %parallel_loop3A_11 step %parallel_loop3A_12 iter_args(%parallel_loop3A_70 = %broadcast_in_dim3A_2) -> (vector<16xi32>)  : i32 {
      %parallel_loop3A_71 = arith.constant 16 : i32
      %parallel_loop3A_72 = arith.muli %parallel_loop3A_69, %parallel_loop3A_71 : i32
      %parallel_loop3A_73 = arith.index_cast %parallel_loop3A_72 : i32 to index
      %parallel_loop3A_74 = tpu.vector_load %arg4[%parallel_loop3A_73] {strides = array<i32>} : memref<768xf32, #tpu.memory_space<vmem>>, vector<16xf32>,
      %parallel_loop3A_75 = vector.shape_cast %parallel_loop3A_74 : vector<16xf32> to vector<16xf32>
      %parallel_loop3A_76 = arith.constant 0 : i32
      %parallel_loop3A_77 = vector.broadcast %parallel_loop3A_76 : i32 to vector<16xi32>
      %parallel_loop3A_78 = arith.constant 0 : i32
      %parallel_loop3A_79 = vector.broadcast %parallel_loop3A_78 : i32 to vector<16xi32>
      %parallel_loop3A_80 = arith.cmpi slt, %parallel_loop3A_77, %parallel_loop3A_79 : vector<16xi32>
      %parallel_loop3A_81 = arith.constant 16 : i32
      %parallel_loop3A_82 = vector.broadcast %parallel_loop3A_81 : i32 to vector<16xi32>
      %parallel_loop3A_83 = arith.addi %parallel_loop3A_77, %parallel_loop3A_82 : vector<16xi32>
      %parallel_loop3A_84 = arith.select %parallel_loop3A_80, %parallel_loop3A_83, %parallel_loop3A_77 : vector<16xi1>, vector<16xi32>
      %parallel_loop3A_85 = vector.shape_cast %parallel_loop3A_84 : vector<16xi32> to vector<16x1xi32>
      %parallel_loop3A_86 = vector.shape_cast %parallel_loop3A_85 : vector<16x1xi32> to vector<16xi32>
      %parallel_loop3A_87 = tpu.dynamic_gather %parallel_loop3A_75[%parallel_loop3A_86] in [0] : vector<16xf32>, vector<16xi32> -> vector<16xf32>
      %parallel_loop3A_88 = arith.constant 16 : i32
      %parallel_loop3A_89 = arith.muli %parallel_loop3A_69, %parallel_loop3A_88 : i32
      %parallel_loop3A_90 = arith.constant 0 : i32
      %parallel_loop3A_91 = arith.addi %parallel_loop3A_89, %parallel_loop3A_90 : i32
      %parallel_loop3A_92 = arith.cmpf ogt, %parallel_loop3A_87, %get3A_8 : vector<16xf32>
      %parallel_loop3A_93 = arith.cmpf oeq, %parallel_loop3A_87, %get3A_8 : vector<16xf32>
      %parallel_loop3A_94 = vector.broadcast %parallel_loop3A_91 : i32 to vector<16xi32>
      %parallel_loop3A_95 = arith.cmpi sgt, %parallel_loop3A_94, %add3A_10 : vector<16xi32>
      %parallel_loop3A_96 = arith.andi %parallel_loop3A_93, %parallel_loop3A_95 : vector<16xi1>
      %parallel_loop3A_97 = arith.ori %parallel_loop3A_92, %parallel_loop3A_96 : vector<16xi1>
      %parallel_loop3A_98 = arith.select %parallel_loop3A_97, %broadcast_in_dim3A_0, %broadcast_in_dim3A_2 : vector<16xi1>, vector<16xi32>
      %parallel_loop3A_99 = arith.addi %parallel_loop3A_70, %parallel_loop3A_98 : vector<16xi32>
      %parallel_loop3A_100 = arith.constant 1 : i32
      %parallel_loop3A_101 = vector.broadcast %parallel_loop3A_100 : i32 to vector<16xi32>
      %parallel_loop3A_102 = arith.constant 0 : i32
      %parallel_loop3A_103 = vector.broadcast %parallel_loop3A_102 : i32 to vector<16xi32>
      %parallel_loop3A_104 = arith.cmpi slt, %parallel_loop3A_101, %parallel_loop3A_103 : vector<16xi32>
      %parallel_loop3A_105 = arith.constant 16 : i32
      %parallel_loop3A_106 = vector.broadcast %parallel_loop3A_105 : i32 to vector<16xi32>
      %parallel_loop3A_107 = arith.addi %parallel_loop3A_101, %parallel_loop3A_106 : vector<16xi32>
      %parallel_loop3A_108 = arith.select %parallel_loop3A_104, %parallel_loop3A_107, %parallel_loop3A_101 : vector<16xi1>, vector<16xi32>
      %parallel_loop3A_109 = vector.shape_cast %parallel_loop3A_108 : vector<16xi32> to vector<16x1xi32>
      %parallel_loop3A_110 = vector.shape_cast %parallel_loop3A_109 : vector<16x1xi32> to vector<16xi32>
      %parallel_loop3A_111 = tpu.dynamic_gather %parallel_loop3A_75[%parallel_loop3A_110] in [0] : vector<16xf32>, vector<16xi32> -> vector<16xf32>
      %parallel_loop3A_112 = arith.constant 16 : i32
      %parallel_loop3A_113 = arith.muli %parallel_loop3A_69, %parallel_loop3A_112 : i32
      %parallel_loop3A_114 = arith.constant 1 : i32
      %parallel_loop3A_115 = arith.addi %parallel_loop3A_113, %parallel_loop3A_114 : i32
      %parallel_loop3A_116 = arith.cmpf ogt, %parallel_loop3A_111, %get3A_8 : vector<16xf32>
      %parallel_loop3A_117 = arith.cmpf oeq, %parallel_loop3A_111, %get3A_8 : vector<16xf32>
      %parallel_loop3A_118 = vector.broadcast %parallel_loop3A_115 : i32 to vector<16xi32>
      %parallel_loop3A_119 = arith.cmpi sgt, %parallel_loop3A_118, %add3A_10 : vector<16xi32>
      %parallel_loop3A_120 = arith.andi %parallel_loop3A_117, %parallel_loop3A_119 : vector<16xi1>
      %parallel_loop3A_121 = arith.ori %parallel_loop3A_116, %parallel_loop3A_120 : vector<16xi1>
      %parallel_loop3A_122 = arith.select %parallel_loop3A_121, %broadcast_in_dim3A_0, %broadcast_in_dim3A_2 : vector<16xi1>, vector<16xi32>
      %parallel_loop3A_123 = arith.addi %parallel_loop3A_99, %parallel_loop3A_122 : vector<16xi32>
      %parallel_loop3A_124 = arith.constant 2 : i32
      %parallel_loop3A_125 = vector.broadcast %parallel_loop3A_124 : i32 to vector<16xi32>
      %parallel_loop3A_126 = arith.constant 0 : i32
      %parallel_loop3A_127 = vector.broadcast %parallel_loop3A_126 : i32 to vector<16xi32>
      %parallel_loop3A_128 = arith.cmpi slt, %parallel_loop3A_125, %parallel_loop3A_127 : vector<16xi32>
      %parallel_loop3A_129 = arith.constant 16 : i32
      %parallel_loop3A_130 = vector.broadcast %parallel_loop3A_129 : i32 to vector<16xi32>
      %parallel_loop3A_131 = arith.addi %parallel_loop3A_125, %parallel_loop3A_130 : vector<16xi32>
      %parallel_loop3A_132 = arith.select %parallel_loop3A_128, %parallel_loop3A_131, %parallel_loop3A_125 : vector<16xi1>, vector<16xi32>
      %parallel_loop3A_133 = vector.shape_cast %parallel_loop3A_132 : vector<16xi32> to vector<16x1xi32>
      %parallel_loop3A_134 = vector.shape_cast %parallel_loop3A_133 : vector<16x1xi32> to vector<16xi32>
      %parallel_loop3A_135 = tpu.dynamic_gather %parallel_loop3A_75[%parallel_loop3A_134] in [0] : vector<16xf32>, vector<16xi32> -> vector<16xf32>
      %parallel_loop3A_136 = arith.constant 16 : i32
      %parallel_loop3A_137 = arith.muli %parallel_loop3A_69, %parallel_loop3A_136 : i32
      %parallel_loop3A_138 = arith.constant 2 : i32
      %parallel_loop3A_139 = arith.addi %parallel_loop3A_137, %parallel_loop3A_138 : i32
      %parallel_loop3A_140 = arith.cmpf ogt, %parallel_loop3A_135, %get3A_8 : vector<16xf32>
      %parallel_loop3A_141 = arith.cmpf oeq, %parallel_loop3A_135, %get3A_8 : vector<16xf32>
      %parallel_loop3A_142 = vector.broadcast %parallel_loop3A_139 : i32 to vector<16xi32>
      %parallel_loop3A_143 = arith.cmpi sgt, %parallel_loop3A_142, %add3A_10 : vector<16xi32>
      %parallel_loop3A_144 = arith.andi %parallel_loop3A_141, %parallel_loop3A_143 : vector<16xi1>
      %parallel_loop3A_145 = arith.ori %parallel_loop3A_140, %parallel_loop3A_144 : vector<16xi1>
      %parallel_loop3A_146 = arith.select %parallel_loop3A_145, %broadcast_in_dim3A_0, %broadcast_in_dim3A_2 : vector<16xi1>, vector<16xi32>
      %parallel_loop3A_147 = arith.addi %parallel_loop3A_123, %parallel_loop3A_146 : vector<16xi32>
      %parallel_loop3A_148 = arith.constant 3 : i32
      %parallel_loop3A_149 = vector.broadcast %parallel_loop3A_148 : i32 to vector<16xi32>
      %parallel_loop3A_150 = arith.constant 0 : i32
      %parallel_loop3A_151 = vector.broadcast %parallel_loop3A_150 : i32 to vector<16xi32>
      %parallel_loop3A_152 = arith.cmpi slt, %parallel_loop3A_149, %parallel_loop3A_151 : vector<16xi32>
      %parallel_loop3A_153 = arith.constant 16 : i32
      %parallel_loop3A_154 = vector.broadcast %parallel_loop3A_153 : i32 to vector<16xi32>
      %parallel_loop3A_155 = arith.addi %parallel_loop3A_149, %parallel_loop3A_154 : vector<16xi32>
      %parallel_loop3A_156 = arith.select %parallel_loop3A_152, %parallel_loop3A_155, %parallel_loop3A_149 : vector<16xi1>, vector<16xi32>
      %parallel_loop3A_157 = vector.shape_cast %parallel_loop3A_156 : vector<16xi32> to vector<16x1xi32>
      %parallel_loop3A_158 = vector.shape_cast %parallel_loop3A_157 : vector<16x1xi32> to vector<16xi32>
      %parallel_loop3A_159 = tpu.dynamic_gather %parallel_loop3A_75[%parallel_loop3A_158] in [0] : vector<16xf32>, vector<16xi32> -> vector<16xf32>
      %parallel_loop3A_160 = arith.constant 16 : i32
      %parallel_loop3A_161 = arith.muli %parallel_loop3A_69, %parallel_loop3A_160 : i32
      %parallel_loop3A_162 = arith.constant 3 : i32
      %parallel_loop3A_163 = arith.addi %parallel_loop3A_161, %parallel_loop3A_162 : i32
      %parallel_loop3A_164 = arith.cmpf ogt, %parallel_loop3A_159, %get3A_8 : vector<16xf32>
      %parallel_loop3A_165 = arith.cmpf oeq, %parallel_loop3A_159, %get3A_8 : vector<16xf32>
      %parallel_loop3A_166 = vector.broadcast %parallel_loop3A_163 : i32 to vector<16xi32>
      %parallel_loop3A_167 = arith.cmpi sgt, %parallel_loop3A_166, %add3A_10 : vector<16xi32>
      %parallel_loop3A_168 = arith.andi %parallel_loop3A_165, %parallel_loop3A_167 : vector<16xi1>
      %parallel_loop3A_169 = arith.ori %parallel_loop3A_164, %parallel_loop3A_168 : vector<16xi1>
      %parallel_loop3A_170 = arith.select %parallel_loop3A_169, %broadcast_in_dim3A_0, %broadcast_in_dim3A_2 : vector<16xi1>, vector<16xi32>
      %parallel_loop3A_171 = arith.addi %parallel_loop3A_147, %parallel_loop3A_170 : vector<16xi32>
      %parallel_loop3A_172 = arith.constant 4 : i32
      %parallel_loop3A_173 = vector.broadcast %parallel_loop3A_172 : i32 to vector<16xi32>
      %parallel_loop3A_174 = arith.constant 0 : i32
      %parallel_loop3A_175 = vector.broadcast %parallel_loop3A_174 : i32 to vector<16xi32>
      %parallel_loop3A_176 = arith.cmpi slt, %parallel_loop3A_173, %parallel_loop3A_175 : vector<16xi32>
      %parallel_loop3A_177 = arith.constant 16 : i32
      %parallel_loop3A_178 = vector.broadcast %parallel_loop3A_177 : i32 to vector<16xi32>
      %parallel_loop3A_179 = arith.addi %parallel_loop3A_173, %parallel_loop3A_178 : vector<16xi32>
      %parallel_loop3A_180 = arith.select %parallel_loop3A_176, %parallel_loop3A_179, %parallel_loop3A_173 : vector<16xi1>, vector<16xi32>
      %parallel_loop3A_181 = vector.shape_cast %parallel_loop3A_180 : vector<16xi32> to vector<16x1xi32>
      %parallel_loop3A_182 = vector.shape_cast %parallel_loop3A_181 : vector<16x1xi32> to vector<16xi32>
      %parallel_loop3A_183 = tpu.dynamic_gather %parallel_loop3A_75[%parallel_loop3A_182] in [0] : vector<16xf32>, vector<16xi32> -> vector<16xf32>
      %parallel_loop3A_184 = arith.constant 16 : i32
      %parallel_loop3A_185 = arith.muli %parallel_loop3A_69, %parallel_loop3A_184 : i32
      %parallel_loop3A_186 = arith.constant 4 : i32
      %parallel_loop3A_187 = arith.addi %parallel_loop3A_185, %parallel_loop3A_186 : i32
      %parallel_loop3A_188 = arith.cmpf ogt, %parallel_loop3A_183, %get3A_8 : vector<16xf32>
      %parallel_loop3A_189 = arith.cmpf oeq, %parallel_loop3A_183, %get3A_8 : vector<16xf32>
      %parallel_loop3A_190 = vector.broadcast %parallel_loop3A_187 : i32 to vector<16xi32>
      %parallel_loop3A_191 = arith.cmpi sgt, %parallel_loop3A_190, %add3A_10 : vector<16xi32>
      %parallel_loop3A_192 = arith.andi %parallel_loop3A_189, %parallel_loop3A_191 : vector<16xi1>
      %parallel_loop3A_193 = arith.ori %parallel_loop3A_188, %parallel_loop3A_192 : vector<16xi1>
      %parallel_loop3A_194 = arith.select %parallel_loop3A_193, %broadcast_in_dim3A_0, %broadcast_in_dim3A_2 : vector<16xi1>, vector<16xi32>
      %parallel_loop3A_195 = arith.addi %parallel_loop3A_171, %parallel_loop3A_194 : vector<16xi32>
      %parallel_loop3A_196 = arith.constant 5 : i32
      %parallel_loop3A_197 = vector.broadcast %parallel_loop3A_196 : i32 to vector<16xi32>
      %parallel_loop3A_198 = arith.constant 0 : i32
      %parallel_loop3A_199 = vector.broadcast %parallel_loop3A_198 : i32 to vector<16xi32>
      %parallel_loop3A_200 = arith.cmpi slt, %parallel_loop3A_197, %parallel_loop3A_199 : vector<16xi32>
      %parallel_loop3A_201 = arith.constant 16 : i32
      %parallel_loop3A_202 = vector.broadcast %parallel_loop3A_201 : i32 to vector<16xi32>
      %parallel_loop3A_203 = arith.addi %parallel_loop3A_197, %parallel_loop3A_202 : vector<16xi32>
      %parallel_loop3A_204 = arith.select %parallel_loop3A_200, %parallel_loop3A_203, %parallel_loop3A_197 : vector<16xi1>, vector<16xi32>
      %parallel_loop3A_205 = vector.shape_cast %parallel_loop3A_204 : vector<16xi32> to vector<16x1xi32>
      %parallel_loop3A_206 = vector.shape_cast %parallel_loop3A_205 : vector<16x1xi32> to vector<16xi32>
      %parallel_loop3A_207 = tpu.dynamic_gather %parallel_loop3A_75[%parallel_loop3A_206] in [0] : vector<16xf32>, vector<16xi32> -> vector<16xf32>
      %parallel_loop3A_208 = arith.constant 16 : i32
      %parallel_loop3A_209 = arith.muli %parallel_loop3A_69, %parallel_loop3A_208 : i32
      %parallel_loop3A_210 = arith.constant 5 : i32
      %parallel_loop3A_211 = arith.addi %parallel_loop3A_209, %parallel_loop3A_210 : i32
      %parallel_loop3A_212 = arith.cmpf ogt, %parallel_loop3A_207, %get3A_8 : vector<16xf32>
      %parallel_loop3A_213 = arith.cmpf oeq, %parallel_loop3A_207, %get3A_8 : vector<16xf32>
      %parallel_loop3A_214 = vector.broadcast %parallel_loop3A_211 : i32 to vector<16xi32>
      %parallel_loop3A_215 = arith.cmpi sgt, %parallel_loop3A_214, %add3A_10 : vector<16xi32>
      %parallel_loop3A_216 = arith.andi %parallel_loop3A_213, %parallel_loop3A_215 : vector<16xi1>
      %parallel_loop3A_217 = arith.ori %parallel_loop3A_212, %parallel_loop3A_216 : vector<16xi1>
      %parallel_loop3A_218 = arith.select %parallel_loop3A_217, %broadcast_in_dim3A_0, %broadcast_in_dim3A_2 : vector<16xi1>, vector<16xi32>
      %parallel_loop3A_219 = arith.addi %parallel_loop3A_195, %parallel_loop3A_218 : vector<16xi32>
      %parallel_loop3A_220 = arith.constant 6 : i32
      %parallel_loop3A_221 = vector.broadcast %parallel_loop3A_220 : i32 to vector<16xi32>
      %parallel_loop3A_222 = arith.constant 0 : i32
      %parallel_loop3A_223 = vector.broadcast %parallel_loop3A_222 : i32 to vector<16xi32>
      %parallel_loop3A_224 = arith.cmpi slt, %parallel_loop3A_221, %parallel_loop3A_223 : vector<16xi32>
      %parallel_loop3A_225 = arith.constant 16 : i32
      %parallel_loop3A_226 = vector.broadcast %parallel_loop3A_225 : i32 to vector<16xi32>
      %parallel_loop3A_227 = arith.addi %parallel_loop3A_221, %parallel_loop3A_226 : vector<16xi32>
      %parallel_loop3A_228 = arith.select %parallel_loop3A_224, %parallel_loop3A_227, %parallel_loop3A_221 : vector<16xi1>, vector<16xi32>
      %parallel_loop3A_229 = vector.shape_cast %parallel_loop3A_228 : vector<16xi32> to vector<16x1xi32>
      %parallel_loop3A_230 = vector.shape_cast %parallel_loop3A_229 : vector<16x1xi32> to vector<16xi32>
      %parallel_loop3A_231 = tpu.dynamic_gather %parallel_loop3A_75[%parallel_loop3A_230] in [0] : vector<16xf32>, vector<16xi32> -> vector<16xf32>
      %parallel_loop3A_232 = arith.constant 16 : i32
      %parallel_loop3A_233 = arith.muli %parallel_loop3A_69, %parallel_loop3A_232 : i32
      %parallel_loop3A_234 = arith.constant 6 : i32
      %parallel_loop3A_235 = arith.addi %parallel_loop3A_233, %parallel_loop3A_234 : i32
      %parallel_loop3A_236 = arith.cmpf ogt, %parallel_loop3A_231, %get3A_8 : vector<16xf32>
      %parallel_loop3A_237 = arith.cmpf oeq, %parallel_loop3A_231, %get3A_8 : vector<16xf32>
      %parallel_loop3A_238 = vector.broadcast %parallel_loop3A_235 : i32 to vector<16xi32>
      %parallel_loop3A_239 = arith.cmpi sgt, %parallel_loop3A_238, %add3A_10 : vector<16xi32>
      %parallel_loop3A_240 = arith.andi %parallel_loop3A_237, %parallel_loop3A_239 : vector<16xi1>
      %parallel_loop3A_241 = arith.ori %parallel_loop3A_236, %parallel_loop3A_240 : vector<16xi1>
      %parallel_loop3A_242 = arith.select %parallel_loop3A_241, %broadcast_in_dim3A_0, %broadcast_in_dim3A_2 : vector<16xi1>, vector<16xi32>
      %parallel_loop3A_243 = arith.addi %parallel_loop3A_219, %parallel_loop3A_242 : vector<16xi32>
      %parallel_loop3A_244 = arith.constant 7 : i32
      %parallel_loop3A_245 = vector.broadcast %parallel_loop3A_244 : i32 to vector<16xi32>
      %parallel_loop3A_246 = arith.constant 0 : i32
      %parallel_loop3A_247 = vector.broadcast %parallel_loop3A_246 : i32 to vector<16xi32>
      %parallel_loop3A_248 = arith.cmpi slt, %parallel_loop3A_245, %parallel_loop3A_247 : vector<16xi32>
      %parallel_loop3A_249 = arith.constant 16 : i32
      %parallel_loop3A_250 = vector.broadcast %parallel_loop3A_249 : i32 to vector<16xi32>
      %parallel_loop3A_251 = arith.addi %parallel_loop3A_245, %parallel_loop3A_250 : vector<16xi32>
      %parallel_loop3A_252 = arith.select %parallel_loop3A_248, %parallel_loop3A_251, %parallel_loop3A_245 : vector<16xi1>, vector<16xi32>
      %parallel_loop3A_253 = vector.shape_cast %parallel_loop3A_252 : vector<16xi32> to vector<16x1xi32>
      %parallel_loop3A_254 = vector.shape_cast %parallel_loop3A_253 : vector<16x1xi32> to vector<16xi32>
      %parallel_loop3A_255 = tpu.dynamic_gather %parallel_loop3A_75[%parallel_loop3A_254] in [0] : vector<16xf32>, vector<16xi32> -> vector<16xf32>
      %parallel_loop3A_256 = arith.constant 16 : i32
      %parallel_loop3A_257 = arith.muli %parallel_loop3A_69, %parallel_loop3A_256 : i32
      %parallel_loop3A_258 = arith.constant 7 : i32
      %parallel_loop3A_259 = arith.addi %parallel_loop3A_257, %parallel_loop3A_258 : i32
      %parallel_loop3A_260 = arith.cmpf ogt, %parallel_loop3A_255, %get3A_8 : vector<16xf32>
      %parallel_loop3A_261 = arith.cmpf oeq, %parallel_loop3A_255, %get3A_8 : vector<16xf32>
      %parallel_loop3A_262 = vector.broadcast %parallel_loop3A_259 : i32 to vector<16xi32>
      %parallel_loop3A_263 = arith.cmpi sgt, %parallel_loop3A_262, %add3A_10 : vector<16xi32>
      %parallel_loop3A_264 = arith.andi %parallel_loop3A_261, %parallel_loop3A_263 : vector<16xi1>
      %parallel_loop3A_265 = arith.ori %parallel_loop3A_260, %parallel_loop3A_264 : vector<16xi1>
      %parallel_loop3A_266 = arith.select %parallel_loop3A_265, %broadcast_in_dim3A_0, %broadcast_in_dim3A_2 : vector<16xi1>, vector<16xi32>
      %parallel_loop3A_267 = arith.addi %parallel_loop3A_243, %parallel_loop3A_266 : vector<16xi32>
      %parallel_loop3A_268 = arith.constant 8 : i32
      %parallel_loop3A_269 = vector.broadcast %parallel_loop3A_268 : i32 to vector<16xi32>
      %parallel_loop3A_270 = arith.constant 0 : i32
      %parallel_loop3A_271 = vector.broadcast %parallel_loop3A_270 : i32 to vector<16xi32>
      %parallel_loop3A_272 = arith.cmpi slt, %parallel_loop3A_269, %parallel_loop3A_271 : vector<16xi32>
      %parallel_loop3A_273 = arith.constant 16 : i32
      %parallel_loop3A_274 = vector.broadcast %parallel_loop3A_273 : i32 to vector<16xi32>
      %parallel_loop3A_275 = arith.addi %parallel_loop3A_269, %parallel_loop3A_274 : vector<16xi32>
      %parallel_loop3A_276 = arith.select %parallel_loop3A_272, %parallel_loop3A_275, %parallel_loop3A_269 : vector<16xi1>, vector<16xi32>
      %parallel_loop3A_277 = vector.shape_cast %parallel_loop3A_276 : vector<16xi32> to vector<16x1xi32>
      %parallel_loop3A_278 = vector.shape_cast %parallel_loop3A_277 : vector<16x1xi32> to vector<16xi32>
      %parallel_loop3A_279 = tpu.dynamic_gather %parallel_loop3A_75[%parallel_loop3A_278] in [0] : vector<16xf32>, vector<16xi32> -> vector<16xf32>
      %parallel_loop3A_280 = arith.constant 16 : i32
      %parallel_loop3A_281 = arith.muli %parallel_loop3A_69, %parallel_loop3A_280 : i32
      %parallel_loop3A_282 = arith.constant 8 : i32
      %parallel_loop3A_283 = arith.addi %parallel_loop3A_281, %parallel_loop3A_282 : i32
      %parallel_loop3A_284 = arith.cmpf ogt, %parallel_loop3A_279, %get3A_8 : vector<16xf32>
      %parallel_loop3A_285 = arith.cmpf oeq, %parallel_loop3A_279, %get3A_8 : vector<16xf32>
      %parallel_loop3A_286 = vector.broadcast %parallel_loop3A_283 : i32 to vector<16xi32>
      %parallel_loop3A_287 = arith.cmpi sgt, %parallel_loop3A_286, %add3A_10 : vector<16xi32>
      %parallel_loop3A_288 = arith.andi %parallel_loop3A_285, %parallel_loop3A_287 : vector<16xi1>
      %parallel_loop3A_289 = arith.ori %parallel_loop3A_284, %parallel_loop3A_288 : vector<16xi1>
      %parallel_loop3A_290 = arith.select %parallel_loop3A_289, %broadcast_in_dim3A_0, %broadcast_in_dim3A_2 : vector<16xi1>, vector<16xi32>
      %parallel_loop3A_291 = arith.addi %parallel_loop3A_267, %parallel_loop3A_290 : vector<16xi32>
      %parallel_loop3A_292 = arith.constant 9 : i32
      %parallel_loop3A_293 = vector.broadcast %parallel_loop3A_292 : i32 to vector<16xi32>
      %parallel_loop3A_294 = arith.constant 0 : i32
      %parallel_loop3A_295 = vector.broadcast %parallel_loop3A_294 : i32 to vector<16xi32>
      %parallel_loop3A_296 = arith.cmpi slt, %parallel_loop3A_293, %parallel_loop3A_295 : vector<16xi32>
      %parallel_loop3A_297 = arith.constant 16 : i32
      %parallel_loop3A_298 = vector.broadcast %parallel_loop3A_297 : i32 to vector<16xi32>
      %parallel_loop3A_299 = arith.addi %parallel_loop3A_293, %parallel_loop3A_298 : vector<16xi32>
      %parallel_loop3A_300 = arith.select %parallel_loop3A_296, %parallel_loop3A_299, %parallel_loop3A_293 : vector<16xi1>, vector<16xi32>
      %parallel_loop3A_301 = vector.shape_cast %parallel_loop3A_300 : vector<16xi32> to vector<16x1xi32>
      %parallel_loop3A_302 = vector.shape_cast %parallel_loop3A_301 : vector<16x1xi32> to vector<16xi32>
      %parallel_loop3A_303 = tpu.dynamic_gather %parallel_loop3A_75[%parallel_loop3A_302] in [0] : vector<16xf32>, vector<16xi32> -> vector<16xf32>
      %parallel_loop3A_304 = arith.constant 16 : i32
      %parallel_loop3A_305 = arith.muli %parallel_loop3A_69, %parallel_loop3A_304 : i32
      %parallel_loop3A_306 = arith.constant 9 : i32
      %parallel_loop3A_307 = arith.addi %parallel_loop3A_305, %parallel_loop3A_306 : i32
      %parallel_loop3A_308 = arith.cmpf ogt, %parallel_loop3A_303, %get3A_8 : vector<16xf32>
      %parallel_loop3A_309 = arith.cmpf oeq, %parallel_loop3A_303, %get3A_8 : vector<16xf32>
      %parallel_loop3A_310 = vector.broadcast %parallel_loop3A_307 : i32 to vector<16xi32>
      %parallel_loop3A_311 = arith.cmpi sgt, %parallel_loop3A_310, %add3A_10 : vector<16xi32>
      %parallel_loop3A_312 = arith.andi %parallel_loop3A_309, %parallel_loop3A_311 : vector<16xi1>
      %parallel_loop3A_313 = arith.ori %parallel_loop3A_308, %parallel_loop3A_312 : vector<16xi1>
      %parallel_loop3A_314 = arith.select %parallel_loop3A_313, %broadcast_in_dim3A_0, %broadcast_in_dim3A_2 : vector<16xi1>, vector<16xi32>
      %parallel_loop3A_315 = arith.addi %parallel_loop3A_291, %parallel_loop3A_314 : vector<16xi32>
      %parallel_loop3A_316 = arith.constant 10 : i32
      %parallel_loop3A_317 = vector.broadcast %parallel_loop3A_316 : i32 to vector<16xi32>
      %parallel_loop3A_318 = arith.constant 0 : i32
      %parallel_loop3A_319 = vector.broadcast %parallel_loop3A_318 : i32 to vector<16xi32>
      %parallel_loop3A_320 = arith.cmpi slt, %parallel_loop3A_317, %parallel_loop3A_319 : vector<16xi32>
      %parallel_loop3A_321 = arith.constant 16 : i32
      %parallel_loop3A_322 = vector.broadcast %parallel_loop3A_321 : i32 to vector<16xi32>
      %parallel_loop3A_323 = arith.addi %parallel_loop3A_317, %parallel_loop3A_322 : vector<16xi32>
      %parallel_loop3A_324 = arith.select %parallel_loop3A_320, %parallel_loop3A_323, %parallel_loop3A_317 : vector<16xi1>, vector<16xi32>
      %parallel_loop3A_325 = vector.shape_cast %parallel_loop3A_324 : vector<16xi32> to vector<16x1xi32>
      %parallel_loop3A_326 = vector.shape_cast %parallel_loop3A_325 : vector<16x1xi32> to vector<16xi32>
      %parallel_loop3A_327 = tpu.dynamic_gather %parallel_loop3A_75[%parallel_loop3A_326] in [0] : vector<16xf32>, vector<16xi32> -> vector<16xf32>
      %parallel_loop3A_328 = arith.constant 16 : i32
      %parallel_loop3A_329 = arith.muli %parallel_loop3A_69, %parallel_loop3A_328 : i32
      %parallel_loop3A_330 = arith.constant 10 : i32
      %parallel_loop3A_331 = arith.addi %parallel_loop3A_329, %parallel_loop3A_330 : i32
      %parallel_loop3A_332 = arith.cmpf ogt, %parallel_loop3A_327, %get3A_8 : vector<16xf32>
      %parallel_loop3A_333 = arith.cmpf oeq, %parallel_loop3A_327, %get3A_8 : vector<16xf32>
      %parallel_loop3A_334 = vector.broadcast %parallel_loop3A_331 : i32 to vector<16xi32>
      %parallel_loop3A_335 = arith.cmpi sgt, %parallel_loop3A_334, %add3A_10 : vector<16xi32>
      %parallel_loop3A_336 = arith.andi %parallel_loop3A_333, %parallel_loop3A_335 : vector<16xi1>
      %parallel_loop3A_337 = arith.ori %parallel_loop3A_332, %parallel_loop3A_336 : vector<16xi1>
      %parallel_loop3A_338 = arith.select %parallel_loop3A_337, %broadcast_in_dim3A_0, %broadcast_in_dim3A_2 : vector<16xi1>, vector<16xi32>
      %parallel_loop3A_339 = arith.addi %parallel_loop3A_315, %parallel_loop3A_338 : vector<16xi32>
      %parallel_loop3A_340 = arith.constant 11 : i32
      %parallel_loop3A_341 = vector.broadcast %parallel_loop3A_340 : i32 to vector<16xi32>
      %parallel_loop3A_342 = arith.constant 0 : i32
      %parallel_loop3A_343 = vector.broadcast %parallel_loop3A_342 : i32 to vector<16xi32>
      %parallel_loop3A_344 = arith.cmpi slt, %parallel_loop3A_341, %parallel_loop3A_343 : vector<16xi32>
      %parallel_loop3A_345 = arith.constant 16 : i32
      %parallel_loop3A_346 = vector.broadcast %parallel_loop3A_345 : i32 to vector<16xi32>
      %parallel_loop3A_347 = arith.addi %parallel_loop3A_341, %parallel_loop3A_346 : vector<16xi32>
      %parallel_loop3A_348 = arith.select %parallel_loop3A_344, %parallel_loop3A_347, %parallel_loop3A_341 : vector<16xi1>, vector<16xi32>
      %parallel_loop3A_349 = vector.shape_cast %parallel_loop3A_348 : vector<16xi32> to vector<16x1xi32>
      %parallel_loop3A_350 = vector.shape_cast %parallel_loop3A_349 : vector<16x1xi32> to vector<16xi32>
      %parallel_loop3A_351 = tpu.dynamic_gather %parallel_loop3A_75[%parallel_loop3A_350] in [0] : vector<16xf32>, vector<16xi32> -> vector<16xf32>
      %parallel_loop3A_352 = arith.constant 16 : i32
      %parallel_loop3A_353 = arith.muli %parallel_loop3A_69, %parallel_loop3A_352 : i32
      %parallel_loop3A_354 = arith.constant 11 : i32
      %parallel_loop3A_355 = arith.addi %parallel_loop3A_353, %parallel_loop3A_354 : i32
      %parallel_loop3A_356 = arith.cmpf ogt, %parallel_loop3A_351, %get3A_8 : vector<16xf32>
      %parallel_loop3A_357 = arith.cmpf oeq, %parallel_loop3A_351, %get3A_8 : vector<16xf32>
      %parallel_loop3A_358 = vector.broadcast %parallel_loop3A_355 : i32 to vector<16xi32>
      %parallel_loop3A_359 = arith.cmpi sgt, %parallel_loop3A_358, %add3A_10 : vector<16xi32>
      %parallel_loop3A_360 = arith.andi %parallel_loop3A_357, %parallel_loop3A_359 : vector<16xi1>
      %parallel_loop3A_361 = arith.ori %parallel_loop3A_356, %parallel_loop3A_360 : vector<16xi1>
      %parallel_loop3A_362 = arith.select %parallel_loop3A_361, %broadcast_in_dim3A_0, %broadcast_in_dim3A_2 : vector<16xi1>, vector<16xi32>
      %parallel_loop3A_363 = arith.addi %parallel_loop3A_339, %parallel_loop3A_362 : vector<16xi32>
      %parallel_loop3A_364 = arith.constant 12 : i32
      %parallel_loop3A_365 = vector.broadcast %parallel_loop3A_364 : i32 to vector<16xi32>
      %parallel_loop3A_366 = arith.constant 0 : i32
      %parallel_loop3A_367 = vector.broadcast %parallel_loop3A_366 : i32 to vector<16xi32>
      %parallel_loop3A_368 = arith.cmpi slt, %parallel_loop3A_365, %parallel_loop3A_367 : vector<16xi32>
      %parallel_loop3A_369 = arith.constant 16 : i32
      %parallel_loop3A_370 = vector.broadcast %parallel_loop3A_369 : i32 to vector<16xi32>
      %parallel_loop3A_371 = arith.addi %parallel_loop3A_365, %parallel_loop3A_370 : vector<16xi32>
      %parallel_loop3A_372 = arith.select %parallel_loop3A_368, %parallel_loop3A_371, %parallel_loop3A_365 : vector<16xi1>, vector<16xi32>
      %parallel_loop3A_373 = vector.shape_cast %parallel_loop3A_372 : vector<16xi32> to vector<16x1xi32>
      %parallel_loop3A_374 = vector.shape_cast %parallel_loop3A_373 : vector<16x1xi32> to vector<16xi32>
      %parallel_loop3A_375 = tpu.dynamic_gather %parallel_loop3A_75[%parallel_loop3A_374] in [0] : vector<16xf32>, vector<16xi32> -> vector<16xf32>
      %parallel_loop3A_376 = arith.constant 16 : i32
      %parallel_loop3A_377 = arith.muli %parallel_loop3A_69, %parallel_loop3A_376 : i32
      %parallel_loop3A_378 = arith.constant 12 : i32
      %parallel_loop3A_379 = arith.addi %parallel_loop3A_377, %parallel_loop3A_378 : i32
      %parallel_loop3A_380 = arith.cmpf ogt, %parallel_loop3A_375, %get3A_8 : vector<16xf32>
      %parallel_loop3A_381 = arith.cmpf oeq, %parallel_loop3A_375, %get3A_8 : vector<16xf32>
      %parallel_loop3A_382 = vector.broadcast %parallel_loop3A_379 : i32 to vector<16xi32>
      %parallel_loop3A_383 = arith.cmpi sgt, %parallel_loop3A_382, %add3A_10 : vector<16xi32>
      %parallel_loop3A_384 = arith.andi %parallel_loop3A_381, %parallel_loop3A_383 : vector<16xi1>
      %parallel_loop3A_385 = arith.ori %parallel_loop3A_380, %parallel_loop3A_384 : vector<16xi1>
      %parallel_loop3A_386 = arith.select %parallel_loop3A_385, %broadcast_in_dim3A_0, %broadcast_in_dim3A_2 : vector<16xi1>, vector<16xi32>
      %parallel_loop3A_387 = arith.addi %parallel_loop3A_363, %parallel_loop3A_386 : vector<16xi32>
      %parallel_loop3A_388 = arith.constant 13 : i32
      %parallel_loop3A_389 = vector.broadcast %parallel_loop3A_388 : i32 to vector<16xi32>
      %parallel_loop3A_390 = arith.constant 0 : i32
      %parallel_loop3A_391 = vector.broadcast %parallel_loop3A_390 : i32 to vector<16xi32>
      %parallel_loop3A_392 = arith.cmpi slt, %parallel_loop3A_389, %parallel_loop3A_391 : vector<16xi32>
      %parallel_loop3A_393 = arith.constant 16 : i32
      %parallel_loop3A_394 = vector.broadcast %parallel_loop3A_393 : i32 to vector<16xi32>
      %parallel_loop3A_395 = arith.addi %parallel_loop3A_389, %parallel_loop3A_394 : vector<16xi32>
      %parallel_loop3A_396 = arith.select %parallel_loop3A_392, %parallel_loop3A_395, %parallel_loop3A_389 : vector<16xi1>, vector<16xi32>
      %parallel_loop3A_397 = vector.shape_cast %parallel_loop3A_396 : vector<16xi32> to vector<16x1xi32>
      %parallel_loop3A_398 = vector.shape_cast %parallel_loop3A_397 : vector<16x1xi32> to vector<16xi32>
      %parallel_loop3A_399 = tpu.dynamic_gather %parallel_loop3A_75[%parallel_loop3A_398] in [0] : vector<16xf32>, vector<16xi32> -> vector<16xf32>
      %parallel_loop3A_400 = arith.constant 16 : i32
      %parallel_loop3A_401 = arith.muli %parallel_loop3A_69, %parallel_loop3A_400 : i32
      %parallel_loop3A_402 = arith.constant 13 : i32
      %parallel_loop3A_403 = arith.addi %parallel_loop3A_401, %parallel_loop3A_402 : i32
      %parallel_loop3A_404 = arith.cmpf ogt, %parallel_loop3A_399, %get3A_8 : vector<16xf32>
      %parallel_loop3A_405 = arith.cmpf oeq, %parallel_loop3A_399, %get3A_8 : vector<16xf32>
      %parallel_loop3A_406 = vector.broadcast %parallel_loop3A_403 : i32 to vector<16xi32>
      %parallel_loop3A_407 = arith.cmpi sgt, %parallel_loop3A_406, %add3A_10 : vector<16xi32>
      %parallel_loop3A_408 = arith.andi %parallel_loop3A_405, %parallel_loop3A_407 : vector<16xi1>
      %parallel_loop3A_409 = arith.ori %parallel_loop3A_404, %parallel_loop3A_408 : vector<16xi1>
      %parallel_loop3A_410 = arith.select %parallel_loop3A_409, %broadcast_in_dim3A_0, %broadcast_in_dim3A_2 : vector<16xi1>, vector<16xi32>
      %parallel_loop3A_411 = arith.addi %parallel_loop3A_387, %parallel_loop3A_410 : vector<16xi32>
      %parallel_loop3A_412 = arith.constant 14 : i32
      %parallel_loop3A_413 = vector.broadcast %parallel_loop3A_412 : i32 to vector<16xi32>
      %parallel_loop3A_414 = arith.constant 0 : i32
      %parallel_loop3A_415 = vector.broadcast %parallel_loop3A_414 : i32 to vector<16xi32>
      %parallel_loop3A_416 = arith.cmpi slt, %parallel_loop3A_413, %parallel_loop3A_415 : vector<16xi32>
      %parallel_loop3A_417 = arith.constant 16 : i32
      %parallel_loop3A_418 = vector.broadcast %parallel_loop3A_417 : i32 to vector<16xi32>
      %parallel_loop3A_419 = arith.addi %parallel_loop3A_413, %parallel_loop3A_418 : vector<16xi32>
      %parallel_loop3A_420 = arith.select %parallel_loop3A_416, %parallel_loop3A_419, %parallel_loop3A_413 : vector<16xi1>, vector<16xi32>
      %parallel_loop3A_421 = vector.shape_cast %parallel_loop3A_420 : vector<16xi32> to vector<16x1xi32>
      %parallel_loop3A_422 = vector.shape_cast %parallel_loop3A_421 : vector<16x1xi32> to vector<16xi32>
      %parallel_loop3A_423 = tpu.dynamic_gather %parallel_loop3A_75[%parallel_loop3A_422] in [0] : vector<16xf32>, vector<16xi32> -> vector<16xf32>
      %parallel_loop3A_424 = arith.constant 16 : i32
      %parallel_loop3A_425 = arith.muli %parallel_loop3A_69, %parallel_loop3A_424 : i32
      %parallel_loop3A_426 = arith.constant 14 : i32
      %parallel_loop3A_427 = arith.addi %parallel_loop3A_425, %parallel_loop3A_426 : i32
      %parallel_loop3A_428 = arith.cmpf ogt, %parallel_loop3A_423, %get3A_8 : vector<16xf32>
      %parallel_loop3A_429 = arith.cmpf oeq, %parallel_loop3A_423, %get3A_8 : vector<16xf32>
      %parallel_loop3A_430 = vector.broadcast %parallel_loop3A_427 : i32 to vector<16xi32>
      %parallel_loop3A_431 = arith.cmpi sgt, %parallel_loop3A_430, %add3A_10 : vector<16xi32>
      %parallel_loop3A_432 = arith.andi %parallel_loop3A_429, %parallel_loop3A_431 : vector<16xi1>
      %parallel_loop3A_433 = arith.ori %parallel_loop3A_428, %parallel_loop3A_432 : vector<16xi1>
      %parallel_loop3A_434 = arith.select %parallel_loop3A_433, %broadcast_in_dim3A_0, %broadcast_in_dim3A_2 : vector<16xi1>, vector<16xi32>
      %parallel_loop3A_435 = arith.addi %parallel_loop3A_411, %parallel_loop3A_434 : vector<16xi32>
      %parallel_loop3A_436 = arith.constant 15 : i32
      %parallel_loop3A_437 = vector.broadcast %parallel_loop3A_436 : i32 to vector<16xi32>
      %parallel_loop3A_438 = arith.constant 0 : i32
      %parallel_loop3A_439 = vector.broadcast %parallel_loop3A_438 : i32 to vector<16xi32>
      %parallel_loop3A_440 = arith.cmpi slt, %parallel_loop3A_437, %parallel_loop3A_439 : vector<16xi32>
      %parallel_loop3A_441 = arith.constant 16 : i32
      %parallel_loop3A_442 = vector.broadcast %parallel_loop3A_441 : i32 to vector<16xi32>
      %parallel_loop3A_443 = arith.addi %parallel_loop3A_437, %parallel_loop3A_442 : vector<16xi32>
      %parallel_loop3A_444 = arith.select %parallel_loop3A_440, %parallel_loop3A_443, %parallel_loop3A_437 : vector<16xi1>, vector<16xi32>
      %parallel_loop3A_445 = vector.shape_cast %parallel_loop3A_444 : vector<16xi32> to vector<16x1xi32>
      %parallel_loop3A_446 = vector.shape_cast %parallel_loop3A_445 : vector<16x1xi32> to vector<16xi32>
      %parallel_loop3A_447 = tpu.dynamic_gather %parallel_loop3A_75[%parallel_loop3A_446] in [0] : vector<16xf32>, vector<16xi32> -> vector<16xf32>
      %parallel_loop3A_448 = arith.constant 16 : i32
      %parallel_loop3A_449 = arith.muli %parallel_loop3A_69, %parallel_loop3A_448 : i32
      %parallel_loop3A_450 = arith.constant 15 : i32
      %parallel_loop3A_451 = arith.addi %parallel_loop3A_449, %parallel_loop3A_450 : i32
      %parallel_loop3A_452 = arith.cmpf ogt, %parallel_loop3A_447, %get3A_8 : vector<16xf32>
      %parallel_loop3A_453 = arith.cmpf oeq, %parallel_loop3A_447, %get3A_8 : vector<16xf32>
      %parallel_loop3A_454 = vector.broadcast %parallel_loop3A_451 : i32 to vector<16xi32>
      %parallel_loop3A_455 = arith.cmpi sgt, %parallel_loop3A_454, %add3A_10 : vector<16xi32>
      %parallel_loop3A_456 = arith.andi %parallel_loop3A_453, %parallel_loop3A_455 : vector<16xi1>
      %parallel_loop3A_457 = arith.ori %parallel_loop3A_452, %parallel_loop3A_456 : vector<16xi1>
      %parallel_loop3A_458 = arith.select %parallel_loop3A_457, %broadcast_in_dim3A_0, %broadcast_in_dim3A_2 : vector<16xi1>, vector<16xi32>
      %parallel_loop3A_459 = arith.addi %parallel_loop3A_435, %parallel_loop3A_458 : vector<16xi32>
      scf.yield %parallel_loop3A_459 : vector<16xi32>
    } {sc.loop_unroll_factor = 4 : i64, sc.parallel_access}
    %swap3A = arith.constant 0 : index
    %swap3A_14 = tpu.vector_load %arg5[%swap3A] {strides = array<i32>} : memref<48xi32, #tpu.memory_space<vmem>>, vector<16xi32>,
    %swap3A_15 = vector.shape_cast %swap3A_14 : vector<16xi32> to vector<16xi32>
    %swap3A_16 = vector.shape_cast %parallel_loop3A_13 : vector<16xi32> to vector<16xi32>
    tpu.vector_store %arg5[%swap3A], %swap3A_16 {strides = array<i32>} : memref<48xi32, #tpu.memory_space<vmem>>, vector<16xi32>,
    %swap3A_17 = arith.constant 0 : index
    %swap3A_18 = tpu.vector_load %arg6[%swap3A_17] {strides = array<i32>} : memref<48xi32, #tpu.memory_space<vmem>>, vector<16xi32>,
    %swap3A_19 = vector.shape_cast %swap3A_18 : vector<16xi32> to vector<16xi32>
    %swap3A_20 = vector.shape_cast %add3A_10 : vector<16xi32> to vector<16xi32>
    tpu.vector_store %arg6[%swap3A_17], %swap3A_20 {strides = array<i32>} : memref<48xi32, #tpu.memory_space<vmem>>, vector<16xi32>,
    %mul3A_21 = arith.constant 3 : i32
    %mul3A_22 = arith.muli %arg1, %mul3A_21 : i32
    %add3A_23 = arith.constant 1 : i32
    %add3A_24 = arith.addi %mul3A_22, %add3A_23 : i32
    %mul3A_25 = arith.constant 16 : i32
    %mul3A_26 = arith.muli %add3A_24, %mul3A_25 : i32
    %get3A_27 = arith.index_cast %mul3A_26 : i32 to index
    %get3A_28 = tpu.vector_load %arg4[%get3A_27] {strides = array<i32>} : memref<768xf32, #tpu.memory_space<vmem>>, vector<16xf32>,
    %get3A_29 = vector.shape_cast %get3A_28 : vector<16xf32> to vector<16xf32>
    %add3A_30 = vector.broadcast %mul3A_26 : i32 to vector<16xi32>
    %add3A_31 = arith.addi %iota3A, %add3A_30 : vector<16xi32>
    %parallel_loop3A_32 = arith.constant 0 : i32
    %parallel_loop3A_33 = arith.constant 48 : i32
    %parallel_loop3A_34 = arith.constant 1 : i32
    %parallel_loop3A_35 = scf.for %parallel_loop3A_69 = %parallel_loop3A_32 to %parallel_loop3A_33 step %parallel_loop3A_34 iter_args(%parallel_loop3A_70 = %broadcast_in_dim3A_2) -> (vector<16xi32>)  : i32 {
      %parallel_loop3A_71 = arith.constant 16 : i32
      %parallel_loop3A_72 = arith.muli %parallel_loop3A_69, %parallel_loop3A_71 : i32
      %parallel_loop3A_73 = arith.index_cast %parallel_loop3A_72 : i32 to index
      %parallel_loop3A_74 = tpu.vector_load %arg4[%parallel_loop3A_73] {strides = array<i32>} : memref<768xf32, #tpu.memory_space<vmem>>, vector<16xf32>,
      %parallel_loop3A_75 = vector.shape_cast %parallel_loop3A_74 : vector<16xf32> to vector<16xf32>
      %parallel_loop3A_76 = arith.constant 0 : i32
      %parallel_loop3A_77 = vector.broadcast %parallel_loop3A_76 : i32 to vector<16xi32>
      %parallel_loop3A_78 = arith.constant 0 : i32
      %parallel_loop3A_79 = vector.broadcast %parallel_loop3A_78 : i32 to vector<16xi32>
      %parallel_loop3A_80 = arith.cmpi slt, %parallel_loop3A_77, %parallel_loop3A_79 : vector<16xi32>
      %parallel_loop3A_81 = arith.constant 16 : i32
      %parallel_loop3A_82 = vector.broadcast %parallel_loop3A_81 : i32 to vector<16xi32>
      %parallel_loop3A_83 = arith.addi %parallel_loop3A_77, %parallel_loop3A_82 : vector<16xi32>
      %parallel_loop3A_84 = arith.select %parallel_loop3A_80, %parallel_loop3A_83, %parallel_loop3A_77 : vector<16xi1>, vector<16xi32>
      %parallel_loop3A_85 = vector.shape_cast %parallel_loop3A_84 : vector<16xi32> to vector<16x1xi32>
      %parallel_loop3A_86 = vector.shape_cast %parallel_loop3A_85 : vector<16x1xi32> to vector<16xi32>
      %parallel_loop3A_87 = tpu.dynamic_gather %parallel_loop3A_75[%parallel_loop3A_86] in [0] : vector<16xf32>, vector<16xi32> -> vector<16xf32>
      %parallel_loop3A_88 = arith.constant 16 : i32
      %parallel_loop3A_89 = arith.muli %parallel_loop3A_69, %parallel_loop3A_88 : i32
      %parallel_loop3A_90 = arith.constant 0 : i32
      %parallel_loop3A_91 = arith.addi %parallel_loop3A_89, %parallel_loop3A_90 : i32
      %parallel_loop3A_92 = arith.cmpf ogt, %parallel_loop3A_87, %get3A_29 : vector<16xf32>
      %parallel_loop3A_93 = arith.cmpf oeq, %parallel_loop3A_87, %get3A_29 : vector<16xf32>
      %parallel_loop3A_94 = vector.broadcast %parallel_loop3A_91 : i32 to vector<16xi32>
      %parallel_loop3A_95 = arith.cmpi sgt, %parallel_loop3A_94, %add3A_31 : vector<16xi32>
      %parallel_loop3A_96 = arith.andi %parallel_loop3A_93, %parallel_loop3A_95 : vector<16xi1>
      %parallel_loop3A_97 = arith.ori %parallel_loop3A_92, %parallel_loop3A_96 : vector<16xi1>
      %parallel_loop3A_98 = arith.select %parallel_loop3A_97, %broadcast_in_dim3A_0, %broadcast_in_dim3A_2 : vector<16xi1>, vector<16xi32>
      %parallel_loop3A_99 = arith.addi %parallel_loop3A_70, %parallel_loop3A_98 : vector<16xi32>
      %parallel_loop3A_100 = arith.constant 1 : i32
      %parallel_loop3A_101 = vector.broadcast %parallel_loop3A_100 : i32 to vector<16xi32>
      %parallel_loop3A_102 = arith.constant 0 : i32
      %parallel_loop3A_103 = vector.broadcast %parallel_loop3A_102 : i32 to vector<16xi32>
      %parallel_loop3A_104 = arith.cmpi slt, %parallel_loop3A_101, %parallel_loop3A_103 : vector<16xi32>
      %parallel_loop3A_105 = arith.constant 16 : i32
      %parallel_loop3A_106 = vector.broadcast %parallel_loop3A_105 : i32 to vector<16xi32>
      %parallel_loop3A_107 = arith.addi %parallel_loop3A_101, %parallel_loop3A_106 : vector<16xi32>
      %parallel_loop3A_108 = arith.select %parallel_loop3A_104, %parallel_loop3A_107, %parallel_loop3A_101 : vector<16xi1>, vector<16xi32>
      %parallel_loop3A_109 = vector.shape_cast %parallel_loop3A_108 : vector<16xi32> to vector<16x1xi32>
      %parallel_loop3A_110 = vector.shape_cast %parallel_loop3A_109 : vector<16x1xi32> to vector<16xi32>
      %parallel_loop3A_111 = tpu.dynamic_gather %parallel_loop3A_75[%parallel_loop3A_110] in [0] : vector<16xf32>, vector<16xi32> -> vector<16xf32>
      %parallel_loop3A_112 = arith.constant 16 : i32
      %parallel_loop3A_113 = arith.muli %parallel_loop3A_69, %parallel_loop3A_112 : i32
      %parallel_loop3A_114 = arith.constant 1 : i32
      %parallel_loop3A_115 = arith.addi %parallel_loop3A_113, %parallel_loop3A_114 : i32
      %parallel_loop3A_116 = arith.cmpf ogt, %parallel_loop3A_111, %get3A_29 : vector<16xf32>
      %parallel_loop3A_117 = arith.cmpf oeq, %parallel_loop3A_111, %get3A_29 : vector<16xf32>
      %parallel_loop3A_118 = vector.broadcast %parallel_loop3A_115 : i32 to vector<16xi32>
      %parallel_loop3A_119 = arith.cmpi sgt, %parallel_loop3A_118, %add3A_31 : vector<16xi32>
      %parallel_loop3A_120 = arith.andi %parallel_loop3A_117, %parallel_loop3A_119 : vector<16xi1>
      %parallel_loop3A_121 = arith.ori %parallel_loop3A_116, %parallel_loop3A_120 : vector<16xi1>
      %parallel_loop3A_122 = arith.select %parallel_loop3A_121, %broadcast_in_dim3A_0, %broadcast_in_dim3A_2 : vector<16xi1>, vector<16xi32>
      %parallel_loop3A_123 = arith.addi %parallel_loop3A_99, %parallel_loop3A_122 : vector<16xi32>
      %parallel_loop3A_124 = arith.constant 2 : i32
      %parallel_loop3A_125 = vector.broadcast %parallel_loop3A_124 : i32 to vector<16xi32>
      %parallel_loop3A_126 = arith.constant 0 : i32
      %parallel_loop3A_127 = vector.broadcast %parallel_loop3A_126 : i32 to vector<16xi32>
      %parallel_loop3A_128 = arith.cmpi slt, %parallel_loop3A_125, %parallel_loop3A_127 : vector<16xi32>
      %parallel_loop3A_129 = arith.constant 16 : i32
      %parallel_loop3A_130 = vector.broadcast %parallel_loop3A_129 : i32 to vector<16xi32>
      %parallel_loop3A_131 = arith.addi %parallel_loop3A_125, %parallel_loop3A_130 : vector<16xi32>
      %parallel_loop3A_132 = arith.select %parallel_loop3A_128, %parallel_loop3A_131, %parallel_loop3A_125 : vector<16xi1>, vector<16xi32>
      %parallel_loop3A_133 = vector.shape_cast %parallel_loop3A_132 : vector<16xi32> to vector<16x1xi32>
      %parallel_loop3A_134 = vector.shape_cast %parallel_loop3A_133 : vector<16x1xi32> to vector<16xi32>
      %parallel_loop3A_135 = tpu.dynamic_gather %parallel_loop3A_75[%parallel_loop3A_134] in [0] : vector<16xf32>, vector<16xi32> -> vector<16xf32>
      %parallel_loop3A_136 = arith.constant 16 : i32
      %parallel_loop3A_137 = arith.muli %parallel_loop3A_69, %parallel_loop3A_136 : i32
      %parallel_loop3A_138 = arith.constant 2 : i32
      %parallel_loop3A_139 = arith.addi %parallel_loop3A_137, %parallel_loop3A_138 : i32
      %parallel_loop3A_140 = arith.cmpf ogt, %parallel_loop3A_135, %get3A_29 : vector<16xf32>
      %parallel_loop3A_141 = arith.cmpf oeq, %parallel_loop3A_135, %get3A_29 : vector<16xf32>
      %parallel_loop3A_142 = vector.broadcast %parallel_loop3A_139 : i32 to vector<16xi32>
      %parallel_loop3A_143 = arith.cmpi sgt, %parallel_loop3A_142, %add3A_31 : vector<16xi32>
      %parallel_loop3A_144 = arith.andi %parallel_loop3A_141, %parallel_loop3A_143 : vector<16xi1>
      %parallel_loop3A_145 = arith.ori %parallel_loop3A_140, %parallel_loop3A_144 : vector<16xi1>
      %parallel_loop3A_146 = arith.select %parallel_loop3A_145, %broadcast_in_dim3A_0, %broadcast_in_dim3A_2 : vector<16xi1>, vector<16xi32>
      %parallel_loop3A_147 = arith.addi %parallel_loop3A_123, %parallel_loop3A_146 : vector<16xi32>
      %parallel_loop3A_148 = arith.constant 3 : i32
      %parallel_loop3A_149 = vector.broadcast %parallel_loop3A_148 : i32 to vector<16xi32>
      %parallel_loop3A_150 = arith.constant 0 : i32
      %parallel_loop3A_151 = vector.broadcast %parallel_loop3A_150 : i32 to vector<16xi32>
      %parallel_loop3A_152 = arith.cmpi slt, %parallel_loop3A_149, %parallel_loop3A_151 : vector<16xi32>
      %parallel_loop3A_153 = arith.constant 16 : i32
      %parallel_loop3A_154 = vector.broadcast %parallel_loop3A_153 : i32 to vector<16xi32>
      %parallel_loop3A_155 = arith.addi %parallel_loop3A_149, %parallel_loop3A_154 : vector<16xi32>
      %parallel_loop3A_156 = arith.select %parallel_loop3A_152, %parallel_loop3A_155, %parallel_loop3A_149 : vector<16xi1>, vector<16xi32>
      %parallel_loop3A_157 = vector.shape_cast %parallel_loop3A_156 : vector<16xi32> to vector<16x1xi32>
      %parallel_loop3A_158 = vector.shape_cast %parallel_loop3A_157 : vector<16x1xi32> to vector<16xi32>
      %parallel_loop3A_159 = tpu.dynamic_gather %parallel_loop3A_75[%parallel_loop3A_158] in [0] : vector<16xf32>, vector<16xi32> -> vector<16xf32>
      %parallel_loop3A_160 = arith.constant 16 : i32
      %parallel_loop3A_161 = arith.muli %parallel_loop3A_69, %parallel_loop3A_160 : i32
      %parallel_loop3A_162 = arith.constant 3 : i32
      %parallel_loop3A_163 = arith.addi %parallel_loop3A_161, %parallel_loop3A_162 : i32
      %parallel_loop3A_164 = arith.cmpf ogt, %parallel_loop3A_159, %get3A_29 : vector<16xf32>
      %parallel_loop3A_165 = arith.cmpf oeq, %parallel_loop3A_159, %get3A_29 : vector<16xf32>
      %parallel_loop3A_166 = vector.broadcast %parallel_loop3A_163 : i32 to vector<16xi32>
      %parallel_loop3A_167 = arith.cmpi sgt, %parallel_loop3A_166, %add3A_31 : vector<16xi32>
      %parallel_loop3A_168 = arith.andi %parallel_loop3A_165, %parallel_loop3A_167 : vector<16xi1>
      %parallel_loop3A_169 = arith.ori %parallel_loop3A_164, %parallel_loop3A_168 : vector<16xi1>
      %parallel_loop3A_170 = arith.select %parallel_loop3A_169, %broadcast_in_dim3A_0, %broadcast_in_dim3A_2 : vector<16xi1>, vector<16xi32>
      %parallel_loop3A_171 = arith.addi %parallel_loop3A_147, %parallel_loop3A_170 : vector<16xi32>
      %parallel_loop3A_172 = arith.constant 4 : i32
      %parallel_loop3A_173 = vector.broadcast %parallel_loop3A_172 : i32 to vector<16xi32>
      %parallel_loop3A_174 = arith.constant 0 : i32
      %parallel_loop3A_175 = vector.broadcast %parallel_loop3A_174 : i32 to vector<16xi32>
      %parallel_loop3A_176 = arith.cmpi slt, %parallel_loop3A_173, %parallel_loop3A_175 : vector<16xi32>
      %parallel_loop3A_177 = arith.constant 16 : i32
      %parallel_loop3A_178 = vector.broadcast %parallel_loop3A_177 : i32 to vector<16xi32>
      %parallel_loop3A_179 = arith.addi %parallel_loop3A_173, %parallel_loop3A_178 : vector<16xi32>
      %parallel_loop3A_180 = arith.select %parallel_loop3A_176, %parallel_loop3A_179, %parallel_loop3A_173 : vector<16xi1>, vector<16xi32>
      %parallel_loop3A_181 = vector.shape_cast %parallel_loop3A_180 : vector<16xi32> to vector<16x1xi32>
      %parallel_loop3A_182 = vector.shape_cast %parallel_loop3A_181 : vector<16x1xi32> to vector<16xi32>
      %parallel_loop3A_183 = tpu.dynamic_gather %parallel_loop3A_75[%parallel_loop3A_182] in [0] : vector<16xf32>, vector<16xi32> -> vector<16xf32>
      %parallel_loop3A_184 = arith.constant 16 : i32
      %parallel_loop3A_185 = arith.muli %parallel_loop3A_69, %parallel_loop3A_184 : i32
      %parallel_loop3A_186 = arith.constant 4 : i32
      %parallel_loop3A_187 = arith.addi %parallel_loop3A_185, %parallel_loop3A_186 : i32
      %parallel_loop3A_188 = arith.cmpf ogt, %parallel_loop3A_183, %get3A_29 : vector<16xf32>
      %parallel_loop3A_189 = arith.cmpf oeq, %parallel_loop3A_183, %get3A_29 : vector<16xf32>
      %parallel_loop3A_190 = vector.broadcast %parallel_loop3A_187 : i32 to vector<16xi32>
      %parallel_loop3A_191 = arith.cmpi sgt, %parallel_loop3A_190, %add3A_31 : vector<16xi32>
      %parallel_loop3A_192 = arith.andi %parallel_loop3A_189, %parallel_loop3A_191 : vector<16xi1>
      %parallel_loop3A_193 = arith.ori %parallel_loop3A_188, %parallel_loop3A_192 : vector<16xi1>
      %parallel_loop3A_194 = arith.select %parallel_loop3A_193, %broadcast_in_dim3A_0, %broadcast_in_dim3A_2 : vector<16xi1>, vector<16xi32>
      %parallel_loop3A_195 = arith.addi %parallel_loop3A_171, %parallel_loop3A_194 : vector<16xi32>
      %parallel_loop3A_196 = arith.constant 5 : i32
      %parallel_loop3A_197 = vector.broadcast %parallel_loop3A_196 : i32 to vector<16xi32>
      %parallel_loop3A_198 = arith.constant 0 : i32
      %parallel_loop3A_199 = vector.broadcast %parallel_loop3A_198 : i32 to vector<16xi32>
      %parallel_loop3A_200 = arith.cmpi slt, %parallel_loop3A_197, %parallel_loop3A_199 : vector<16xi32>
      %parallel_loop3A_201 = arith.constant 16 : i32
      %parallel_loop3A_202 = vector.broadcast %parallel_loop3A_201 : i32 to vector<16xi32>
      %parallel_loop3A_203 = arith.addi %parallel_loop3A_197, %parallel_loop3A_202 : vector<16xi32>
      %parallel_loop3A_204 = arith.select %parallel_loop3A_200, %parallel_loop3A_203, %parallel_loop3A_197 : vector<16xi1>, vector<16xi32>
      %parallel_loop3A_205 = vector.shape_cast %parallel_loop3A_204 : vector<16xi32> to vector<16x1xi32>
      %parallel_loop3A_206 = vector.shape_cast %parallel_loop3A_205 : vector<16x1xi32> to vector<16xi32>
      %parallel_loop3A_207 = tpu.dynamic_gather %parallel_loop3A_75[%parallel_loop3A_206] in [0] : vector<16xf32>, vector<16xi32> -> vector<16xf32>
      %parallel_loop3A_208 = arith.constant 16 : i32
      %parallel_loop3A_209 = arith.muli %parallel_loop3A_69, %parallel_loop3A_208 : i32
      %parallel_loop3A_210 = arith.constant 5 : i32
      %parallel_loop3A_211 = arith.addi %parallel_loop3A_209, %parallel_loop3A_210 : i32
      %parallel_loop3A_212 = arith.cmpf ogt, %parallel_loop3A_207, %get3A_29 : vector<16xf32>
      %parallel_loop3A_213 = arith.cmpf oeq, %parallel_loop3A_207, %get3A_29 : vector<16xf32>
      %parallel_loop3A_214 = vector.broadcast %parallel_loop3A_211 : i32 to vector<16xi32>
      %parallel_loop3A_215 = arith.cmpi sgt, %parallel_loop3A_214, %add3A_31 : vector<16xi32>
      %parallel_loop3A_216 = arith.andi %parallel_loop3A_213, %parallel_loop3A_215 : vector<16xi1>
      %parallel_loop3A_217 = arith.ori %parallel_loop3A_212, %parallel_loop3A_216 : vector<16xi1>
      %parallel_loop3A_218 = arith.select %parallel_loop3A_217, %broadcast_in_dim3A_0, %broadcast_in_dim3A_2 : vector<16xi1>, vector<16xi32>
      %parallel_loop3A_219 = arith.addi %parallel_loop3A_195, %parallel_loop3A_218 : vector<16xi32>
      %parallel_loop3A_220 = arith.constant 6 : i32
      %parallel_loop3A_221 = vector.broadcast %parallel_loop3A_220 : i32 to vector<16xi32>
      %parallel_loop3A_222 = arith.constant 0 : i32
      %parallel_loop3A_223 = vector.broadcast %parallel_loop3A_222 : i32 to vector<16xi32>
      %parallel_loop3A_224 = arith.cmpi slt, %parallel_loop3A_221, %parallel_loop3A_223 : vector<16xi32>
      %parallel_loop3A_225 = arith.constant 16 : i32
      %parallel_loop3A_226 = vector.broadcast %parallel_loop3A_225 : i32 to vector<16xi32>
      %parallel_loop3A_227 = arith.addi %parallel_loop3A_221, %parallel_loop3A_226 : vector<16xi32>
      %parallel_loop3A_228 = arith.select %parallel_loop3A_224, %parallel_loop3A_227, %parallel_loop3A_221 : vector<16xi1>, vector<16xi32>
      %parallel_loop3A_229 = vector.shape_cast %parallel_loop3A_228 : vector<16xi32> to vector<16x1xi32>
      %parallel_loop3A_230 = vector.shape_cast %parallel_loop3A_229 : vector<16x1xi32> to vector<16xi32>
      %parallel_loop3A_231 = tpu.dynamic_gather %parallel_loop3A_75[%parallel_loop3A_230] in [0] : vector<16xf32>, vector<16xi32> -> vector<16xf32>
      %parallel_loop3A_232 = arith.constant 16 : i32
      %parallel_loop3A_233 = arith.muli %parallel_loop3A_69, %parallel_loop3A_232 : i32
      %parallel_loop3A_234 = arith.constant 6 : i32
      %parallel_loop3A_235 = arith.addi %parallel_loop3A_233, %parallel_loop3A_234 : i32
      %parallel_loop3A_236 = arith.cmpf ogt, %parallel_loop3A_231, %get3A_29 : vector<16xf32>
      %parallel_loop3A_237 = arith.cmpf oeq, %parallel_loop3A_231, %get3A_29 : vector<16xf32>
      %parallel_loop3A_238 = vector.broadcast %parallel_loop3A_235 : i32 to vector<16xi32>
      %parallel_loop3A_239 = arith.cmpi sgt, %parallel_loop3A_238, %add3A_31 : vector<16xi32>
      %parallel_loop3A_240 = arith.andi %parallel_loop3A_237, %parallel_loop3A_239 : vector<16xi1>
      %parallel_loop3A_241 = arith.ori %parallel_loop3A_236, %parallel_loop3A_240 : vector<16xi1>
      %parallel_loop3A_242 = arith.select %parallel_loop3A_241, %broadcast_in_dim3A_0, %broadcast_in_dim3A_2 : vector<16xi1>, vector<16xi32>
      %parallel_loop3A_243 = arith.addi %parallel_loop3A_219, %parallel_loop3A_242 : vector<16xi32>
      %parallel_loop3A_244 = arith.constant 7 : i32
      %parallel_loop3A_245 = vector.broadcast %parallel_loop3A_244 : i32 to vector<16xi32>
      %parallel_loop3A_246 = arith.constant 0 : i32
      %parallel_loop3A_247 = vector.broadcast %parallel_loop3A_246 : i32 to vector<16xi32>
      %parallel_loop3A_248 = arith.cmpi slt, %parallel_loop3A_245, %parallel_loop3A_247 : vector<16xi32>
      %parallel_loop3A_249 = arith.constant 16 : i32
      %parallel_loop3A_250 = vector.broadcast %parallel_loop3A_249 : i32 to vector<16xi32>
      %parallel_loop3A_251 = arith.addi %parallel_loop3A_245, %parallel_loop3A_250 : vector<16xi32>
      %parallel_loop3A_252 = arith.select %parallel_loop3A_248, %parallel_loop3A_251, %parallel_loop3A_245 : vector<16xi1>, vector<16xi32>
      %parallel_loop3A_253 = vector.shape_cast %parallel_loop3A_252 : vector<16xi32> to vector<16x1xi32>
      %parallel_loop3A_254 = vector.shape_cast %parallel_loop3A_253 : vector<16x1xi32> to vector<16xi32>
      %parallel_loop3A_255 = tpu.dynamic_gather %parallel_loop3A_75[%parallel_loop3A_254] in [0] : vector<16xf32>, vector<16xi32> -> vector<16xf32>
      %parallel_loop3A_256 = arith.constant 16 : i32
      %parallel_loop3A_257 = arith.muli %parallel_loop3A_69, %parallel_loop3A_256 : i32
      %parallel_loop3A_258 = arith.constant 7 : i32
      %parallel_loop3A_259 = arith.addi %parallel_loop3A_257, %parallel_loop3A_258 : i32
      %parallel_loop3A_260 = arith.cmpf ogt, %parallel_loop3A_255, %get3A_29 : vector<16xf32>
      %parallel_loop3A_261 = arith.cmpf oeq, %parallel_loop3A_255, %get3A_29 : vector<16xf32>
      %parallel_loop3A_262 = vector.broadcast %parallel_loop3A_259 : i32 to vector<16xi32>
      %parallel_loop3A_263 = arith.cmpi sgt, %parallel_loop3A_262, %add3A_31 : vector<16xi32>
      %parallel_loop3A_264 = arith.andi %parallel_loop3A_261, %parallel_loop3A_263 : vector<16xi1>
      %parallel_loop3A_265 = arith.ori %parallel_loop3A_260, %parallel_loop3A_264 : vector<16xi1>
      %parallel_loop3A_266 = arith.select %parallel_loop3A_265, %broadcast_in_dim3A_0, %broadcast_in_dim3A_2 : vector<16xi1>, vector<16xi32>
      %parallel_loop3A_267 = arith.addi %parallel_loop3A_243, %parallel_loop3A_266 : vector<16xi32>
      %parallel_loop3A_268 = arith.constant 8 : i32
      %parallel_loop3A_269 = vector.broadcast %parallel_loop3A_268 : i32 to vector<16xi32>
      %parallel_loop3A_270 = arith.constant 0 : i32
      %parallel_loop3A_271 = vector.broadcast %parallel_loop3A_270 : i32 to vector<16xi32>
      %parallel_loop3A_272 = arith.cmpi slt, %parallel_loop3A_269, %parallel_loop3A_271 : vector<16xi32>
      %parallel_loop3A_273 = arith.constant 16 : i32
      %parallel_loop3A_274 = vector.broadcast %parallel_loop3A_273 : i32 to vector<16xi32>
      %parallel_loop3A_275 = arith.addi %parallel_loop3A_269, %parallel_loop3A_274 : vector<16xi32>
      %parallel_loop3A_276 = arith.select %parallel_loop3A_272, %parallel_loop3A_275, %parallel_loop3A_269 : vector<16xi1>, vector<16xi32>
      %parallel_loop3A_277 = vector.shape_cast %parallel_loop3A_276 : vector<16xi32> to vector<16x1xi32>
      %parallel_loop3A_278 = vector.shape_cast %parallel_loop3A_277 : vector<16x1xi32> to vector<16xi32>
      %parallel_loop3A_279 = tpu.dynamic_gather %parallel_loop3A_75[%parallel_loop3A_278] in [0] : vector<16xf32>, vector<16xi32> -> vector<16xf32>
      %parallel_loop3A_280 = arith.constant 16 : i32
      %parallel_loop3A_281 = arith.muli %parallel_loop3A_69, %parallel_loop3A_280 : i32
      %parallel_loop3A_282 = arith.constant 8 : i32
      %parallel_loop3A_283 = arith.addi %parallel_loop3A_281, %parallel_loop3A_282 : i32
      %parallel_loop3A_284 = arith.cmpf ogt, %parallel_loop3A_279, %get3A_29 : vector<16xf32>
      %parallel_loop3A_285 = arith.cmpf oeq, %parallel_loop3A_279, %get3A_29 : vector<16xf32>
      %parallel_loop3A_286 = vector.broadcast %parallel_loop3A_283 : i32 to vector<16xi32>
      %parallel_loop3A_287 = arith.cmpi sgt, %parallel_loop3A_286, %add3A_31 : vector<16xi32>
      %parallel_loop3A_288 = arith.andi %parallel_loop3A_285, %parallel_loop3A_287 : vector<16xi1>
      %parallel_loop3A_289 = arith.ori %parallel_loop3A_284, %parallel_loop3A_288 : vector<16xi1>
      %parallel_loop3A_290 = arith.select %parallel_loop3A_289, %broadcast_in_dim3A_0, %broadcast_in_dim3A_2 : vector<16xi1>, vector<16xi32>
      %parallel_loop3A_291 = arith.addi %parallel_loop3A_267, %parallel_loop3A_290 : vector<16xi32>
      %parallel_loop3A_292 = arith.constant 9 : i32
      %parallel_loop3A_293 = vector.broadcast %parallel_loop3A_292 : i32 to vector<16xi32>
      %parallel_loop3A_294 = arith.constant 0 : i32
      %parallel_loop3A_295 = vector.broadcast %parallel_loop3A_294 : i32 to vector<16xi32>
      %parallel_loop3A_296 = arith.cmpi slt, %parallel_loop3A_293, %parallel_loop3A_295 : vector<16xi32>
      %parallel_loop3A_297 = arith.constant 16 : i32
      %parallel_loop3A_298 = vector.broadcast %parallel_loop3A_297 : i32 to vector<16xi32>
      %parallel_loop3A_299 = arith.addi %parallel_loop3A_293, %parallel_loop3A_298 : vector<16xi32>
      %parallel_loop3A_300 = arith.select %parallel_loop3A_296, %parallel_loop3A_299, %parallel_loop3A_293 : vector<16xi1>, vector<16xi32>
      %parallel_loop3A_301 = vector.shape_cast %parallel_loop3A_300 : vector<16xi32> to vector<16x1xi32>
      %parallel_loop3A_302 = vector.shape_cast %parallel_loop3A_301 : vector<16x1xi32> to vector<16xi32>
      %parallel_loop3A_303 = tpu.dynamic_gather %parallel_loop3A_75[%parallel_loop3A_302] in [0] : vector<16xf32>, vector<16xi32> -> vector<16xf32>
      %parallel_loop3A_304 = arith.constant 16 : i32
      %parallel_loop3A_305 = arith.muli %parallel_loop3A_69, %parallel_loop3A_304 : i32
      %parallel_loop3A_306 = arith.constant 9 : i32
      %parallel_loop3A_307 = arith.addi %parallel_loop3A_305, %parallel_loop3A_306 : i32
      %parallel_loop3A_308 = arith.cmpf ogt, %parallel_loop3A_303, %get3A_29 : vector<16xf32>
      %parallel_loop3A_309 = arith.cmpf oeq, %parallel_loop3A_303, %get3A_29 : vector<16xf32>
      %parallel_loop3A_310 = vector.broadcast %parallel_loop3A_307 : i32 to vector<16xi32>
      %parallel_loop3A_311 = arith.cmpi sgt, %parallel_loop3A_310, %add3A_31 : vector<16xi32>
      %parallel_loop3A_312 = arith.andi %parallel_loop3A_309, %parallel_loop3A_311 : vector<16xi1>
      %parallel_loop3A_313 = arith.ori %parallel_loop3A_308, %parallel_loop3A_312 : vector<16xi1>
      %parallel_loop3A_314 = arith.select %parallel_loop3A_313, %broadcast_in_dim3A_0, %broadcast_in_dim3A_2 : vector<16xi1>, vector<16xi32>
      %parallel_loop3A_315 = arith.addi %parallel_loop3A_291, %parallel_loop3A_314 : vector<16xi32>
      %parallel_loop3A_316 = arith.constant 10 : i32
      %parallel_loop3A_317 = vector.broadcast %parallel_loop3A_316 : i32 to vector<16xi32>
      %parallel_loop3A_318 = arith.constant 0 : i32
      %parallel_loop3A_319 = vector.broadcast %parallel_loop3A_318 : i32 to vector<16xi32>
      %parallel_loop3A_320 = arith.cmpi slt, %parallel_loop3A_317, %parallel_loop3A_319 : vector<16xi32>
      %parallel_loop3A_321 = arith.constant 16 : i32
      %parallel_loop3A_322 = vector.broadcast %parallel_loop3A_321 : i32 to vector<16xi32>
      %parallel_loop3A_323 = arith.addi %parallel_loop3A_317, %parallel_loop3A_322 : vector<16xi32>
      %parallel_loop3A_324 = arith.select %parallel_loop3A_320, %parallel_loop3A_323, %parallel_loop3A_317 : vector<16xi1>, vector<16xi32>
      %parallel_loop3A_325 = vector.shape_cast %parallel_loop3A_324 : vector<16xi32> to vector<16x1xi32>
      %parallel_loop3A_326 = vector.shape_cast %parallel_loop3A_325 : vector<16x1xi32> to vector<16xi32>
      %parallel_loop3A_327 = tpu.dynamic_gather %parallel_loop3A_75[%parallel_loop3A_326] in [0] : vector<16xf32>, vector<16xi32> -> vector<16xf32>
      %parallel_loop3A_328 = arith.constant 16 : i32
      %parallel_loop3A_329 = arith.muli %parallel_loop3A_69, %parallel_loop3A_328 : i32
      %parallel_loop3A_330 = arith.constant 10 : i32
      %parallel_loop3A_331 = arith.addi %parallel_loop3A_329, %parallel_loop3A_330 : i32
      %parallel_loop3A_332 = arith.cmpf ogt, %parallel_loop3A_327, %get3A_29 : vector<16xf32>
      %parallel_loop3A_333 = arith.cmpf oeq, %parallel_loop3A_327, %get3A_29 : vector<16xf32>
      %parallel_loop3A_334 = vector.broadcast %parallel_loop3A_331 : i32 to vector<16xi32>
      %parallel_loop3A_335 = arith.cmpi sgt, %parallel_loop3A_334, %add3A_31 : vector<16xi32>
      %parallel_loop3A_336 = arith.andi %parallel_loop3A_333, %parallel_loop3A_335 : vector<16xi1>
      %parallel_loop3A_337 = arith.ori %parallel_loop3A_332, %parallel_loop3A_336 : vector<16xi1>
      %parallel_loop3A_338 = arith.select %parallel_loop3A_337, %broadcast_in_dim3A_0, %broadcast_in_dim3A_2 : vector<16xi1>, vector<16xi32>
      %parallel_loop3A_339 = arith.addi %parallel_loop3A_315, %parallel_loop3A_338 : vector<16xi32>
      %parallel_loop3A_340 = arith.constant 11 : i32
      %parallel_loop3A_341 = vector.broadcast %parallel_loop3A_340 : i32 to vector<16xi32>
      %parallel_loop3A_342 = arith.constant 0 : i32
      %parallel_loop3A_343 = vector.broadcast %parallel_loop3A_342 : i32 to vector<16xi32>
      %parallel_loop3A_344 = arith.cmpi slt, %parallel_loop3A_341, %parallel_loop3A_343 : vector<16xi32>
      %parallel_loop3A_345 = arith.constant 16 : i32
      %parallel_loop3A_346 = vector.broadcast %parallel_loop3A_345 : i32 to vector<16xi32>
      %parallel_loop3A_347 = arith.addi %parallel_loop3A_341, %parallel_loop3A_346 : vector<16xi32>
      %parallel_loop3A_348 = arith.select %parallel_loop3A_344, %parallel_loop3A_347, %parallel_loop3A_341 : vector<16xi1>, vector<16xi32>
      %parallel_loop3A_349 = vector.shape_cast %parallel_loop3A_348 : vector<16xi32> to vector<16x1xi32>
      %parallel_loop3A_350 = vector.shape_cast %parallel_loop3A_349 : vector<16x1xi32> to vector<16xi32>
      %parallel_loop3A_351 = tpu.dynamic_gather %parallel_loop3A_75[%parallel_loop3A_350] in [0] : vector<16xf32>, vector<16xi32> -> vector<16xf32>
      %parallel_loop3A_352 = arith.constant 16 : i32
      %parallel_loop3A_353 = arith.muli %parallel_loop3A_69, %parallel_loop3A_352 : i32
      %parallel_loop3A_354 = arith.constant 11 : i32
      %parallel_loop3A_355 = arith.addi %parallel_loop3A_353, %parallel_loop3A_354 : i32
      %parallel_loop3A_356 = arith.cmpf ogt, %parallel_loop3A_351, %get3A_29 : vector<16xf32>
      %parallel_loop3A_357 = arith.cmpf oeq, %parallel_loop3A_351, %get3A_29 : vector<16xf32>
      %parallel_loop3A_358 = vector.broadcast %parallel_loop3A_355 : i32 to vector<16xi32>
      %parallel_loop3A_359 = arith.cmpi sgt, %parallel_loop3A_358, %add3A_31 : vector<16xi32>
      %parallel_loop3A_360 = arith.andi %parallel_loop3A_357, %parallel_loop3A_359 : vector<16xi1>
      %parallel_loop3A_361 = arith.ori %parallel_loop3A_356, %parallel_loop3A_360 : vector<16xi1>
      %parallel_loop3A_362 = arith.select %parallel_loop3A_361, %broadcast_in_dim3A_0, %broadcast_in_dim3A_2 : vector<16xi1>, vector<16xi32>
      %parallel_loop3A_363 = arith.addi %parallel_loop3A_339, %parallel_loop3A_362 : vector<16xi32>
      %parallel_loop3A_364 = arith.constant 12 : i32
      %parallel_loop3A_365 = vector.broadcast %parallel_loop3A_364 : i32 to vector<16xi32>
      %parallel_loop3A_366 = arith.constant 0 : i32
      %parallel_loop3A_367 = vector.broadcast %parallel_loop3A_366 : i32 to vector<16xi32>
      %parallel_loop3A_368 = arith.cmpi slt, %parallel_loop3A_365, %parallel_loop3A_367 : vector<16xi32>
      %parallel_loop3A_369 = arith.constant 16 : i32
      %parallel_loop3A_370 = vector.broadcast %parallel_loop3A_369 : i32 to vector<16xi32>
      %parallel_loop3A_371 = arith.addi %parallel_loop3A_365, %parallel_loop3A_370 : vector<16xi32>
      %parallel_loop3A_372 = arith.select %parallel_loop3A_368, %parallel_loop3A_371, %parallel_loop3A_365 : vector<16xi1>, vector<16xi32>
      %parallel_loop3A_373 = vector.shape_cast %parallel_loop3A_372 : vector<16xi32> to vector<16x1xi32>
      %parallel_loop3A_374 = vector.shape_cast %parallel_loop3A_373 : vector<16x1xi32> to vector<16xi32>
      %parallel_loop3A_375 = tpu.dynamic_gather %parallel_loop3A_75[%parallel_loop3A_374] in [0] : vector<16xf32>, vector<16xi32> -> vector<16xf32>
      %parallel_loop3A_376 = arith.constant 16 : i32
      %parallel_loop3A_377 = arith.muli %parallel_loop3A_69, %parallel_loop3A_376 : i32
      %parallel_loop3A_378 = arith.constant 12 : i32
      %parallel_loop3A_379 = arith.addi %parallel_loop3A_377, %parallel_loop3A_378 : i32
      %parallel_loop3A_380 = arith.cmpf ogt, %parallel_loop3A_375, %get3A_29 : vector<16xf32>
      %parallel_loop3A_381 = arith.cmpf oeq, %parallel_loop3A_375, %get3A_29 : vector<16xf32>
      %parallel_loop3A_382 = vector.broadcast %parallel_loop3A_379 : i32 to vector<16xi32>
      %parallel_loop3A_383 = arith.cmpi sgt, %parallel_loop3A_382, %add3A_31 : vector<16xi32>
      %parallel_loop3A_384 = arith.andi %parallel_loop3A_381, %parallel_loop3A_383 : vector<16xi1>
      %parallel_loop3A_385 = arith.ori %parallel_loop3A_380, %parallel_loop3A_384 : vector<16xi1>
      %parallel_loop3A_386 = arith.select %parallel_loop3A_385, %broadcast_in_dim3A_0, %broadcast_in_dim3A_2 : vector<16xi1>, vector<16xi32>
      %parallel_loop3A_387 = arith.addi %parallel_loop3A_363, %parallel_loop3A_386 : vector<16xi32>
      %parallel_loop3A_388 = arith.constant 13 : i32
      %parallel_loop3A_389 = vector.broadcast %parallel_loop3A_388 : i32 to vector<16xi32>
      %parallel_loop3A_390 = arith.constant 0 : i32
      %parallel_loop3A_391 = vector.broadcast %parallel_loop3A_390 : i32 to vector<16xi32>
      %parallel_loop3A_392 = arith.cmpi slt, %parallel_loop3A_389, %parallel_loop3A_391 : vector<16xi32>
      %parallel_loop3A_393 = arith.constant 16 : i32
      %parallel_loop3A_394 = vector.broadcast %parallel_loop3A_393 : i32 to vector<16xi32>
      %parallel_loop3A_395 = arith.addi %parallel_loop3A_389, %parallel_loop3A_394 : vector<16xi32>
      %parallel_loop3A_396 = arith.select %parallel_loop3A_392, %parallel_loop3A_395, %parallel_loop3A_389 : vector<16xi1>, vector<16xi32>
      %parallel_loop3A_397 = vector.shape_cast %parallel_loop3A_396 : vector<16xi32> to vector<16x1xi32>
      %parallel_loop3A_398 = vector.shape_cast %parallel_loop3A_397 : vector<16x1xi32> to vector<16xi32>
      %parallel_loop3A_399 = tpu.dynamic_gather %parallel_loop3A_75[%parallel_loop3A_398] in [0] : vector<16xf32>, vector<16xi32> -> vector<16xf32>
      %parallel_loop3A_400 = arith.constant 16 : i32
      %parallel_loop3A_401 = arith.muli %parallel_loop3A_69, %parallel_loop3A_400 : i32
      %parallel_loop3A_402 = arith.constant 13 : i32
      %parallel_loop3A_403 = arith.addi %parallel_loop3A_401, %parallel_loop3A_402 : i32
      %parallel_loop3A_404 = arith.cmpf ogt, %parallel_loop3A_399, %get3A_29 : vector<16xf32>
      %parallel_loop3A_405 = arith.cmpf oeq, %parallel_loop3A_399, %get3A_29 : vector<16xf32>
      %parallel_loop3A_406 = vector.broadcast %parallel_loop3A_403 : i32 to vector<16xi32>
      %parallel_loop3A_407 = arith.cmpi sgt, %parallel_loop3A_406, %add3A_31 : vector<16xi32>
      %parallel_loop3A_408 = arith.andi %parallel_loop3A_405, %parallel_loop3A_407 : vector<16xi1>
      %parallel_loop3A_409 = arith.ori %parallel_loop3A_404, %parallel_loop3A_408 : vector<16xi1>
      %parallel_loop3A_410 = arith.select %parallel_loop3A_409, %broadcast_in_dim3A_0, %broadcast_in_dim3A_2 : vector<16xi1>, vector<16xi32>
      %parallel_loop3A_411 = arith.addi %parallel_loop3A_387, %parallel_loop3A_410 : vector<16xi32>
      %parallel_loop3A_412 = arith.constant 14 : i32
      %parallel_loop3A_413 = vector.broadcast %parallel_loop3A_412 : i32 to vector<16xi32>
      %parallel_loop3A_414 = arith.constant 0 : i32
      %parallel_loop3A_415 = vector.broadcast %parallel_loop3A_414 : i32 to vector<16xi32>
      %parallel_loop3A_416 = arith.cmpi slt, %parallel_loop3A_413, %parallel_loop3A_415 : vector<16xi32>
      %parallel_loop3A_417 = arith.constant 16 : i32
      %parallel_loop3A_418 = vector.broadcast %parallel_loop3A_417 : i32 to vector<16xi32>
      %parallel_loop3A_419 = arith.addi %parallel_loop3A_413, %parallel_loop3A_418 : vector<16xi32>
      %parallel_loop3A_420 = arith.select %parallel_loop3A_416, %parallel_loop3A_419, %parallel_loop3A_413 : vector<16xi1>, vector<16xi32>
      %parallel_loop3A_421 = vector.shape_cast %parallel_loop3A_420 : vector<16xi32> to vector<16x1xi32>
      %parallel_loop3A_422 = vector.shape_cast %parallel_loop3A_421 : vector<16x1xi32> to vector<16xi32>
      %parallel_loop3A_423 = tpu.dynamic_gather %parallel_loop3A_75[%parallel_loop3A_422] in [0] : vector<16xf32>, vector<16xi32> -> vector<16xf32>
      %parallel_loop3A_424 = arith.constant 16 : i32
      %parallel_loop3A_425 = arith.muli %parallel_loop3A_69, %parallel_loop3A_424 : i32
      %parallel_loop3A_426 = arith.constant 14 : i32
      %parallel_loop3A_427 = arith.addi %parallel_loop3A_425, %parallel_loop3A_426 : i32
      %parallel_loop3A_428 = arith.cmpf ogt, %parallel_loop3A_423, %get3A_29 : vector<16xf32>
      %parallel_loop3A_429 = arith.cmpf oeq, %parallel_loop3A_423, %get3A_29 : vector<16xf32>
      %parallel_loop3A_430 = vector.broadcast %parallel_loop3A_427 : i32 to vector<16xi32>
      %parallel_loop3A_431 = arith.cmpi sgt, %parallel_loop3A_430, %add3A_31 : vector<16xi32>
      %parallel_loop3A_432 = arith.andi %parallel_loop3A_429, %parallel_loop3A_431 : vector<16xi1>
      %parallel_loop3A_433 = arith.ori %parallel_loop3A_428, %parallel_loop3A_432 : vector<16xi1>
      %parallel_loop3A_434 = arith.select %parallel_loop3A_433, %broadcast_in_dim3A_0, %broadcast_in_dim3A_2 : vector<16xi1>, vector<16xi32>
      %parallel_loop3A_435 = arith.addi %parallel_loop3A_411, %parallel_loop3A_434 : vector<16xi32>
      %parallel_loop3A_436 = arith.constant 15 : i32
      %parallel_loop3A_437 = vector.broadcast %parallel_loop3A_436 : i32 to vector<16xi32>
      %parallel_loop3A_438 = arith.constant 0 : i32
      %parallel_loop3A_439 = vector.broadcast %parallel_loop3A_438 : i32 to vector<16xi32>
      %parallel_loop3A_440 = arith.cmpi slt, %parallel_loop3A_437, %parallel_loop3A_439 : vector<16xi32>
      %parallel_loop3A_441 = arith.constant 16 : i32
      %parallel_loop3A_442 = vector.broadcast %parallel_loop3A_441 : i32 to vector<16xi32>
      %parallel_loop3A_443 = arith.addi %parallel_loop3A_437, %parallel_loop3A_442 : vector<16xi32>
      %parallel_loop3A_444 = arith.select %parallel_loop3A_440, %parallel_loop3A_443, %parallel_loop3A_437 : vector<16xi1>, vector<16xi32>
      %parallel_loop3A_445 = vector.shape_cast %parallel_loop3A_444 : vector<16xi32> to vector<16x1xi32>
      %parallel_loop3A_446 = vector.shape_cast %parallel_loop3A_445 : vector<16x1xi32> to vector<16xi32>
      %parallel_loop3A_447 = tpu.dynamic_gather %parallel_loop3A_75[%parallel_loop3A_446] in [0] : vector<16xf32>, vector<16xi32> -> vector<16xf32>
      %parallel_loop3A_448 = arith.constant 16 : i32
      %parallel_loop3A_449 = arith.muli %parallel_loop3A_69, %parallel_loop3A_448 : i32
      %parallel_loop3A_450 = arith.constant 15 : i32
      %parallel_loop3A_451 = arith.addi %parallel_loop3A_449, %parallel_loop3A_450 : i32
      %parallel_loop3A_452 = arith.cmpf ogt, %parallel_loop3A_447, %get3A_29 : vector<16xf32>
      %parallel_loop3A_453 = arith.cmpf oeq, %parallel_loop3A_447, %get3A_29 : vector<16xf32>
      %parallel_loop3A_454 = vector.broadcast %parallel_loop3A_451 : i32 to vector<16xi32>
      %parallel_loop3A_455 = arith.cmpi sgt, %parallel_loop3A_454, %add3A_31 : vector<16xi32>
      %parallel_loop3A_456 = arith.andi %parallel_loop3A_453, %parallel_loop3A_455 : vector<16xi1>
      %parallel_loop3A_457 = arith.ori %parallel_loop3A_452, %parallel_loop3A_456 : vector<16xi1>
      %parallel_loop3A_458 = arith.select %parallel_loop3A_457, %broadcast_in_dim3A_0, %broadcast_in_dim3A_2 : vector<16xi1>, vector<16xi32>
      %parallel_loop3A_459 = arith.addi %parallel_loop3A_435, %parallel_loop3A_458 : vector<16xi32>
      scf.yield %parallel_loop3A_459 : vector<16xi32>
    } {sc.loop_unroll_factor = 4 : i64, sc.parallel_access}
    %swap3A_36 = arith.constant 16 : index
    %swap3A_37 = tpu.vector_load %arg5[%swap3A_36] {strides = array<i32>} : memref<48xi32, #tpu.memory_space<vmem>>, vector<16xi32>,
    %swap3A_38 = vector.shape_cast %swap3A_37 : vector<16xi32> to vector<16xi32>
    %swap3A_39 = vector.shape_cast %parallel_loop3A_35 : vector<16xi32> to vector<16xi32>
    tpu.vector_store %arg5[%swap3A_36], %swap3A_39 {strides = array<i32>} : memref<48xi32, #tpu.memory_space<vmem>>, vector<16xi32>,
    %swap3A_40 = arith.constant 16 : index
    %swap3A_41 = tpu.vector_load %arg6[%swap3A_40] {strides = array<i32>} : memref<48xi32, #tpu.memory_space<vmem>>, vector<16xi32>,
    %swap3A_42 = vector.shape_cast %swap3A_41 : vector<16xi32> to vector<16xi32>
    %swap3A_43 = vector.shape_cast %add3A_31 : vector<16xi32> to vector<16xi32>
    tpu.vector_store %arg6[%swap3A_40], %swap3A_43 {strides = array<i32>} : memref<48xi32, #tpu.memory_space<vmem>>, vector<16xi32>,
    %mul3A_44 = arith.constant 3 : i32
    %mul3A_45 = arith.muli %arg1, %mul3A_44 : i32
    %add3A_46 = arith.constant 2 : i32
    %add3A_47 = arith.addi %mul3A_45, %add3A_46 : i32
    %mul3A_48 = arith.constant 16 : i32
    %mul3A_49 = arith.muli %add3A_47, %mul3A_48 : i32
    %get3A_50 = arith.index_cast %mul3A_49 : i32 to index
    %get3A_51 = tpu.vector_load %arg4[%get3A_50] {strides = array<i32>} : memref<768xf32, #tpu.memory_space<vmem>>, vector<16xf32>,
    %get3A_52 = vector.shape_cast %get3A_51 : vector<16xf32> to vector<16xf32>
    %add3A_53 = vector.broadcast %mul3A_49 : i32 to vector<16xi32>
    %add3A_54 = arith.addi %iota3A, %add3A_53 : vector<16xi32>
    %parallel_loop3A_55 = arith.constant 0 : i32
    %parallel_loop3A_56 = arith.constant 48 : i32
    %parallel_loop3A_57 = arith.constant 1 : i32
    %parallel_loop3A_58 = scf.for %parallel_loop3A_69 = %parallel_loop3A_55 to %parallel_loop3A_56 step %parallel_loop3A_57 iter_args(%parallel_loop3A_70 = %broadcast_in_dim3A_2) -> (vector<16xi32>)  : i32 {
      %parallel_loop3A_71 = arith.constant 16 : i32
      %parallel_loop3A_72 = arith.muli %parallel_loop3A_69, %parallel_loop3A_71 : i32
      %parallel_loop3A_73 = arith.index_cast %parallel_loop3A_72 : i32 to index
      %parallel_loop3A_74 = tpu.vector_load %arg4[%parallel_loop3A_73] {strides = array<i32>} : memref<768xf32, #tpu.memory_space<vmem>>, vector<16xf32>,
      %parallel_loop3A_75 = vector.shape_cast %parallel_loop3A_74 : vector<16xf32> to vector<16xf32>
      %parallel_loop3A_76 = arith.constant 0 : i32
      %parallel_loop3A_77 = vector.broadcast %parallel_loop3A_76 : i32 to vector<16xi32>
      %parallel_loop3A_78 = arith.constant 0 : i32
      %parallel_loop3A_79 = vector.broadcast %parallel_loop3A_78 : i32 to vector<16xi32>
      %parallel_loop3A_80 = arith.cmpi slt, %parallel_loop3A_77, %parallel_loop3A_79 : vector<16xi32>
      %parallel_loop3A_81 = arith.constant 16 : i32
      %parallel_loop3A_82 = vector.broadcast %parallel_loop3A_81 : i32 to vector<16xi32>
      %parallel_loop3A_83 = arith.addi %parallel_loop3A_77, %parallel_loop3A_82 : vector<16xi32>
      %parallel_loop3A_84 = arith.select %parallel_loop3A_80, %parallel_loop3A_83, %parallel_loop3A_77 : vector<16xi1>, vector<16xi32>
      %parallel_loop3A_85 = vector.shape_cast %parallel_loop3A_84 : vector<16xi32> to vector<16x1xi32>
      %parallel_loop3A_86 = vector.shape_cast %parallel_loop3A_85 : vector<16x1xi32> to vector<16xi32>
      %parallel_loop3A_87 = tpu.dynamic_gather %parallel_loop3A_75[%parallel_loop3A_86] in [0] : vector<16xf32>, vector<16xi32> -> vector<16xf32>
      %parallel_loop3A_88 = arith.constant 16 : i32
      %parallel_loop3A_89 = arith.muli %parallel_loop3A_69, %parallel_loop3A_88 : i32
      %parallel_loop3A_90 = arith.constant 0 : i32
      %parallel_loop3A_91 = arith.addi %parallel_loop3A_89, %parallel_loop3A_90 : i32
      %parallel_loop3A_92 = arith.cmpf ogt, %parallel_loop3A_87, %get3A_52 : vector<16xf32>
      %parallel_loop3A_93 = arith.cmpf oeq, %parallel_loop3A_87, %get3A_52 : vector<16xf32>
      %parallel_loop3A_94 = vector.broadcast %parallel_loop3A_91 : i32 to vector<16xi32>
      %parallel_loop3A_95 = arith.cmpi sgt, %parallel_loop3A_94, %add3A_54 : vector<16xi32>
      %parallel_loop3A_96 = arith.andi %parallel_loop3A_93, %parallel_loop3A_95 : vector<16xi1>
      %parallel_loop3A_97 = arith.ori %parallel_loop3A_92, %parallel_loop3A_96 : vector<16xi1>
      %parallel_loop3A_98 = arith.select %parallel_loop3A_97, %broadcast_in_dim3A_0, %broadcast_in_dim3A_2 : vector<16xi1>, vector<16xi32>
      %parallel_loop3A_99 = arith.addi %parallel_loop3A_70, %parallel_loop3A_98 : vector<16xi32>
      %parallel_loop3A_100 = arith.constant 1 : i32
      %parallel_loop3A_101 = vector.broadcast %parallel_loop3A_100 : i32 to vector<16xi32>
      %parallel_loop3A_102 = arith.constant 0 : i32
      %parallel_loop3A_103 = vector.broadcast %parallel_loop3A_102 : i32 to vector<16xi32>
      %parallel_loop3A_104 = arith.cmpi slt, %parallel_loop3A_101, %parallel_loop3A_103 : vector<16xi32>
      %parallel_loop3A_105 = arith.constant 16 : i32
      %parallel_loop3A_106 = vector.broadcast %parallel_loop3A_105 : i32 to vector<16xi32>
      %parallel_loop3A_107 = arith.addi %parallel_loop3A_101, %parallel_loop3A_106 : vector<16xi32>
      %parallel_loop3A_108 = arith.select %parallel_loop3A_104, %parallel_loop3A_107, %parallel_loop3A_101 : vector<16xi1>, vector<16xi32>
      %parallel_loop3A_109 = vector.shape_cast %parallel_loop3A_108 : vector<16xi32> to vector<16x1xi32>
      %parallel_loop3A_110 = vector.shape_cast %parallel_loop3A_109 : vector<16x1xi32> to vector<16xi32>
      %parallel_loop3A_111 = tpu.dynamic_gather %parallel_loop3A_75[%parallel_loop3A_110] in [0] : vector<16xf32>, vector<16xi32> -> vector<16xf32>
      %parallel_loop3A_112 = arith.constant 16 : i32
      %parallel_loop3A_113 = arith.muli %parallel_loop3A_69, %parallel_loop3A_112 : i32
      %parallel_loop3A_114 = arith.constant 1 : i32
      %parallel_loop3A_115 = arith.addi %parallel_loop3A_113, %parallel_loop3A_114 : i32
      %parallel_loop3A_116 = arith.cmpf ogt, %parallel_loop3A_111, %get3A_52 : vector<16xf32>
      %parallel_loop3A_117 = arith.cmpf oeq, %parallel_loop3A_111, %get3A_52 : vector<16xf32>
      %parallel_loop3A_118 = vector.broadcast %parallel_loop3A_115 : i32 to vector<16xi32>
      %parallel_loop3A_119 = arith.cmpi sgt, %parallel_loop3A_118, %add3A_54 : vector<16xi32>
      %parallel_loop3A_120 = arith.andi %parallel_loop3A_117, %parallel_loop3A_119 : vector<16xi1>
      %parallel_loop3A_121 = arith.ori %parallel_loop3A_116, %parallel_loop3A_120 : vector<16xi1>
      %parallel_loop3A_122 = arith.select %parallel_loop3A_121, %broadcast_in_dim3A_0, %broadcast_in_dim3A_2 : vector<16xi1>, vector<16xi32>
      %parallel_loop3A_123 = arith.addi %parallel_loop3A_99, %parallel_loop3A_122 : vector<16xi32>
      %parallel_loop3A_124 = arith.constant 2 : i32
      %parallel_loop3A_125 = vector.broadcast %parallel_loop3A_124 : i32 to vector<16xi32>
      %parallel_loop3A_126 = arith.constant 0 : i32
      %parallel_loop3A_127 = vector.broadcast %parallel_loop3A_126 : i32 to vector<16xi32>
      %parallel_loop3A_128 = arith.cmpi slt, %parallel_loop3A_125, %parallel_loop3A_127 : vector<16xi32>
      %parallel_loop3A_129 = arith.constant 16 : i32
      %parallel_loop3A_130 = vector.broadcast %parallel_loop3A_129 : i32 to vector<16xi32>
      %parallel_loop3A_131 = arith.addi %parallel_loop3A_125, %parallel_loop3A_130 : vector<16xi32>
      %parallel_loop3A_132 = arith.select %parallel_loop3A_128, %parallel_loop3A_131, %parallel_loop3A_125 : vector<16xi1>, vector<16xi32>
      %parallel_loop3A_133 = vector.shape_cast %parallel_loop3A_132 : vector<16xi32> to vector<16x1xi32>
      %parallel_loop3A_134 = vector.shape_cast %parallel_loop3A_133 : vector<16x1xi32> to vector<16xi32>
      %parallel_loop3A_135 = tpu.dynamic_gather %parallel_loop3A_75[%parallel_loop3A_134] in [0] : vector<16xf32>, vector<16xi32> -> vector<16xf32>
      %parallel_loop3A_136 = arith.constant 16 : i32
      %parallel_loop3A_137 = arith.muli %parallel_loop3A_69, %parallel_loop3A_136 : i32
      %parallel_loop3A_138 = arith.constant 2 : i32
      %parallel_loop3A_139 = arith.addi %parallel_loop3A_137, %parallel_loop3A_138 : i32
      %parallel_loop3A_140 = arith.cmpf ogt, %parallel_loop3A_135, %get3A_52 : vector<16xf32>
      %parallel_loop3A_141 = arith.cmpf oeq, %parallel_loop3A_135, %get3A_52 : vector<16xf32>
      %parallel_loop3A_142 = vector.broadcast %parallel_loop3A_139 : i32 to vector<16xi32>
      %parallel_loop3A_143 = arith.cmpi sgt, %parallel_loop3A_142, %add3A_54 : vector<16xi32>
      %parallel_loop3A_144 = arith.andi %parallel_loop3A_141, %parallel_loop3A_143 : vector<16xi1>
      %parallel_loop3A_145 = arith.ori %parallel_loop3A_140, %parallel_loop3A_144 : vector<16xi1>
      %parallel_loop3A_146 = arith.select %parallel_loop3A_145, %broadcast_in_dim3A_0, %broadcast_in_dim3A_2 : vector<16xi1>, vector<16xi32>
      %parallel_loop3A_147 = arith.addi %parallel_loop3A_123, %parallel_loop3A_146 : vector<16xi32>
      %parallel_loop3A_148 = arith.constant 3 : i32
      %parallel_loop3A_149 = vector.broadcast %parallel_loop3A_148 : i32 to vector<16xi32>
      %parallel_loop3A_150 = arith.constant 0 : i32
      %parallel_loop3A_151 = vector.broadcast %parallel_loop3A_150 : i32 to vector<16xi32>
      %parallel_loop3A_152 = arith.cmpi slt, %parallel_loop3A_149, %parallel_loop3A_151 : vector<16xi32>
      %parallel_loop3A_153 = arith.constant 16 : i32
      %parallel_loop3A_154 = vector.broadcast %parallel_loop3A_153 : i32 to vector<16xi32>
      %parallel_loop3A_155 = arith.addi %parallel_loop3A_149, %parallel_loop3A_154 : vector<16xi32>
      %parallel_loop3A_156 = arith.select %parallel_loop3A_152, %parallel_loop3A_155, %parallel_loop3A_149 : vector<16xi1>, vector<16xi32>
      %parallel_loop3A_157 = vector.shape_cast %parallel_loop3A_156 : vector<16xi32> to vector<16x1xi32>
      %parallel_loop3A_158 = vector.shape_cast %parallel_loop3A_157 : vector<16x1xi32> to vector<16xi32>
      %parallel_loop3A_159 = tpu.dynamic_gather %parallel_loop3A_75[%parallel_loop3A_158] in [0] : vector<16xf32>, vector<16xi32> -> vector<16xf32>
      %parallel_loop3A_160 = arith.constant 16 : i32
      %parallel_loop3A_161 = arith.muli %parallel_loop3A_69, %parallel_loop3A_160 : i32
      %parallel_loop3A_162 = arith.constant 3 : i32
      %parallel_loop3A_163 = arith.addi %parallel_loop3A_161, %parallel_loop3A_162 : i32
      %parallel_loop3A_164 = arith.cmpf ogt, %parallel_loop3A_159, %get3A_52 : vector<16xf32>
      %parallel_loop3A_165 = arith.cmpf oeq, %parallel_loop3A_159, %get3A_52 : vector<16xf32>
      %parallel_loop3A_166 = vector.broadcast %parallel_loop3A_163 : i32 to vector<16xi32>
      %parallel_loop3A_167 = arith.cmpi sgt, %parallel_loop3A_166, %add3A_54 : vector<16xi32>
      %parallel_loop3A_168 = arith.andi %parallel_loop3A_165, %parallel_loop3A_167 : vector<16xi1>
      %parallel_loop3A_169 = arith.ori %parallel_loop3A_164, %parallel_loop3A_168 : vector<16xi1>
      %parallel_loop3A_170 = arith.select %parallel_loop3A_169, %broadcast_in_dim3A_0, %broadcast_in_dim3A_2 : vector<16xi1>, vector<16xi32>
      %parallel_loop3A_171 = arith.addi %parallel_loop3A_147, %parallel_loop3A_170 : vector<16xi32>
      %parallel_loop3A_172 = arith.constant 4 : i32
      %parallel_loop3A_173 = vector.broadcast %parallel_loop3A_172 : i32 to vector<16xi32>
      %parallel_loop3A_174 = arith.constant 0 : i32
      %parallel_loop3A_175 = vector.broadcast %parallel_loop3A_174 : i32 to vector<16xi32>
      %parallel_loop3A_176 = arith.cmpi slt, %parallel_loop3A_173, %parallel_loop3A_175 : vector<16xi32>
      %parallel_loop3A_177 = arith.constant 16 : i32
      %parallel_loop3A_178 = vector.broadcast %parallel_loop3A_177 : i32 to vector<16xi32>
      %parallel_loop3A_179 = arith.addi %parallel_loop3A_173, %parallel_loop3A_178 : vector<16xi32>
      %parallel_loop3A_180 = arith.select %parallel_loop3A_176, %parallel_loop3A_179, %parallel_loop3A_173 : vector<16xi1>, vector<16xi32>
      %parallel_loop3A_181 = vector.shape_cast %parallel_loop3A_180 : vector<16xi32> to vector<16x1xi32>
      %parallel_loop3A_182 = vector.shape_cast %parallel_loop3A_181 : vector<16x1xi32> to vector<16xi32>
      %parallel_loop3A_183 = tpu.dynamic_gather %parallel_loop3A_75[%parallel_loop3A_182] in [0] : vector<16xf32>, vector<16xi32> -> vector<16xf32>
      %parallel_loop3A_184 = arith.constant 16 : i32
      %parallel_loop3A_185 = arith.muli %parallel_loop3A_69, %parallel_loop3A_184 : i32
      %parallel_loop3A_186 = arith.constant 4 : i32
      %parallel_loop3A_187 = arith.addi %parallel_loop3A_185, %parallel_loop3A_186 : i32
      %parallel_loop3A_188 = arith.cmpf ogt, %parallel_loop3A_183, %get3A_52 : vector<16xf32>
      %parallel_loop3A_189 = arith.cmpf oeq, %parallel_loop3A_183, %get3A_52 : vector<16xf32>
      %parallel_loop3A_190 = vector.broadcast %parallel_loop3A_187 : i32 to vector<16xi32>
      %parallel_loop3A_191 = arith.cmpi sgt, %parallel_loop3A_190, %add3A_54 : vector<16xi32>
      %parallel_loop3A_192 = arith.andi %parallel_loop3A_189, %parallel_loop3A_191 : vector<16xi1>
      %parallel_loop3A_193 = arith.ori %parallel_loop3A_188, %parallel_loop3A_192 : vector<16xi1>
      %parallel_loop3A_194 = arith.select %parallel_loop3A_193, %broadcast_in_dim3A_0, %broadcast_in_dim3A_2 : vector<16xi1>, vector<16xi32>
      %parallel_loop3A_195 = arith.addi %parallel_loop3A_171, %parallel_loop3A_194 : vector<16xi32>
      %parallel_loop3A_196 = arith.constant 5 : i32
      %parallel_loop3A_197 = vector.broadcast %parallel_loop3A_196 : i32 to vector<16xi32>
      %parallel_loop3A_198 = arith.constant 0 : i32
      %parallel_loop3A_199 = vector.broadcast %parallel_loop3A_198 : i32 to vector<16xi32>
      %parallel_loop3A_200 = arith.cmpi slt, %parallel_loop3A_197, %parallel_loop3A_199 : vector<16xi32>
      %parallel_loop3A_201 = arith.constant 16 : i32
      %parallel_loop3A_202 = vector.broadcast %parallel_loop3A_201 : i32 to vector<16xi32>
      %parallel_loop3A_203 = arith.addi %parallel_loop3A_197, %parallel_loop3A_202 : vector<16xi32>
      %parallel_loop3A_204 = arith.select %parallel_loop3A_200, %parallel_loop3A_203, %parallel_loop3A_197 : vector<16xi1>, vector<16xi32>
      %parallel_loop3A_205 = vector.shape_cast %parallel_loop3A_204 : vector<16xi32> to vector<16x1xi32>
      %parallel_loop3A_206 = vector.shape_cast %parallel_loop3A_205 : vector<16x1xi32> to vector<16xi32>
      %parallel_loop3A_207 = tpu.dynamic_gather %parallel_loop3A_75[%parallel_loop3A_206] in [0] : vector<16xf32>, vector<16xi32> -> vector<16xf32>
      %parallel_loop3A_208 = arith.constant 16 : i32
      %parallel_loop3A_209 = arith.muli %parallel_loop3A_69, %parallel_loop3A_208 : i32
      %parallel_loop3A_210 = arith.constant 5 : i32
      %parallel_loop3A_211 = arith.addi %parallel_loop3A_209, %parallel_loop3A_210 : i32
      %parallel_loop3A_212 = arith.cmpf ogt, %parallel_loop3A_207, %get3A_52 : vector<16xf32>
      %parallel_loop3A_213 = arith.cmpf oeq, %parallel_loop3A_207, %get3A_52 : vector<16xf32>
      %parallel_loop3A_214 = vector.broadcast %parallel_loop3A_211 : i32 to vector<16xi32>
      %parallel_loop3A_215 = arith.cmpi sgt, %parallel_loop3A_214, %add3A_54 : vector<16xi32>
      %parallel_loop3A_216 = arith.andi %parallel_loop3A_213, %parallel_loop3A_215 : vector<16xi1>
      %parallel_loop3A_217 = arith.ori %parallel_loop3A_212, %parallel_loop3A_216 : vector<16xi1>
      %parallel_loop3A_218 = arith.select %parallel_loop3A_217, %broadcast_in_dim3A_0, %broadcast_in_dim3A_2 : vector<16xi1>, vector<16xi32>
      %parallel_loop3A_219 = arith.addi %parallel_loop3A_195, %parallel_loop3A_218 : vector<16xi32>
      %parallel_loop3A_220 = arith.constant 6 : i32
      %parallel_loop3A_221 = vector.broadcast %parallel_loop3A_220 : i32 to vector<16xi32>
      %parallel_loop3A_222 = arith.constant 0 : i32
      %parallel_loop3A_223 = vector.broadcast %parallel_loop3A_222 : i32 to vector<16xi32>
      %parallel_loop3A_224 = arith.cmpi slt, %parallel_loop3A_221, %parallel_loop3A_223 : vector<16xi32>
      %parallel_loop3A_225 = arith.constant 16 : i32
      %parallel_loop3A_226 = vector.broadcast %parallel_loop3A_225 : i32 to vector<16xi32>
      %parallel_loop3A_227 = arith.addi %parallel_loop3A_221, %parallel_loop3A_226 : vector<16xi32>
      %parallel_loop3A_228 = arith.select %parallel_loop3A_224, %parallel_loop3A_227, %parallel_loop3A_221 : vector<16xi1>, vector<16xi32>
      %parallel_loop3A_229 = vector.shape_cast %parallel_loop3A_228 : vector<16xi32> to vector<16x1xi32>
      %parallel_loop3A_230 = vector.shape_cast %parallel_loop3A_229 : vector<16x1xi32> to vector<16xi32>
      %parallel_loop3A_231 = tpu.dynamic_gather %parallel_loop3A_75[%parallel_loop3A_230] in [0] : vector<16xf32>, vector<16xi32> -> vector<16xf32>
      %parallel_loop3A_232 = arith.constant 16 : i32
      %parallel_loop3A_233 = arith.muli %parallel_loop3A_69, %parallel_loop3A_232 : i32
      %parallel_loop3A_234 = arith.constant 6 : i32
      %parallel_loop3A_235 = arith.addi %parallel_loop3A_233, %parallel_loop3A_234 : i32
      %parallel_loop3A_236 = arith.cmpf ogt, %parallel_loop3A_231, %get3A_52 : vector<16xf32>
      %parallel_loop3A_237 = arith.cmpf oeq, %parallel_loop3A_231, %get3A_52 : vector<16xf32>
      %parallel_loop3A_238 = vector.broadcast %parallel_loop3A_235 : i32 to vector<16xi32>
      %parallel_loop3A_239 = arith.cmpi sgt, %parallel_loop3A_238, %add3A_54 : vector<16xi32>
      %parallel_loop3A_240 = arith.andi %parallel_loop3A_237, %parallel_loop3A_239 : vector<16xi1>
      %parallel_loop3A_241 = arith.ori %parallel_loop3A_236, %parallel_loop3A_240 : vector<16xi1>
      %parallel_loop3A_242 = arith.select %parallel_loop3A_241, %broadcast_in_dim3A_0, %broadcast_in_dim3A_2 : vector<16xi1>, vector<16xi32>
      %parallel_loop3A_243 = arith.addi %parallel_loop3A_219, %parallel_loop3A_242 : vector<16xi32>
      %parallel_loop3A_244 = arith.constant 7 : i32
      %parallel_loop3A_245 = vector.broadcast %parallel_loop3A_244 : i32 to vector<16xi32>
      %parallel_loop3A_246 = arith.constant 0 : i32
      %parallel_loop3A_247 = vector.broadcast %parallel_loop3A_246 : i32 to vector<16xi32>
      %parallel_loop3A_248 = arith.cmpi slt, %parallel_loop3A_245, %parallel_loop3A_247 : vector<16xi32>
      %parallel_loop3A_249 = arith.constant 16 : i32
      %parallel_loop3A_250 = vector.broadcast %parallel_loop3A_249 : i32 to vector<16xi32>
      %parallel_loop3A_251 = arith.addi %parallel_loop3A_245, %parallel_loop3A_250 : vector<16xi32>
      %parallel_loop3A_252 = arith.select %parallel_loop3A_248, %parallel_loop3A_251, %parallel_loop3A_245 : vector<16xi1>, vector<16xi32>
      %parallel_loop3A_253 = vector.shape_cast %parallel_loop3A_252 : vector<16xi32> to vector<16x1xi32>
      %parallel_loop3A_254 = vector.shape_cast %parallel_loop3A_253 : vector<16x1xi32> to vector<16xi32>
      %parallel_loop3A_255 = tpu.dynamic_gather %parallel_loop3A_75[%parallel_loop3A_254] in [0] : vector<16xf32>, vector<16xi32> -> vector<16xf32>
      %parallel_loop3A_256 = arith.constant 16 : i32
      %parallel_loop3A_257 = arith.muli %parallel_loop3A_69, %parallel_loop3A_256 : i32
      %parallel_loop3A_258 = arith.constant 7 : i32
      %parallel_loop3A_259 = arith.addi %parallel_loop3A_257, %parallel_loop3A_258 : i32
      %parallel_loop3A_260 = arith.cmpf ogt, %parallel_loop3A_255, %get3A_52 : vector<16xf32>
      %parallel_loop3A_261 = arith.cmpf oeq, %parallel_loop3A_255, %get3A_52 : vector<16xf32>
      %parallel_loop3A_262 = vector.broadcast %parallel_loop3A_259 : i32 to vector<16xi32>
      %parallel_loop3A_263 = arith.cmpi sgt, %parallel_loop3A_262, %add3A_54 : vector<16xi32>
      %parallel_loop3A_264 = arith.andi %parallel_loop3A_261, %parallel_loop3A_263 : vector<16xi1>
      %parallel_loop3A_265 = arith.ori %parallel_loop3A_260, %parallel_loop3A_264 : vector<16xi1>
      %parallel_loop3A_266 = arith.select %parallel_loop3A_265, %broadcast_in_dim3A_0, %broadcast_in_dim3A_2 : vector<16xi1>, vector<16xi32>
      %parallel_loop3A_267 = arith.addi %parallel_loop3A_243, %parallel_loop3A_266 : vector<16xi32>
      %parallel_loop3A_268 = arith.constant 8 : i32
      %parallel_loop3A_269 = vector.broadcast %parallel_loop3A_268 : i32 to vector<16xi32>
      %parallel_loop3A_270 = arith.constant 0 : i32
      %parallel_loop3A_271 = vector.broadcast %parallel_loop3A_270 : i32 to vector<16xi32>
      %parallel_loop3A_272 = arith.cmpi slt, %parallel_loop3A_269, %parallel_loop3A_271 : vector<16xi32>
      %parallel_loop3A_273 = arith.constant 16 : i32
      %parallel_loop3A_274 = vector.broadcast %parallel_loop3A_273 : i32 to vector<16xi32>
      %parallel_loop3A_275 = arith.addi %parallel_loop3A_269, %parallel_loop3A_274 : vector<16xi32>
      %parallel_loop3A_276 = arith.select %parallel_loop3A_272, %parallel_loop3A_275, %parallel_loop3A_269 : vector<16xi1>, vector<16xi32>
      %parallel_loop3A_277 = vector.shape_cast %parallel_loop3A_276 : vector<16xi32> to vector<16x1xi32>
      %parallel_loop3A_278 = vector.shape_cast %parallel_loop3A_277 : vector<16x1xi32> to vector<16xi32>
      %parallel_loop3A_279 = tpu.dynamic_gather %parallel_loop3A_75[%parallel_loop3A_278] in [0] : vector<16xf32>, vector<16xi32> -> vector<16xf32>
      %parallel_loop3A_280 = arith.constant 16 : i32
      %parallel_loop3A_281 = arith.muli %parallel_loop3A_69, %parallel_loop3A_280 : i32
      %parallel_loop3A_282 = arith.constant 8 : i32
      %parallel_loop3A_283 = arith.addi %parallel_loop3A_281, %parallel_loop3A_282 : i32
      %parallel_loop3A_284 = arith.cmpf ogt, %parallel_loop3A_279, %get3A_52 : vector<16xf32>
      %parallel_loop3A_285 = arith.cmpf oeq, %parallel_loop3A_279, %get3A_52 : vector<16xf32>
      %parallel_loop3A_286 = vector.broadcast %parallel_loop3A_283 : i32 to vector<16xi32>
      %parallel_loop3A_287 = arith.cmpi sgt, %parallel_loop3A_286, %add3A_54 : vector<16xi32>
      %parallel_loop3A_288 = arith.andi %parallel_loop3A_285, %parallel_loop3A_287 : vector<16xi1>
      %parallel_loop3A_289 = arith.ori %parallel_loop3A_284, %parallel_loop3A_288 : vector<16xi1>
      %parallel_loop3A_290 = arith.select %parallel_loop3A_289, %broadcast_in_dim3A_0, %broadcast_in_dim3A_2 : vector<16xi1>, vector<16xi32>
      %parallel_loop3A_291 = arith.addi %parallel_loop3A_267, %parallel_loop3A_290 : vector<16xi32>
      %parallel_loop3A_292 = arith.constant 9 : i32
      %parallel_loop3A_293 = vector.broadcast %parallel_loop3A_292 : i32 to vector<16xi32>
      %parallel_loop3A_294 = arith.constant 0 : i32
      %parallel_loop3A_295 = vector.broadcast %parallel_loop3A_294 : i32 to vector<16xi32>
      %parallel_loop3A_296 = arith.cmpi slt, %parallel_loop3A_293, %parallel_loop3A_295 : vector<16xi32>
      %parallel_loop3A_297 = arith.constant 16 : i32
      %parallel_loop3A_298 = vector.broadcast %parallel_loop3A_297 : i32 to vector<16xi32>
      %parallel_loop3A_299 = arith.addi %parallel_loop3A_293, %parallel_loop3A_298 : vector<16xi32>
      %parallel_loop3A_300 = arith.select %parallel_loop3A_296, %parallel_loop3A_299, %parallel_loop3A_293 : vector<16xi1>, vector<16xi32>
      %parallel_loop3A_301 = vector.shape_cast %parallel_loop3A_300 : vector<16xi32> to vector<16x1xi32>
      %parallel_loop3A_302 = vector.shape_cast %parallel_loop3A_301 : vector<16x1xi32> to vector<16xi32>
      %parallel_loop3A_303 = tpu.dynamic_gather %parallel_loop3A_75[%parallel_loop3A_302] in [0] : vector<16xf32>, vector<16xi32> -> vector<16xf32>
      %parallel_loop3A_304 = arith.constant 16 : i32
      %parallel_loop3A_305 = arith.muli %parallel_loop3A_69, %parallel_loop3A_304 : i32
      %parallel_loop3A_306 = arith.constant 9 : i32
      %parallel_loop3A_307 = arith.addi %parallel_loop3A_305, %parallel_loop3A_306 : i32
      %parallel_loop3A_308 = arith.cmpf ogt, %parallel_loop3A_303, %get3A_52 : vector<16xf32>
      %parallel_loop3A_309 = arith.cmpf oeq, %parallel_loop3A_303, %get3A_52 : vector<16xf32>
      %parallel_loop3A_310 = vector.broadcast %parallel_loop3A_307 : i32 to vector<16xi32>
      %parallel_loop3A_311 = arith.cmpi sgt, %parallel_loop3A_310, %add3A_54 : vector<16xi32>
      %parallel_loop3A_312 = arith.andi %parallel_loop3A_309, %parallel_loop3A_311 : vector<16xi1>
      %parallel_loop3A_313 = arith.ori %parallel_loop3A_308, %parallel_loop3A_312 : vector<16xi1>
      %parallel_loop3A_314 = arith.select %parallel_loop3A_313, %broadcast_in_dim3A_0, %broadcast_in_dim3A_2 : vector<16xi1>, vector<16xi32>
      %parallel_loop3A_315 = arith.addi %parallel_loop3A_291, %parallel_loop3A_314 : vector<16xi32>
      %parallel_loop3A_316 = arith.constant 10 : i32
      %parallel_loop3A_317 = vector.broadcast %parallel_loop3A_316 : i32 to vector<16xi32>
      %parallel_loop3A_318 = arith.constant 0 : i32
      %parallel_loop3A_319 = vector.broadcast %parallel_loop3A_318 : i32 to vector<16xi32>
      %parallel_loop3A_320 = arith.cmpi slt, %parallel_loop3A_317, %parallel_loop3A_319 : vector<16xi32>
      %parallel_loop3A_321 = arith.constant 16 : i32
      %parallel_loop3A_322 = vector.broadcast %parallel_loop3A_321 : i32 to vector<16xi32>
      %parallel_loop3A_323 = arith.addi %parallel_loop3A_317, %parallel_loop3A_322 : vector<16xi32>
      %parallel_loop3A_324 = arith.select %parallel_loop3A_320, %parallel_loop3A_323, %parallel_loop3A_317 : vector<16xi1>, vector<16xi32>
      %parallel_loop3A_325 = vector.shape_cast %parallel_loop3A_324 : vector<16xi32> to vector<16x1xi32>
      %parallel_loop3A_326 = vector.shape_cast %parallel_loop3A_325 : vector<16x1xi32> to vector<16xi32>
      %parallel_loop3A_327 = tpu.dynamic_gather %parallel_loop3A_75[%parallel_loop3A_326] in [0] : vector<16xf32>, vector<16xi32> -> vector<16xf32>
      %parallel_loop3A_328 = arith.constant 16 : i32
      %parallel_loop3A_329 = arith.muli %parallel_loop3A_69, %parallel_loop3A_328 : i32
      %parallel_loop3A_330 = arith.constant 10 : i32
      %parallel_loop3A_331 = arith.addi %parallel_loop3A_329, %parallel_loop3A_330 : i32
      %parallel_loop3A_332 = arith.cmpf ogt, %parallel_loop3A_327, %get3A_52 : vector<16xf32>
      %parallel_loop3A_333 = arith.cmpf oeq, %parallel_loop3A_327, %get3A_52 : vector<16xf32>
      %parallel_loop3A_334 = vector.broadcast %parallel_loop3A_331 : i32 to vector<16xi32>
      %parallel_loop3A_335 = arith.cmpi sgt, %parallel_loop3A_334, %add3A_54 : vector<16xi32>
      %parallel_loop3A_336 = arith.andi %parallel_loop3A_333, %parallel_loop3A_335 : vector<16xi1>
      %parallel_loop3A_337 = arith.ori %parallel_loop3A_332, %parallel_loop3A_336 : vector<16xi1>
      %parallel_loop3A_338 = arith.select %parallel_loop3A_337, %broadcast_in_dim3A_0, %broadcast_in_dim3A_2 : vector<16xi1>, vector<16xi32>
      %parallel_loop3A_339 = arith.addi %parallel_loop3A_315, %parallel_loop3A_338 : vector<16xi32>
      %parallel_loop3A_340 = arith.constant 11 : i32
      %parallel_loop3A_341 = vector.broadcast %parallel_loop3A_340 : i32 to vector<16xi32>
      %parallel_loop3A_342 = arith.constant 0 : i32
      %parallel_loop3A_343 = vector.broadcast %parallel_loop3A_342 : i32 to vector<16xi32>
      %parallel_loop3A_344 = arith.cmpi slt, %parallel_loop3A_341, %parallel_loop3A_343 : vector<16xi32>
      %parallel_loop3A_345 = arith.constant 16 : i32
      %parallel_loop3A_346 = vector.broadcast %parallel_loop3A_345 : i32 to vector<16xi32>
      %parallel_loop3A_347 = arith.addi %parallel_loop3A_341, %parallel_loop3A_346 : vector<16xi32>
      %parallel_loop3A_348 = arith.select %parallel_loop3A_344, %parallel_loop3A_347, %parallel_loop3A_341 : vector<16xi1>, vector<16xi32>
      %parallel_loop3A_349 = vector.shape_cast %parallel_loop3A_348 : vector<16xi32> to vector<16x1xi32>
      %parallel_loop3A_350 = vector.shape_cast %parallel_loop3A_349 : vector<16x1xi32> to vector<16xi32>
      %parallel_loop3A_351 = tpu.dynamic_gather %parallel_loop3A_75[%parallel_loop3A_350] in [0] : vector<16xf32>, vector<16xi32> -> vector<16xf32>
      %parallel_loop3A_352 = arith.constant 16 : i32
      %parallel_loop3A_353 = arith.muli %parallel_loop3A_69, %parallel_loop3A_352 : i32
      %parallel_loop3A_354 = arith.constant 11 : i32
      %parallel_loop3A_355 = arith.addi %parallel_loop3A_353, %parallel_loop3A_354 : i32
      %parallel_loop3A_356 = arith.cmpf ogt, %parallel_loop3A_351, %get3A_52 : vector<16xf32>
      %parallel_loop3A_357 = arith.cmpf oeq, %parallel_loop3A_351, %get3A_52 : vector<16xf32>
      %parallel_loop3A_358 = vector.broadcast %parallel_loop3A_355 : i32 to vector<16xi32>
      %parallel_loop3A_359 = arith.cmpi sgt, %parallel_loop3A_358, %add3A_54 : vector<16xi32>
      %parallel_loop3A_360 = arith.andi %parallel_loop3A_357, %parallel_loop3A_359 : vector<16xi1>
      %parallel_loop3A_361 = arith.ori %parallel_loop3A_356, %parallel_loop3A_360 : vector<16xi1>
      %parallel_loop3A_362 = arith.select %parallel_loop3A_361, %broadcast_in_dim3A_0, %broadcast_in_dim3A_2 : vector<16xi1>, vector<16xi32>
      %parallel_loop3A_363 = arith.addi %parallel_loop3A_339, %parallel_loop3A_362 : vector<16xi32>
      %parallel_loop3A_364 = arith.constant 12 : i32
      %parallel_loop3A_365 = vector.broadcast %parallel_loop3A_364 : i32 to vector<16xi32>
      %parallel_loop3A_366 = arith.constant 0 : i32
      %parallel_loop3A_367 = vector.broadcast %parallel_loop3A_366 : i32 to vector<16xi32>
      %parallel_loop3A_368 = arith.cmpi slt, %parallel_loop3A_365, %parallel_loop3A_367 : vector<16xi32>
      %parallel_loop3A_369 = arith.constant 16 : i32
      %parallel_loop3A_370 = vector.broadcast %parallel_loop3A_369 : i32 to vector<16xi32>
      %parallel_loop3A_371 = arith.addi %parallel_loop3A_365, %parallel_loop3A_370 : vector<16xi32>
      %parallel_loop3A_372 = arith.select %parallel_loop3A_368, %parallel_loop3A_371, %parallel_loop3A_365 : vector<16xi1>, vector<16xi32>
      %parallel_loop3A_373 = vector.shape_cast %parallel_loop3A_372 : vector<16xi32> to vector<16x1xi32>
      %parallel_loop3A_374 = vector.shape_cast %parallel_loop3A_373 : vector<16x1xi32> to vector<16xi32>
      %parallel_loop3A_375 = tpu.dynamic_gather %parallel_loop3A_75[%parallel_loop3A_374] in [0] : vector<16xf32>, vector<16xi32> -> vector<16xf32>
      %parallel_loop3A_376 = arith.constant 16 : i32
      %parallel_loop3A_377 = arith.muli %parallel_loop3A_69, %parallel_loop3A_376 : i32
      %parallel_loop3A_378 = arith.constant 12 : i32
      %parallel_loop3A_379 = arith.addi %parallel_loop3A_377, %parallel_loop3A_378 : i32
      %parallel_loop3A_380 = arith.cmpf ogt, %parallel_loop3A_375, %get3A_52 : vector<16xf32>
      %parallel_loop3A_381 = arith.cmpf oeq, %parallel_loop3A_375, %get3A_52 : vector<16xf32>
      %parallel_loop3A_382 = vector.broadcast %parallel_loop3A_379 : i32 to vector<16xi32>
      %parallel_loop3A_383 = arith.cmpi sgt, %parallel_loop3A_382, %add3A_54 : vector<16xi32>
      %parallel_loop3A_384 = arith.andi %parallel_loop3A_381, %parallel_loop3A_383 : vector<16xi1>
      %parallel_loop3A_385 = arith.ori %parallel_loop3A_380, %parallel_loop3A_384 : vector<16xi1>
      %parallel_loop3A_386 = arith.select %parallel_loop3A_385, %broadcast_in_dim3A_0, %broadcast_in_dim3A_2 : vector<16xi1>, vector<16xi32>
      %parallel_loop3A_387 = arith.addi %parallel_loop3A_363, %parallel_loop3A_386 : vector<16xi32>
      %parallel_loop3A_388 = arith.constant 13 : i32
      %parallel_loop3A_389 = vector.broadcast %parallel_loop3A_388 : i32 to vector<16xi32>
      %parallel_loop3A_390 = arith.constant 0 : i32
      %parallel_loop3A_391 = vector.broadcast %parallel_loop3A_390 : i32 to vector<16xi32>
      %parallel_loop3A_392 = arith.cmpi slt, %parallel_loop3A_389, %parallel_loop3A_391 : vector<16xi32>
      %parallel_loop3A_393 = arith.constant 16 : i32
      %parallel_loop3A_394 = vector.broadcast %parallel_loop3A_393 : i32 to vector<16xi32>
      %parallel_loop3A_395 = arith.addi %parallel_loop3A_389, %parallel_loop3A_394 : vector<16xi32>
      %parallel_loop3A_396 = arith.select %parallel_loop3A_392, %parallel_loop3A_395, %parallel_loop3A_389 : vector<16xi1>, vector<16xi32>
      %parallel_loop3A_397 = vector.shape_cast %parallel_loop3A_396 : vector<16xi32> to vector<16x1xi32>
      %parallel_loop3A_398 = vector.shape_cast %parallel_loop3A_397 : vector<16x1xi32> to vector<16xi32>
      %parallel_loop3A_399 = tpu.dynamic_gather %parallel_loop3A_75[%parallel_loop3A_398] in [0] : vector<16xf32>, vector<16xi32> -> vector<16xf32>
      %parallel_loop3A_400 = arith.constant 16 : i32
      %parallel_loop3A_401 = arith.muli %parallel_loop3A_69, %parallel_loop3A_400 : i32
      %parallel_loop3A_402 = arith.constant 13 : i32
      %parallel_loop3A_403 = arith.addi %parallel_loop3A_401, %parallel_loop3A_402 : i32
      %parallel_loop3A_404 = arith.cmpf ogt, %parallel_loop3A_399, %get3A_52 : vector<16xf32>
      %parallel_loop3A_405 = arith.cmpf oeq, %parallel_loop3A_399, %get3A_52 : vector<16xf32>
      %parallel_loop3A_406 = vector.broadcast %parallel_loop3A_403 : i32 to vector<16xi32>
      %parallel_loop3A_407 = arith.cmpi sgt, %parallel_loop3A_406, %add3A_54 : vector<16xi32>
      %parallel_loop3A_408 = arith.andi %parallel_loop3A_405, %parallel_loop3A_407 : vector<16xi1>
      %parallel_loop3A_409 = arith.ori %parallel_loop3A_404, %parallel_loop3A_408 : vector<16xi1>
      %parallel_loop3A_410 = arith.select %parallel_loop3A_409, %broadcast_in_dim3A_0, %broadcast_in_dim3A_2 : vector<16xi1>, vector<16xi32>
      %parallel_loop3A_411 = arith.addi %parallel_loop3A_387, %parallel_loop3A_410 : vector<16xi32>
      %parallel_loop3A_412 = arith.constant 14 : i32
      %parallel_loop3A_413 = vector.broadcast %parallel_loop3A_412 : i32 to vector<16xi32>
      %parallel_loop3A_414 = arith.constant 0 : i32
      %parallel_loop3A_415 = vector.broadcast %parallel_loop3A_414 : i32 to vector<16xi32>
      %parallel_loop3A_416 = arith.cmpi slt, %parallel_loop3A_413, %parallel_loop3A_415 : vector<16xi32>
      %parallel_loop3A_417 = arith.constant 16 : i32
      %parallel_loop3A_418 = vector.broadcast %parallel_loop3A_417 : i32 to vector<16xi32>
      %parallel_loop3A_419 = arith.addi %parallel_loop3A_413, %parallel_loop3A_418 : vector<16xi32>
      %parallel_loop3A_420 = arith.select %parallel_loop3A_416, %parallel_loop3A_419, %parallel_loop3A_413 : vector<16xi1>, vector<16xi32>
      %parallel_loop3A_421 = vector.shape_cast %parallel_loop3A_420 : vector<16xi32> to vector<16x1xi32>
      %parallel_loop3A_422 = vector.shape_cast %parallel_loop3A_421 : vector<16x1xi32> to vector<16xi32>
      %parallel_loop3A_423 = tpu.dynamic_gather %parallel_loop3A_75[%parallel_loop3A_422] in [0] : vector<16xf32>, vector<16xi32> -> vector<16xf32>
      %parallel_loop3A_424 = arith.constant 16 : i32
      %parallel_loop3A_425 = arith.muli %parallel_loop3A_69, %parallel_loop3A_424 : i32
      %parallel_loop3A_426 = arith.constant 14 : i32
      %parallel_loop3A_427 = arith.addi %parallel_loop3A_425, %parallel_loop3A_426 : i32
      %parallel_loop3A_428 = arith.cmpf ogt, %parallel_loop3A_423, %get3A_52 : vector<16xf32>
      %parallel_loop3A_429 = arith.cmpf oeq, %parallel_loop3A_423, %get3A_52 : vector<16xf32>
      %parallel_loop3A_430 = vector.broadcast %parallel_loop3A_427 : i32 to vector<16xi32>
      %parallel_loop3A_431 = arith.cmpi sgt, %parallel_loop3A_430, %add3A_54 : vector<16xi32>
      %parallel_loop3A_432 = arith.andi %parallel_loop3A_429, %parallel_loop3A_431 : vector<16xi1>
      %parallel_loop3A_433 = arith.ori %parallel_loop3A_428, %parallel_loop3A_432 : vector<16xi1>
      %parallel_loop3A_434 = arith.select %parallel_loop3A_433, %broadcast_in_dim3A_0, %broadcast_in_dim3A_2 : vector<16xi1>, vector<16xi32>
      %parallel_loop3A_435 = arith.addi %parallel_loop3A_411, %parallel_loop3A_434 : vector<16xi32>
      %parallel_loop3A_436 = arith.constant 15 : i32
      %parallel_loop3A_437 = vector.broadcast %parallel_loop3A_436 : i32 to vector<16xi32>
      %parallel_loop3A_438 = arith.constant 0 : i32
      %parallel_loop3A_439 = vector.broadcast %parallel_loop3A_438 : i32 to vector<16xi32>
      %parallel_loop3A_440 = arith.cmpi slt, %parallel_loop3A_437, %parallel_loop3A_439 : vector<16xi32>
      %parallel_loop3A_441 = arith.constant 16 : i32
      %parallel_loop3A_442 = vector.broadcast %parallel_loop3A_441 : i32 to vector<16xi32>
      %parallel_loop3A_443 = arith.addi %parallel_loop3A_437, %parallel_loop3A_442 : vector<16xi32>
      %parallel_loop3A_444 = arith.select %parallel_loop3A_440, %parallel_loop3A_443, %parallel_loop3A_437 : vector<16xi1>, vector<16xi32>
      %parallel_loop3A_445 = vector.shape_cast %parallel_loop3A_444 : vector<16xi32> to vector<16x1xi32>
      %parallel_loop3A_446 = vector.shape_cast %parallel_loop3A_445 : vector<16x1xi32> to vector<16xi32>
      %parallel_loop3A_447 = tpu.dynamic_gather %parallel_loop3A_75[%parallel_loop3A_446] in [0] : vector<16xf32>, vector<16xi32> -> vector<16xf32>
      %parallel_loop3A_448 = arith.constant 16 : i32
      %parallel_loop3A_449 = arith.muli %parallel_loop3A_69, %parallel_loop3A_448 : i32
      %parallel_loop3A_450 = arith.constant 15 : i32
      %parallel_loop3A_451 = arith.addi %parallel_loop3A_449, %parallel_loop3A_450 : i32
      %parallel_loop3A_452 = arith.cmpf ogt, %parallel_loop3A_447, %get3A_52 : vector<16xf32>
      %parallel_loop3A_453 = arith.cmpf oeq, %parallel_loop3A_447, %get3A_52 : vector<16xf32>
      %parallel_loop3A_454 = vector.broadcast %parallel_loop3A_451 : i32 to vector<16xi32>
      %parallel_loop3A_455 = arith.cmpi sgt, %parallel_loop3A_454, %add3A_54 : vector<16xi32>
      %parallel_loop3A_456 = arith.andi %parallel_loop3A_453, %parallel_loop3A_455 : vector<16xi1>
      %parallel_loop3A_457 = arith.ori %parallel_loop3A_452, %parallel_loop3A_456 : vector<16xi1>
      %parallel_loop3A_458 = arith.select %parallel_loop3A_457, %broadcast_in_dim3A_0, %broadcast_in_dim3A_2 : vector<16xi1>, vector<16xi32>
      %parallel_loop3A_459 = arith.addi %parallel_loop3A_435, %parallel_loop3A_458 : vector<16xi32>
      scf.yield %parallel_loop3A_459 : vector<16xi32>
    } {sc.loop_unroll_factor = 4 : i64, sc.parallel_access}
    %swap3A_59 = arith.constant 32 : index
    %swap3A_60 = tpu.vector_load %arg5[%swap3A_59] {strides = array<i32>} : memref<48xi32, #tpu.memory_space<vmem>>, vector<16xi32>,
    %swap3A_61 = vector.shape_cast %swap3A_60 : vector<16xi32> to vector<16xi32>
    %swap3A_62 = vector.shape_cast %parallel_loop3A_58 : vector<16xi32> to vector<16xi32>
    tpu.vector_store %arg5[%swap3A_59], %swap3A_62 {strides = array<i32>} : memref<48xi32, #tpu.memory_space<vmem>>, vector<16xi32>,
    %swap3A_63 = arith.constant 32 : index
    %swap3A_64 = tpu.vector_load %arg6[%swap3A_63] {strides = array<i32>} : memref<48xi32, #tpu.memory_space<vmem>>, vector<16xi32>,
    %swap3A_65 = vector.shape_cast %swap3A_64 : vector<16xi32> to vector<16xi32>
    %swap3A_66 = vector.shape_cast %add3A_54 : vector<16xi32> to vector<16xi32>
    tpu.vector_store %arg6[%swap3A_63], %swap3A_66 {strides = array<i32>} : memref<48xi32, #tpu.memory_space<vmem>>, vector<16xi32>,
    "tpu.region"() ({
      %run_scoped3A = tpu.sem_alloc : memref<!tpu.dma_semaphore, #tpu.memory_space<semaphore_mem>>
      %dma_start3A = arith.constant 0 : i32
      %dma_start3A_69 = tpu.memref_slice %arg7[%dma_start3A] : memref<768xi32, #tpu.memory_space<vmem_shared>> -> memref<768xi32, #tpu.memory_space<vmem_shared>>
      tpu.enqueue_indirect_dma source(%arg6 : memref<48xi32, #tpu.memory_space<vmem>>) target(%dma_start3A_69 : memref<768xi32, #tpu.memory_space<vmem_shared>>) offsets(%arg5 : memref<48xi32, #tpu.memory_space<vmem>>) semaphore(%run_scoped3A : memref<!tpu.dma_semaphore, #tpu.memory_space<semaphore_mem>>)
      %dma_wait3A = arith.constant 0 : i32
      %dma_wait3A_70 = tpu.memref_slice %arg7[%dma_wait3A] : memref<768xi32, #tpu.memory_space<vmem_shared>> -> memref<768xi32, #tpu.memory_space<vmem_shared>>
      tpu.wait_indirect_dma semaphore(%run_scoped3A : memref<!tpu.dma_semaphore, #tpu.memory_space<semaphore_mem>>) src(%arg6 : memref<48xi32, #tpu.memory_space<vmem>>) dst(%dma_wait3A_70 : memref<768xi32, #tpu.memory_space<vmem_shared>>)
      tpu.yield
    }) : () -> ()
    %barrier3A = arith.constant 0 : index
    tpu.barrier barrier_id(%barrier3A)
    %eq3A = arith.constant 0 : i32
    %eq3A_67 = arith.cmpi eq, %arg1, %eq3A : i32
    %convert_element_type3A = arith.extui %eq3A_67 : i1 to i32
    %cond3A = arith.constant 0 : i32
    %cond3A_68 = arith.cmpi ne, %convert_element_type3A, %cond3A : i32
    scf.if %cond3A_68 {
      "tpu.region"() ({
        %run_scoped3A = tpu.sem_alloc : memref<!tpu.dma_semaphore, #tpu.memory_space<semaphore_mem>>
        %dma_start3A = arith.constant 0 : i32
        %dma_start3A_69 = tpu.memref_slice %arg7[%dma_start3A] : memref<768xi32, #tpu.memory_space<vmem_shared>> -> memref<384xi32, #tpu.memory_space<vmem_shared>>
        tpu.enqueue_dma source(%dma_start3A_69 : memref<384xi32, #tpu.memory_space<vmem_shared>>) target(%arg3 : memref<384xi32, #tpu.memory_space<hbm>>) target_semaphore(%run_scoped3A : memref<!tpu.dma_semaphore, #tpu.memory_space<semaphore_mem>>)
        %dma_wait3A = arith.constant 0 : i32
        %dma_wait3A_70 = tpu.memref_slice %arg7[%dma_wait3A] : memref<768xi32, #tpu.memory_space<vmem_shared>> -> memref<384xi32, #tpu.memory_space<vmem_shared>>
        tpu.wait_dma2 semaphore(%run_scoped3A : memref<!tpu.dma_semaphore, #tpu.memory_space<semaphore_mem>>) src(%dma_wait3A_70 : memref<384xi32, #tpu.memory_space<vmem_shared>>) dst(%arg3 : memref<384xi32, #tpu.memory_space<hbm>>)
        tpu.yield
      }) : () -> ()
    } else {
    }
    return
  }
}

module attributes {stable_mosaic.version = 14 : i64} {
  func.func @_mean_body(%arg0: memref<768x12544xf32, #tpu.memory_space<hbm>>, %arg1: memref<768x1xf32, #tpu.memory_space<vmem>>, %arg2: memref<96x12544xf32, #tpu.memory_space<vmem>>, %arg3: memref<96x12544xf32, #tpu.memory_space<vmem>>, %arg4: memref<96x12544xf32, #tpu.memory_space<vmem>>, %arg5: memref<96x12544xf32, #tpu.memory_space<vmem>>, %arg6: memref<!tpu.dma_semaphore, #tpu.memory_space<semaphore_mem>>, %arg7: memref<!tpu.dma_semaphore, #tpu.memory_space<semaphore_mem>>, %arg8: memref<!tpu.dma_semaphore, #tpu.memory_space<semaphore_mem>>, %arg9: memref<!tpu.dma_semaphore, #tpu.memory_space<semaphore_mem>>) attributes {dimension_semantics = [], scalar_prefetch = 0 : i64, scratch_operands = 8 : i64, tpu.core_type = #tpu.core_type<tc>} {
    %dma_start3A = arith.constant 0 : i32
    %dma_start3A_0 = arith.constant 0 : i32
    %dma_start3A_1 = tpu.memref_slice %arg0[%dma_start3A, %dma_start3A_0] : memref<768x12544xf32, #tpu.memory_space<hbm>> -> memref<96x12544xf32, #tpu.memory_space<hbm>>
    tpu.enqueue_dma source(%dma_start3A_1 : memref<96x12544xf32, #tpu.memory_space<hbm>>) target(%arg2 : memref<96x12544xf32, #tpu.memory_space<vmem>>) target_semaphore(%arg6 : memref<!tpu.dma_semaphore, #tpu.memory_space<semaphore_mem>>)
    %dma_start3A_2 = arith.constant 96 : i32
    %dma_start3A_3 = arith.constant 0 : i32
    %dma_start3A_4 = tpu.memref_slice %arg0[%dma_start3A_2, %dma_start3A_3] : memref<768x12544xf32, #tpu.memory_space<hbm>> -> memref<96x12544xf32, #tpu.memory_space<hbm>>
    tpu.enqueue_dma source(%dma_start3A_4 : memref<96x12544xf32, #tpu.memory_space<hbm>>) target(%arg3 : memref<96x12544xf32, #tpu.memory_space<vmem>>) target_semaphore(%arg7 : memref<!tpu.dma_semaphore, #tpu.memory_space<semaphore_mem>>)
    %dma_start3A_5 = arith.constant 192 : i32
    %dma_start3A_6 = arith.constant 0 : i32
    %dma_start3A_7 = tpu.memref_slice %arg0[%dma_start3A_5, %dma_start3A_6] : memref<768x12544xf32, #tpu.memory_space<hbm>> -> memref<96x12544xf32, #tpu.memory_space<hbm>>
    tpu.enqueue_dma source(%dma_start3A_7 : memref<96x12544xf32, #tpu.memory_space<hbm>>) target(%arg4 : memref<96x12544xf32, #tpu.memory_space<vmem>>) target_semaphore(%arg8 : memref<!tpu.dma_semaphore, #tpu.memory_space<semaphore_mem>>)
    %dma_start3A_8 = arith.constant 288 : i32
    %dma_start3A_9 = arith.constant 0 : i32
    %dma_start3A_10 = tpu.memref_slice %arg0[%dma_start3A_8, %dma_start3A_9] : memref<768x12544xf32, #tpu.memory_space<hbm>> -> memref<96x12544xf32, #tpu.memory_space<hbm>>
    tpu.enqueue_dma source(%dma_start3A_10 : memref<96x12544xf32, #tpu.memory_space<hbm>>) target(%arg5 : memref<96x12544xf32, #tpu.memory_space<vmem>>) target_semaphore(%arg9 : memref<!tpu.dma_semaphore, #tpu.memory_space<semaphore_mem>>)
    %dma_wait3A = arith.constant 0 : i32
    %dma_wait3A_11 = arith.constant 0 : i32
    %dma_wait3A_12 = tpu.memref_slice %arg0[%dma_wait3A, %dma_wait3A_11] : memref<768x12544xf32, #tpu.memory_space<hbm>> -> memref<96x12544xf32, #tpu.memory_space<hbm>>
    tpu.wait_dma2 semaphore(%arg6 : memref<!tpu.dma_semaphore, #tpu.memory_space<semaphore_mem>>) src(%dma_wait3A_12 : memref<96x12544xf32, #tpu.memory_space<hbm>>) dst(%arg2 : memref<96x12544xf32, #tpu.memory_space<vmem>>)
    %get3A = arith.constant 0 : index
    %get3A_13 = arith.constant 0 : index
    %get3A_14 = vector.load %arg2[%get3A, %get3A_13] : memref<96x12544xf32, #tpu.memory_space<vmem>>, vector<96x12544xf32>
    %reduce_sum3A = arith.constant dense<0.000000e+00> : vector<96xf32>
    %reduce_sum3A_15 = vector.multi_reduction <add>, %get3A_14, %reduce_sum3A [1] : vector<96x12544xf32> to vector<96xf32>
    %broadcast_in_dim3A = vector.shape_cast %reduce_sum3A_15 : vector<96xf32> to vector<96x1xf32>
    %mul3A = arith.constant 7.97193861E-5 : f32
    %mul3A_16 = vector.broadcast %mul3A : f32 to vector<96x1xf32>
    %mul3A_17 = arith.mulf %broadcast_in_dim3A, %mul3A_16 : vector<96x1xf32>
    %swap3A = arith.constant 0 : index
    %swap3A_18 = arith.constant 0 : index
    %swap3A_19 = vector.load %arg1[%swap3A, %swap3A_18] : memref<768x1xf32, #tpu.memory_space<vmem>>, vector<96x1xf32>
    tpu.vector_store %arg1[%swap3A, %swap3A_18], %mul3A_17 {strides = array<i32>} : memref<768x1xf32, #tpu.memory_space<vmem>>, vector<96x1xf32>,
    %dma_start3A_20 = arith.constant 384 : i32
    %dma_start3A_21 = arith.constant 0 : i32
    %dma_start3A_22 = tpu.memref_slice %arg0[%dma_start3A_20, %dma_start3A_21] : memref<768x12544xf32, #tpu.memory_space<hbm>> -> memref<96x12544xf32, #tpu.memory_space<hbm>>
    tpu.enqueue_dma source(%dma_start3A_22 : memref<96x12544xf32, #tpu.memory_space<hbm>>) target(%arg2 : memref<96x12544xf32, #tpu.memory_space<vmem>>) target_semaphore(%arg6 : memref<!tpu.dma_semaphore, #tpu.memory_space<semaphore_mem>>)
    %dma_wait3A_23 = arith.constant 96 : i32
    %dma_wait3A_24 = arith.constant 0 : i32
    %dma_wait3A_25 = tpu.memref_slice %arg0[%dma_wait3A_23, %dma_wait3A_24] : memref<768x12544xf32, #tpu.memory_space<hbm>> -> memref<96x12544xf32, #tpu.memory_space<hbm>>
    tpu.wait_dma2 semaphore(%arg7 : memref<!tpu.dma_semaphore, #tpu.memory_space<semaphore_mem>>) src(%dma_wait3A_25 : memref<96x12544xf32, #tpu.memory_space<hbm>>) dst(%arg3 : memref<96x12544xf32, #tpu.memory_space<vmem>>)
    %get3A_26 = arith.constant 0 : index
    %get3A_27 = arith.constant 0 : index
    %get3A_28 = vector.load %arg3[%get3A_26, %get3A_27] : memref<96x12544xf32, #tpu.memory_space<vmem>>, vector<96x12544xf32>
    %reduce_sum3A_29 = arith.constant dense<0.000000e+00> : vector<96xf32>
    %reduce_sum3A_30 = vector.multi_reduction <add>, %get3A_28, %reduce_sum3A_29 [1] : vector<96x12544xf32> to vector<96xf32>
    %broadcast_in_dim3A_31 = vector.shape_cast %reduce_sum3A_30 : vector<96xf32> to vector<96x1xf32>
    %mul3A_32 = arith.constant 7.97193861E-5 : f32
    %mul3A_33 = vector.broadcast %mul3A_32 : f32 to vector<96x1xf32>
    %mul3A_34 = arith.mulf %broadcast_in_dim3A_31, %mul3A_33 : vector<96x1xf32>
    %swap3A_35 = arith.constant 96 : index
    %swap3A_36 = arith.constant 0 : index
    %swap3A_37 = vector.load %arg1[%swap3A_35, %swap3A_36] : memref<768x1xf32, #tpu.memory_space<vmem>>, vector<96x1xf32>
    tpu.vector_store %arg1[%swap3A_35, %swap3A_36], %mul3A_34 {strides = array<i32>} : memref<768x1xf32, #tpu.memory_space<vmem>>, vector<96x1xf32>,
    %dma_start3A_38 = arith.constant 480 : i32
    %dma_start3A_39 = arith.constant 0 : i32
    %dma_start3A_40 = tpu.memref_slice %arg0[%dma_start3A_38, %dma_start3A_39] : memref<768x12544xf32, #tpu.memory_space<hbm>> -> memref<96x12544xf32, #tpu.memory_space<hbm>>
    tpu.enqueue_dma source(%dma_start3A_40 : memref<96x12544xf32, #tpu.memory_space<hbm>>) target(%arg3 : memref<96x12544xf32, #tpu.memory_space<vmem>>) target_semaphore(%arg7 : memref<!tpu.dma_semaphore, #tpu.memory_space<semaphore_mem>>)
    %dma_wait3A_41 = arith.constant 192 : i32
    %dma_wait3A_42 = arith.constant 0 : i32
    %dma_wait3A_43 = tpu.memref_slice %arg0[%dma_wait3A_41, %dma_wait3A_42] : memref<768x12544xf32, #tpu.memory_space<hbm>> -> memref<96x12544xf32, #tpu.memory_space<hbm>>
    tpu.wait_dma2 semaphore(%arg8 : memref<!tpu.dma_semaphore, #tpu.memory_space<semaphore_mem>>) src(%dma_wait3A_43 : memref<96x12544xf32, #tpu.memory_space<hbm>>) dst(%arg4 : memref<96x12544xf32, #tpu.memory_space<vmem>>)
    %get3A_44 = arith.constant 0 : index
    %get3A_45 = arith.constant 0 : index
    %get3A_46 = vector.load %arg4[%get3A_44, %get3A_45] : memref<96x12544xf32, #tpu.memory_space<vmem>>, vector<96x12544xf32>
    %reduce_sum3A_47 = arith.constant dense<0.000000e+00> : vector<96xf32>
    %reduce_sum3A_48 = vector.multi_reduction <add>, %get3A_46, %reduce_sum3A_47 [1] : vector<96x12544xf32> to vector<96xf32>
    %broadcast_in_dim3A_49 = vector.shape_cast %reduce_sum3A_48 : vector<96xf32> to vector<96x1xf32>
    %mul3A_50 = arith.constant 7.97193861E-5 : f32
    %mul3A_51 = vector.broadcast %mul3A_50 : f32 to vector<96x1xf32>
    %mul3A_52 = arith.mulf %broadcast_in_dim3A_49, %mul3A_51 : vector<96x1xf32>
    %swap3A_53 = arith.constant 192 : index
    %swap3A_54 = arith.constant 0 : index
    %swap3A_55 = vector.load %arg1[%swap3A_53, %swap3A_54] : memref<768x1xf32, #tpu.memory_space<vmem>>, vector<96x1xf32>
    tpu.vector_store %arg1[%swap3A_53, %swap3A_54], %mul3A_52 {strides = array<i32>} : memref<768x1xf32, #tpu.memory_space<vmem>>, vector<96x1xf32>,
    %dma_start3A_56 = arith.constant 576 : i32
    %dma_start3A_57 = arith.constant 0 : i32
    %dma_start3A_58 = tpu.memref_slice %arg0[%dma_start3A_56, %dma_start3A_57] : memref<768x12544xf32, #tpu.memory_space<hbm>> -> memref<96x12544xf32, #tpu.memory_space<hbm>>
    tpu.enqueue_dma source(%dma_start3A_58 : memref<96x12544xf32, #tpu.memory_space<hbm>>) target(%arg4 : memref<96x12544xf32, #tpu.memory_space<vmem>>) target_semaphore(%arg8 : memref<!tpu.dma_semaphore, #tpu.memory_space<semaphore_mem>>)
    %dma_wait3A_59 = arith.constant 288 : i32
    %dma_wait3A_60 = arith.constant 0 : i32
    %dma_wait3A_61 = tpu.memref_slice %arg0[%dma_wait3A_59, %dma_wait3A_60] : memref<768x12544xf32, #tpu.memory_space<hbm>> -> memref<96x12544xf32, #tpu.memory_space<hbm>>
    tpu.wait_dma2 semaphore(%arg9 : memref<!tpu.dma_semaphore, #tpu.memory_space<semaphore_mem>>) src(%dma_wait3A_61 : memref<96x12544xf32, #tpu.memory_space<hbm>>) dst(%arg5 : memref<96x12544xf32, #tpu.memory_space<vmem>>)
    %get3A_62 = arith.constant 0 : index
    %get3A_63 = arith.constant 0 : index
    %get3A_64 = vector.load %arg5[%get3A_62, %get3A_63] : memref<96x12544xf32, #tpu.memory_space<vmem>>, vector<96x12544xf32>
    %reduce_sum3A_65 = arith.constant dense<0.000000e+00> : vector<96xf32>
    %reduce_sum3A_66 = vector.multi_reduction <add>, %get3A_64, %reduce_sum3A_65 [1] : vector<96x12544xf32> to vector<96xf32>
    %broadcast_in_dim3A_67 = vector.shape_cast %reduce_sum3A_66 : vector<96xf32> to vector<96x1xf32>
    %mul3A_68 = arith.constant 7.97193861E-5 : f32
    %mul3A_69 = vector.broadcast %mul3A_68 : f32 to vector<96x1xf32>
    %mul3A_70 = arith.mulf %broadcast_in_dim3A_67, %mul3A_69 : vector<96x1xf32>
    %swap3A_71 = arith.constant 288 : index
    %swap3A_72 = arith.constant 0 : index
    %swap3A_73 = vector.load %arg1[%swap3A_71, %swap3A_72] : memref<768x1xf32, #tpu.memory_space<vmem>>, vector<96x1xf32>
    tpu.vector_store %arg1[%swap3A_71, %swap3A_72], %mul3A_70 {strides = array<i32>} : memref<768x1xf32, #tpu.memory_space<vmem>>, vector<96x1xf32>,
    %dma_start3A_74 = arith.constant 672 : i32
    %dma_start3A_75 = arith.constant 0 : i32
    %dma_start3A_76 = tpu.memref_slice %arg0[%dma_start3A_74, %dma_start3A_75] : memref<768x12544xf32, #tpu.memory_space<hbm>> -> memref<96x12544xf32, #tpu.memory_space<hbm>>
    tpu.enqueue_dma source(%dma_start3A_76 : memref<96x12544xf32, #tpu.memory_space<hbm>>) target(%arg5 : memref<96x12544xf32, #tpu.memory_space<vmem>>) target_semaphore(%arg9 : memref<!tpu.dma_semaphore, #tpu.memory_space<semaphore_mem>>)
    %dma_wait3A_77 = arith.constant 384 : i32
    %dma_wait3A_78 = arith.constant 0 : i32
    %dma_wait3A_79 = tpu.memref_slice %arg0[%dma_wait3A_77, %dma_wait3A_78] : memref<768x12544xf32, #tpu.memory_space<hbm>> -> memref<96x12544xf32, #tpu.memory_space<hbm>>
    tpu.wait_dma2 semaphore(%arg6 : memref<!tpu.dma_semaphore, #tpu.memory_space<semaphore_mem>>) src(%dma_wait3A_79 : memref<96x12544xf32, #tpu.memory_space<hbm>>) dst(%arg2 : memref<96x12544xf32, #tpu.memory_space<vmem>>)
    %get3A_80 = arith.constant 0 : index
    %get3A_81 = arith.constant 0 : index
    %get3A_82 = vector.load %arg2[%get3A_80, %get3A_81] : memref<96x12544xf32, #tpu.memory_space<vmem>>, vector<96x12544xf32>
    %reduce_sum3A_83 = arith.constant dense<0.000000e+00> : vector<96xf32>
    %reduce_sum3A_84 = vector.multi_reduction <add>, %get3A_82, %reduce_sum3A_83 [1] : vector<96x12544xf32> to vector<96xf32>
    %broadcast_in_dim3A_85 = vector.shape_cast %reduce_sum3A_84 : vector<96xf32> to vector<96x1xf32>
    %mul3A_86 = arith.constant 7.97193861E-5 : f32
    %mul3A_87 = vector.broadcast %mul3A_86 : f32 to vector<96x1xf32>
    %mul3A_88 = arith.mulf %broadcast_in_dim3A_85, %mul3A_87 : vector<96x1xf32>
    %swap3A_89 = arith.constant 384 : index
    %swap3A_90 = arith.constant 0 : index
    %swap3A_91 = vector.load %arg1[%swap3A_89, %swap3A_90] : memref<768x1xf32, #tpu.memory_space<vmem>>, vector<96x1xf32>
    tpu.vector_store %arg1[%swap3A_89, %swap3A_90], %mul3A_88 {strides = array<i32>} : memref<768x1xf32, #tpu.memory_space<vmem>>, vector<96x1xf32>,
    %dma_wait3A_92 = arith.constant 480 : i32
    %dma_wait3A_93 = arith.constant 0 : i32
    %dma_wait3A_94 = tpu.memref_slice %arg0[%dma_wait3A_92, %dma_wait3A_93] : memref<768x12544xf32, #tpu.memory_space<hbm>> -> memref<96x12544xf32, #tpu.memory_space<hbm>>
    tpu.wait_dma2 semaphore(%arg7 : memref<!tpu.dma_semaphore, #tpu.memory_space<semaphore_mem>>) src(%dma_wait3A_94 : memref<96x12544xf32, #tpu.memory_space<hbm>>) dst(%arg3 : memref<96x12544xf32, #tpu.memory_space<vmem>>)
    %get3A_95 = arith.constant 0 : index
    %get3A_96 = arith.constant 0 : index
    %get3A_97 = vector.load %arg3[%get3A_95, %get3A_96] : memref<96x12544xf32, #tpu.memory_space<vmem>>, vector<96x12544xf32>
    %reduce_sum3A_98 = arith.constant dense<0.000000e+00> : vector<96xf32>
    %reduce_sum3A_99 = vector.multi_reduction <add>, %get3A_97, %reduce_sum3A_98 [1] : vector<96x12544xf32> to vector<96xf32>
    %broadcast_in_dim3A_100 = vector.shape_cast %reduce_sum3A_99 : vector<96xf32> to vector<96x1xf32>
    %mul3A_101 = arith.constant 7.97193861E-5 : f32
    %mul3A_102 = vector.broadcast %mul3A_101 : f32 to vector<96x1xf32>
    %mul3A_103 = arith.mulf %broadcast_in_dim3A_100, %mul3A_102 : vector<96x1xf32>
    %swap3A_104 = arith.constant 480 : index
    %swap3A_105 = arith.constant 0 : index
    %swap3A_106 = vector.load %arg1[%swap3A_104, %swap3A_105] : memref<768x1xf32, #tpu.memory_space<vmem>>, vector<96x1xf32>
    tpu.vector_store %arg1[%swap3A_104, %swap3A_105], %mul3A_103 {strides = array<i32>} : memref<768x1xf32, #tpu.memory_space<vmem>>, vector<96x1xf32>,
    %dma_wait3A_107 = arith.constant 576 : i32
    %dma_wait3A_108 = arith.constant 0 : i32
    %dma_wait3A_109 = tpu.memref_slice %arg0[%dma_wait3A_107, %dma_wait3A_108] : memref<768x12544xf32, #tpu.memory_space<hbm>> -> memref<96x12544xf32, #tpu.memory_space<hbm>>
    tpu.wait_dma2 semaphore(%arg8 : memref<!tpu.dma_semaphore, #tpu.memory_space<semaphore_mem>>) src(%dma_wait3A_109 : memref<96x12544xf32, #tpu.memory_space<hbm>>) dst(%arg4 : memref<96x12544xf32, #tpu.memory_space<vmem>>)
    %get3A_110 = arith.constant 0 : index
    %get3A_111 = arith.constant 0 : index
    %get3A_112 = vector.load %arg4[%get3A_110, %get3A_111] : memref<96x12544xf32, #tpu.memory_space<vmem>>, vector<96x12544xf32>
    %reduce_sum3A_113 = arith.constant dense<0.000000e+00> : vector<96xf32>
    %reduce_sum3A_114 = vector.multi_reduction <add>, %get3A_112, %reduce_sum3A_113 [1] : vector<96x12544xf32> to vector<96xf32>
    %broadcast_in_dim3A_115 = vector.shape_cast %reduce_sum3A_114 : vector<96xf32> to vector<96x1xf32>
    %mul3A_116 = arith.constant 7.97193861E-5 : f32
    %mul3A_117 = vector.broadcast %mul3A_116 : f32 to vector<96x1xf32>
    %mul3A_118 = arith.mulf %broadcast_in_dim3A_115, %mul3A_117 : vector<96x1xf32>
    %swap3A_119 = arith.constant 576 : index
    %swap3A_120 = arith.constant 0 : index
    %swap3A_121 = vector.load %arg1[%swap3A_119, %swap3A_120] : memref<768x1xf32, #tpu.memory_space<vmem>>, vector<96x1xf32>
    tpu.vector_store %arg1[%swap3A_119, %swap3A_120], %mul3A_118 {strides = array<i32>} : memref<768x1xf32, #tpu.memory_space<vmem>>, vector<96x1xf32>,
    %dma_wait3A_122 = arith.constant 672 : i32
    %dma_wait3A_123 = arith.constant 0 : i32
    %dma_wait3A_124 = tpu.memref_slice %arg0[%dma_wait3A_122, %dma_wait3A_123] : memref<768x12544xf32, #tpu.memory_space<hbm>> -> memref<96x12544xf32, #tpu.memory_space<hbm>>
    tpu.wait_dma2 semaphore(%arg9 : memref<!tpu.dma_semaphore, #tpu.memory_space<semaphore_mem>>) src(%dma_wait3A_124 : memref<96x12544xf32, #tpu.memory_space<hbm>>) dst(%arg5 : memref<96x12544xf32, #tpu.memory_space<vmem>>)
    %get3A_125 = arith.constant 0 : index
    %get3A_126 = arith.constant 0 : index
    %get3A_127 = vector.load %arg5[%get3A_125, %get3A_126] : memref<96x12544xf32, #tpu.memory_space<vmem>>, vector<96x12544xf32>
    %reduce_sum3A_128 = arith.constant dense<0.000000e+00> : vector<96xf32>
    %reduce_sum3A_129 = vector.multi_reduction <add>, %get3A_127, %reduce_sum3A_128 [1] : vector<96x12544xf32> to vector<96xf32>
    %broadcast_in_dim3A_130 = vector.shape_cast %reduce_sum3A_129 : vector<96xf32> to vector<96x1xf32>
    %mul3A_131 = arith.constant 7.97193861E-5 : f32
    %mul3A_132 = vector.broadcast %mul3A_131 : f32 to vector<96x1xf32>
    %mul3A_133 = arith.mulf %broadcast_in_dim3A_130, %mul3A_132 : vector<96x1xf32>
    %swap3A_134 = arith.constant 672 : index
    %swap3A_135 = arith.constant 0 : index
    %swap3A_136 = vector.load %arg1[%swap3A_134, %swap3A_135] : memref<768x1xf32, #tpu.memory_space<vmem>>, vector<96x1xf32>
    tpu.vector_store %arg1[%swap3A_134, %swap3A_135], %mul3A_133 {strides = array<i32>} : memref<768x1xf32, #tpu.memory_space<vmem>>, vector<96x1xf32>,
    return
  }
}

</mosaic_0001>

<sc_bundles>
// kernel: kernel.4.cloned.1.call-start
scs
__scs_entry_jumppad:
0x0: {  	(pc) =	sbr.rel $0x88, $3  }
0x1: {  	(tag) =	ssettag $0x0;
	lr =	simm.s32 $0x1  }
0x2: {  	[smem:$0x3FA0] =	sst lr;
	_ =	strace $0xD0000000  }
0x3: {  	_ = 	snop  }
0x4: {  	_ = 	snop  }
0x5: {  	_ = 	snop  }
0x6: {  	_ = 	snop  }
0x7: {  	_ = 	snop  }
__scs_overlays_trampoline_lowered:
0x8: {  	[smem:$0x3FAF] =	sst s0  }
0x9: {  	[smem:$0x3FB0] =	sst s1  }
0xa: {  	[smem:$0x3FB1] =	sst s2  }
0xb: {  	[smem:$0x3FB2] =	sst s3  }
0xc: {  	[smem:$0x3FB3] =	sst s4  }
0xd: {  	[smem:$0x3FB4] =	sst s5  }
0xe: {  	[smem:$0x3FB5] =	sst s6  }
0xf: {  	[smem:$0x3FB6] =	sst s7  }
0x10: {  	[smem:$0x3FB7] =	sst s8  }
0x11: {  	[smem:$0x3FB8] =	sst s9;
	s0 =	simm.s32 @!p0 $0x0  }
0x12: {  	s1 =	sld [smem:$0x3F9E];
	s0 =	simm.s32 @p0 $0x1  }
0x13: {  	[smem:$0x3FB9] =	sst s0;
	s0 =	simm.s32 @!p1 $0x0  }
0x14: {  	s2 =	sld [smem:$0x3F9D];
	s0 =	simm.s32 @p1 $0x1  }
0x15: {  	[smem:$0x3FBA] =	sst s0;
	s0 =	simm.s32 @!p2 $0x0  }
0x16: {  	s3 =	sld [smem:$0x3FDB];
	s0 =	simm.s32 @p2 $0x1  }
0x17: {  	s4 =	simm.s32 $0x1BF5;
	[smem:$0x3FBC] =	sst s0  }
0x18: {  	s0 =	sld [smem:$0x3F9F];
	_ =	swait.ge [sflag:s4], $0x0  }
0x19: {  	s7 =	sld [smem:$0x3FA0]  }
0x1a: {  	s8 =	sadd.s32 $0xFFFFE003, lr  }
0x1b: {  	s9 =	sadd.s32 $0xFFFFFEF7, lr;
	s5 =	simm.s32 $0xFFFFFFFF;
	p2 =	slt.u32 s8, $0xFFFFF086  }
0x1c: {  	p1 =	slt.u32 s9, $0xF7A;
	s5 =	simm.s32 @!p2 $0x0  }
0x1d: {  	s5 =	simm.s32 @p1 $0x1;
	p0 =	seq.s32 s7, s2  }
0x1e: {  	s7 =	smul.u32 @!p0 $0xF7A, s2;
	p2 =	seq.s32 @!p0 s5, $0x0  }
0x1f: {  	s9 =	smul.u32 $0xF7A, s1;
	s8 =	simm.s32 @!p0 $0x1BF5;
	p2 =	por !p2, p0  }
0x20: {  	[sflag:s8] =	ssyncset.s32 @!p0 $0xFFFFF086;
	s6 =	sadd.s32 @!p0 s3, s7;
	s7 =	simm.s32 @!p0 $0x108  }
0x21: {  	s3 =	sadd.s32 s3, s9;
	s6 =	sadd.s32 @!p0 $0x88, s6;
	s7 =	simm.s32 @p2 $0x1082  }
0x22: {  	[simem:s7], [sflag:s8] =	dma.local @!p0 [hbm:s6], $0xF7A  }
0x23: {  	s9 =	sor.u32 $0xD0000000, s2;
	s6 =	simm.s32 $0x108;
	_ =	swait.ge @!p0 [sflag:s8], $0x0  }
0x24: {  	s3 =	sadd.s32 $0x88, s3;
	s6 =	simm.s32 @!p1 $0x1082;
	[sflag:s4] =	ssyncset.s32 $0xFFFFF086  }
0x25: {  	[simem:s6], [sflag:s4] =	dma.local [hbm:s3], $0xF7A  }
0x26: {  	[smem:$0x3FA0] =	sst s1;
	(tag) =	ssettag s2;
	_ =	strace s9  }
0x27: {  	s1 =	sld [smem:$0x3FB0]  }
0x28: {  	s2 =	sld [smem:$0x3FB1]  }
0x29: {  	s4 =	sld [smem:$0x3FB3]  }
0x2a: {  	p0 =	seq.s32 s5, $0x0;
	s5 =	sld [smem:$0x3FB4]  }
0x2b: {  	s6 =	sld [smem:$0x3FB5]  }
0x2c: {  	s7 =	sld [smem:$0x3FB6]  }
0x2d: {  	s3 =	simm.s32 $0x108;
	s8 =	sld [smem:$0x3FB7]  }
0x2e: {  	s3 =	simm.s32 @!p0 $0x1082;
	s9 =	sld [smem:$0x3FB8]  }
0x2f: {  	lr =	sadd.s32 s0, s3;
	s0 =	sld [smem:$0x3FAF]  }
0x30: {  	s3 =	sld [smem:$0x3FB2]  }
0x31: {  	[smem:$0x3FBB] =	sst s10  }
0x32: {  	s10 =	sld [smem:$0x3FB9];
	_ =	sdelay $0x3  }
0x33: {  	p0 =	seq.s32 s10, $0x1;
	s10 =	sld [smem:$0x3FBB];
	_ =	sdelay $0x3  }
0x34: {  	[smem:$0x3FBB] =	sst s10  }
0x35: {  	s10 =	sld [smem:$0x3FBA];
	_ =	sdelay $0x3  }
0x36: {  	p1 =	seq.s32 s10, $0x1;
	s10 =	sld [smem:$0x3FBB];
	_ =	sdelay $0x3  }
0x37: {  	[smem:$0x3FBB] =	sst s10  }
0x38: {  	s10 =	sld [smem:$0x3FBC]  }
0x39: {  	_ = 	snop;
	(pc) =	sbr.ind lr, $3  }
0x3a: {  	_ = 	snop  }
0x3b: {  	_ = 	snop  }
0x3c: {  	p2 =	seq.s32 s10, $0x1;
	s10 =	sld [smem:$0x3FBB]  }
0x3d: {  	_ =	shalt  }
0x3e: {  	_ =	shalt  }
0x3f: {  	_ =	shalt  }
0x40: {  	_ =	shalt  }
0x41: {  	_ =	shalt  }
0x42: {  	_ =	shalt  }
0x43: {  	_ =	shalt  }
0x44: {  	_ =	shalt  }
0x45: {  	_ =	shalt  }
0x46: {  	_ =	shalt  }
0x47: {  	_ =	shalt  }
0x48: {  	_ =	shalt  }
0x49: {  	_ =	shalt  }
0x4a: {  	_ =	shalt  }
0x4b: {  	_ =	shalt  }
0x4c: {  	_ =	shalt  }
0x4d: {  	_ =	shalt  }
0x4e: {  	_ =	shalt  }
0x4f: {  	_ =	shalt  }
0x50: {  	_ =	shalt  }
0x51: {  	_ =	shalt  }
0x52: {  	_ =	shalt  }
0x53: {  	_ =	shalt  }
0x54: {  	_ =	shalt  }
0x55: {  	_ =	shalt  }
0x56: {  	_ =	shalt  }
0x57: {  	_ =	shalt  }
0x58: {  	_ =	shalt  }
0x59: {  	_ =	shalt  }
0x5a: {  	_ =	shalt  }
0x5b: {  	_ =	shalt  }
0x5c: {  	_ =	shalt  }
0x5d: {  	_ =	shalt  }
0x5e: {  	_ =	shalt  }
0x5f: {  	_ =	shalt  }
0x60: {  	_ =	shalt  }
0x61: {  	_ =	shalt  }
0x62: {  	_ =	shalt  }
0x63: {  	_ =	shalt  }
0x64: {  	_ =	shalt  }
0x65: {  	_ =	shalt  }
0x66: {  	_ =	shalt  }
0x67: {  	_ =	shalt  }
0x68: {  	_ =	shalt  }
0x69: {  	_ =	shalt  }
0x6a: {  	_ =	shalt  }
0x6b: {  	_ =	shalt  }
0x6c: {  	_ =	shalt  }
0x6d: {  	_ =	shalt  }
0x6e: {  	_ =	shalt  }
0x6f: {  	_ =	shalt  }
0x70: {  	_ =	shalt  }
0x71: {  	_ =	shalt  }
0x72: {  	_ =	shalt  }
0x73: {  	_ =	shalt  }
0x74: {  	_ =	shalt  }
0x75: {  	_ =	shalt  }
0x76: {  	_ =	shalt  }
0x77: {  	_ =	shalt  }
0x78: {  	_ =	shalt  }
0x79: {  	_ =	shalt  }
0x7a: {  	_ =	shalt  }
0x7b: {  	_ =	shalt  }
0x7c: {  	_ =	shalt  }
0x7d: {  	_ =	shalt  }
0x7e: {  	_ =	shalt  }
0x7f: {  	_ =	shalt  }
0x80: {  	_ =	shalt  }
0x81: {  	_ =	shalt  }
0x82: {  	_ =	shalt  }
0x83: {  	_ =	shalt  }
0x84: {  	_ =	shalt  }
0x85: {  	_ =	shalt  }
0x86: {  	_ =	shalt  }
0x87: {  	_ =	shalt  }
.Lfunc_end0:
.L_simem_size_0:
called_computation_lowered:
.L_overlay_start_0:
0x88: {  	s0 =	sld [smem:$0x3FD9]  }
0x89: {  	s1 =	sld [smem:$0x3FFE];
	_ =	sdelay $0x3  }
0x8a: {  	s0 =	sadd.s32 s1, s0  }
0x8b: {  	[smem:$0x3FC7] =	sst s0  }
0x8c: {  	_ = 	snop  }
0x8d: {  	s0 =	sld [smem:$0x3FD0];
	(tm) =	ssettm $0x1  }
0x8e: {  	s16 =	sld [smem:$0x3FFB];
	_ =	sdelay $0x3  }
0x8f: {  	_ =	strace s16  }
0x90: {  	s1 =	sld [smem:$0x3FFC];
	_ =	sdelay $0x3  }
0x91: {  	_ =	strace s1  }
0x92: {  	s1 =	sld [smem:$0x3FFD];
	_ =	sdelay $0x3  }
0x93: {  	_ =	strace s1  }
0x94: {  	_ =	strace $0x8FFFFFFF  }
0x95: {  	s17 =	sld [smem:$0x3FDB];
	_ =	sdelay $0x1  }
0x96: {  	s2 =	simm.s32 $_scs_section_size  }
0x97: {  	s3 =	simm.s32 $_size__tile_overlayer_lowered;
	s4 =	simm.s32 $_tile_overlayer_lowered  }
0x98: {  	s20 =	simm.s32 $0x1BFF;
	s19 =	sshll.u32 s4, $0x1;
	s1 =	sadd.s32 s2, s17  }
0x99: {  	s5 =	simm.s32 $0x0;
	s18 =	sshll.u32 s3, $0x1;
	s3 =	sadd.s32 s19, s1  }
0x9a: {  	[timem:s5], [sflag:s20] =	dma.local [hbm:s3], s18  }
0x9b: {  	_ =	swait.ge [sflag:s20], s18  }
0x9c: {  	s2 =	ssub.s32 $0x0, s18;
	[sflag:s20] =	ssyncset.done $0x0  }
0x9d: {  	[sflag:s20] =	ssyncadd.s32 s2;
	_ =	sdelay $0x1  }
0x9e: {  	s21 =	simm.s32 $0x1B8B  }
0x9f: {  	_ =	swait.ge [sflag:s21], $0x1  }
0xa0: {  	[sflag:s21] =	ssyncset.done $0x0  }
0xa1: {  	s23 =	simm.s32 $0x1B8E;
	s22 =	sld [smem:$0x3FFE];
	[sflag:s21] =	ssyncadd.s32 $0xFFFFFFFF  }
0xa2: {  	s24 =	simm.s32 $execute0_lowered;
	[smem:$0x3FD2] =	sst s23  }
0xa3: {  	s3 =	sshll.u32 s24, $0x1;
	_ =	strace $0x80000046;
	[dreg:$0x1] =	wrdreg $0xFFFFFFFF  }
0xa4: {  	s25 =	simm.s32 $_size_execute0_lowered;
	s1 =	sadd.s32 s1, s3;
	[dreg:$0x0] =	wrdreg $0x0  }
0xa5: {  	s3 =	sshll.u32 s25, $0x1;
	[dreg:$0x2] =	wrdreg s1  }
0xa6: {  	[dreg:$0x3] =	wrdreg s3  }
0xa7: {  	[dreg:$0x4] =	wrdreg $0xC0  }
0xa8: {  	_ =	task [dreg:s5], $0x5FFFF  }
0xa9: {  	[dreg:$0x1] =	wrdreg $0xFFFFFFFF  }
0xaa: {  	[dreg:$0x0] =	wrdreg $0x60  }
0xab: {  	[dreg:$0x2] =	wrdreg s22  }
0xac: {  	[dreg:$0x3] =	wrdreg s0  }
0xad: {  	[dreg:$0x4] =	wrdreg $0x4000  }
0xae: {  	[dreg:$0x5] =	wrdreg $0x9  }
0xaf: {  	_ =	task.clear_ibuf [dreg:s5], $0x6FFFF;
	_ =	strace $0x90000046  }
0xb0: {  	s26 =	simm.s32 $0x9;
	_ =	strace $0x80000048  }
0xb1: {  	_ =	swait.ge [sflag:s26], $0x1  }
0xb2: {  	[sflag:s26] =	ssyncadd.s32 $0xFFFFFFFF  }
0xb3: {  	_ =	strace $0x90000048  }
0xb4: {  	_ =	sfence  }
0xb5: {  	s28 =	sld [smem:$0x0];
	_ =	sdelay $0x1  }
0xb6: {  	s29 =	srdreg.scid  }
0xb7: {  	s30 =	sshll.u32 s29, $0xD;
	s31 =	sshrl.u32 s29, $0x2  }
0xb8: {  	s2 =	sand.u32 $0x4000, s30;
	s1 =	sand.u32 $0x1, s29;
	s0 =	sadd.s32 s31, s28  }
0xb9: {  	s1 =	sor.u32 s2, s1;
	s0 =	sshll.u32 s0, $0x11  }
0xba: {  	s0 =	sor.u32 s0, s1  }
0xbb: {  	s0 =	sadd.s32 $0x8F2B, s0  }
0xbc: {  	[sflag:s0] =	ssyncadd.remote.s32 $0x1  }
0xbd: {  	_ =	sfence.sel $0xFFFF  }
0xbe: {  	[dreg:$0x0] =	wrdreg $0xFFFFFFFF;
	(pc) =	sbr.abs _section_cstart, $3  }
0xbf: {  	[dreg:$0x1] =	wrdreg $0xFFFFFFFF  }
0xc0: {  	_ =	task.clear_ibuf [dreg:s5], $0x2FFFF;
	_ =	strace $0x9FFFFFFF  }
0xc1: {  	(tm) =	ssettm $0x7FFFFFFF  }
tec
execute0_lowered:
.L_overlay_start_1:
0x0: {  	(tag) =	ssettag $0x1  }
0x1: {  	s6 =	rddreg [dreg:$0x0]  }
0x2: {  	s1 =	rddreg [dreg:$0x1];
	v0 =	vlaneseq.u32  }
0x3: {  	s2 =	rddreg [dreg:$0x2];
	v1 =	vimm.s32 $0x0;
	v2 =	vimm.s32 $0x1;
	v3 =	vimm.s32 $0x2  }
0x4: {  	s3 =	stileid.u32;
	s0 =	rddreg [dreg:$0x3];
	v4 =	vimm.s32 $0x3;
	v5 =	vimm.s32 $0x4;
	v6 =	vimm.s32 $0x5  }
0x5: {  	_ =	strace $0x80000047;
	s5 =	simm.s32 $0x0;
	s18 =	simm.s32 $0x1;
	v7 =	vimm.s32 $0x6;
	v8 =	vimm.s32 $0x7;
	v9 =	vimm.s32 $0x8  }
0x6: {  	v10 =	vimm.s32 $0x9;
	v11 =	vimm.s32 $0xA;
	s7 =	simm.s32 $0xF;
	v12 =	vimm.s32 $0xB;
	s19 =	simm.s32 $0xE;
	s8 =	simm.s32 $0xC  }
0x7: {  	v13 =	vimm.s32 $0xC;
	v14 =	vimm.s32 $0xD;
	v15 =	vimm.s32 $0xE;
	s9 =	simm.s32 $0xD;
	s21 =	simm.s32 $0x8;
	s22 =	simm.s32 $0x9  }
0x8: {  	v16 =	vimm.s32 $0xF;
	s10 =	simm.s32 $0xA;
	s23 =	simm.s32 $0x5;
	s24 =	simm.s32 $0x6;
	v17 =	vmov s7;
	v18 =	vmov s19  }
0x9: {  	s25 =	simm.s32 $0x7;
	s26 =	simm.s32 $0x2;
	s4 =	smul.u32 $0x30, s3;
	v19 =	vmov s8;
	v20 =	vmov s9;
	v21 =	vmov s21  }
0xa: {  	[tilespmem:s5], [sflag:$0x1] =	stream.linear.gather [hbm4b:s6+s5], $0x300, $0x38;
	v22 =	vmov s22;
	v23 =	vmov s10;
	v24 =	vmov s23;
	[tilespmem:$0x430] =	vst v63  }
0xb: {  	s28 =	simm.s32 $0x3;
	s29 =	simm.s32 $0x4;
	v26 =	vmov s24;
	v27 =	vmov s25;
	v28 =	vmov s26;
	_ =	swait.ge [sflag:s18], $0x300  }
0xc: {  	s30 =	simm.s32 $0x0;
	s31 =	simm.s32 $0x1;
	v29 =	vmov s28;
	v30 =	vmov s29;
	v0 =	vor.u32 s4, v0;
	[sflag:s18] =	ssyncset.done $0x0  }
0xd: {  	s20 =	simm.s32 $0xB;
	v31 =	vmov s30;
	v32 =	vmov s31;
	[sflag:s18] =	ssyncadd.s32 $0xFFFFFD00;
	vm3 =	vgt.u32 v17, v0  }
0xe: {  	v17 =	vmov s20;
	vm8 =	vgt.u32 v18, v0;
	vm11 =	vgt.u32 v19, v0;
	v25 =	vld [tilespmem:s5+$0x0]  }
0xf: {  	vm12 =	vgt.u32 v20, v0;
	vm7 =	vgt.u32 v21, v0;
	vm13 =	vgt.u32 v22, v0  }
0x10: {  	vm0 =	vgt.u32 v23, v0;
	vm4 =	vgt.u32 v17, v0;
	v17 =	vimm.s32 $0x0  }
0x11: {  	vm9 =	vgt.u32 v27, v0;
	vm10 =	vgt.u32 v24, v0;
	v17 =	vsel vm0, $0xFFFFFFFF, v17  }
0x12: {  	v18 =	vimm.s32 $0x0;
	vm0 =	vgt.u32 v26, v0;
	[tilespmem:$0x1FEA0] =	vst v17;
	v17 =	vimm.s32 $0x0  }
0x13: {  	v17 =	vsel vm0, $0xFFFFFFFF, v17;
	vm0 =	vgt.u32 v30, v0;
	v33 =	vperm.xlane v25, v15  }
0x14: {  	v18 =	vsel vm0, $0xFFFFFFFF, v18;
	v27 =	vperm.xlane v25, v16;
	v34 =	vperm.xlane v25, v13  }
0x15: {  	vm0 =	vgt.u32 v29, v0;
	v26 =	vperm.xlane v25, v14;
	v35 =	vperm.xlane v25, v11  }
0x16: {  	v36 =	vperm.xlane v25, v12;
	v37 =	vperm.xlane v25, v9;
	[tilespmem:$0x1FEC0] =	vst v18;
	v18 =	vimm.s32 $0x0  }
0x17: {  	[tilespmem:$0x1FEB0] =	vst v17;
	v62 =	vperm.xlane v25, v10;
	v38 =	vperm.xlane v25, v7;
	v18 =	vsel vm0, $0xFFFFFFFF, v18  }
0x18: {  	v17 =	vld [tilespmem:s4+$0x0];
	v63 =	vperm.xlane v25, v8;
	vm0 =	vgt.u32 v28, v0;
	[tilespmem:$0x1FED0] =	vst v18;
	v18 =	vimm.s32 $0x0  }
0x19: {  	v19 =	vperm.xlane v25, v5;
	v24 =	vperm.xlane v25, v6;
	v18 =	vsel vm0, $0xFFFFFFFF, v18  }
0x1a: {  	v20 =	vperm.xlane v25, v3;
	vm0 =	vgt.u32 v32, v0;
	[tilespmem:$0x1FEE0] =	vst v18;
	v18 =	vimm.s32 $0x0  }
0x1b: {  	v21 =	vperm.xlane v25, v4;
	v23 =	vperm.xlane v25, v1;
	v18 =	vsel vm0, $0xFFFFFFFF, v18  }
0x1c: {  	v22 =	vperm.xlane v25, v2;
	vm0 =	vgt.u32 v31, v0;
	[tilespmem:$0x1FEF0] =	vst v18;
	v18 =	vimm.s32 $0x0  }
0x1d: {  	v25 =	vimm.s32 $0x0;
	v18 =	vsel vm0, $0xFFFFFFFF, v18;
	vm0 =	vgt.f32 v33, v17  }
0x1e: {  	v25 =	vsel vm0, $0xFFFFFFFF, v25  }
0x1f: {  	vm0 =	vgt.f32 v27, v17;
	[tilespmem:$0x1FF10] =	vst v25;
	v25 =	vimm.s32 $0x0  }
0x20: {  	v25 =	vsel vm0, $0xFFFFFFFF, v25  }
0x21: {  	vm0 =	veq.f32 v27, v17;
	[tilespmem:$0x1FF20] =	vst v25;
	v25 =	vimm.s32 $0x0  }
0x22: {  	v25 =	vsel vm0, $0xFFFFFFFF, v25  }
0x23: {  	vm0 =	vgt.f32 v34, v17;
	[tilespmem:$0x1FF30] =	vst v25;
	v25 =	vimm.s32 $0x0  }
0x24: {  	v25 =	vsel vm0, $0xFFFFFFFF, v25  }
0x25: {  	vm0 =	vgt.f32 v26, v17;
	[tilespmem:$0x1FF40] =	vst v25;
	v25 =	vimm.s32 $0x0  }
0x26: {  	v25 =	vsel vm0, $0xFFFFFFFF, v25  }
0x27: {  	vm0 =	veq.f32 v33, v17;
	[tilespmem:$0x1FF50] =	vst v25;
	v25 =	vimm.s32 $0x0  }
0x28: {  	v25 =	vsel vm0, $0xFFFFFFFF, v25  }
0x29: {  	vm0 =	vgt.f32 v36, v17;
	[tilespmem:$0x1FF60] =	vst v25;
	v25 =	vimm.s32 $0x0  }
0x2a: {  	v25 =	vsel vm0, $0xFFFFFFFF, v25  }
0x2b: {  	vm0 =	veq.f32 v34, v17;
	[tilespmem:$0x1FF70] =	vst v25;
	v25 =	vimm.s32 $0x0  }
0x2c: {  	v25 =	vsel vm0, $0xFFFFFFFF, v25  }
0x2d: {  	vm2 =	vgt.f32 v62, v17;
	[tilespmem:$0x1FF80] =	vst v25;
	v25 =	vimm.s32 $0x0  }
0x2e: {  	v25 =	vsel vm2, $0xFFFFFFFF, v25  }
0x2f: {  	vm2 =	vgt.f32 v35, v17;
	[tilespmem:$0x1FF90] =	vst v25;
	v25 =	vimm.s32 $0x0  }
0x30: {  	v25 =	vsel vm2, $0xFFFFFFFF, v25  }
0x31: {  	vm0 =	veq.f32 v36, v17;
	[tilespmem:$0x1FFA0] =	vst v25;
	v25 =	vimm.s32 $0x0  }
0x32: {  	v25 =	vsel vm0, $0xFFFFFFFF, v25  }
0x33: {  	vm2 =	vgt.f32 v37, v17;
	[tilespmem:$0x1FFB0] =	vst v25;
	v25 =	vimm.s32 $0x0  }
0x34: {  	v25 =	vsel vm2, $0xFFFFFFFF, v25  }
0x35: {  	vm5 =	vgt.f32 v38, v17;
	[tilespmem:$0x1FFC0] =	vst v25;
	v25 =	vimm.s32 $0x0  }
0x36: {  	v25 =	vsel vm5, $0xFFFFFFFF, v25  }
0x37: {  	vm5 =	vgt.f32 v63, v17;
	[tilespmem:$0x1FFD0] =	vst v25;
	v25 =	vimm.s32 $0x0  }
0x38: {  	vm1 =	veq.f32 v26, v17;
	v25 =	vsel vm5, $0xFFFFFFFF, v25  }
0x39: {  	vm15 =	veq.f32 v62, v17;
	vm5 =	vgt.f32 v24, v17;
	[tilespmem:$0x1FFE0] =	vst v25;
	v25 =	vimm.s32 $0x0  }
0x3a: {  	vm14 =	veq.f32 v37, v17;
	vm6 =	veq.f32 v63, v17;
	[tilespmem:$0x1FF00] =	vst v18;
	v25 =	vsel vm5, $0xFFFFFFFF, v25  }
0x3b: {  	s6 =	simm.s32 $0x1F;
	v18 =	vimm.s32 $0x0;
	vm2 =	veq.f32 v35, v17;
	vm5 =	veq.f32 v38, v17;
	[tilespmem:$0x1FFF0] =	vst v25  }
.LBB2_1:
0x3c: {  	vm0 =	vgt.f32 v21, v17;
	v25 =	vimm.s32 $0x0  }
0x3d: {  	v25 =	vsel vm0, $0xFFFFFFFF, v25  }
0x3e: {  	vm0 =	vgt.f32 v19, v17;
	[tilespmem:$0x1FE50] =	vst v25;
	v25 =	vimm.s32 $0x0  }
0x3f: {  	v25 =	vsel vm0, $0xFFFFFFFF, v25;
	vm0 =	veq.f32 v24, v17;
	v24 =	vimm.s32 $0x0  }
0x40: {  	v24 =	vsel vm0, $0xFFFFFFFF, v24  }
0x41: {  	vm0 =	vgt.f32 v20, v17;
	[tilespmem:$0x1FDE0] =	vst v24;
	v24 =	vimm.s32 $0x0  }
0x42: {  	v24 =	vsel vm0, $0xFFFFFFFF, v24;
	vm0 =	veq.f32 v21, v17;
	v21 =	vimm.s32 $0x0  }
0x43: {  	v21 =	vsel vm0, $0xFFFFFFFF, v21;
	vm0 =	veq.f32 v19, v17;
	v19 =	vimm.s32 $0x0  }
0x44: {  	v19 =	vsel vm0, $0xFFFFFFFF, v19  }
0x45: {  	vm0 =	vgt.f32 v23, v17;
	[tilespmem:$0x1FDD0] =	vst v19;
	v19 =	vimm.s32 $0x0  }
0x46: {  	v19 =	vsel vm0, $0xFFFFFFFF, v19  }
0x47: {  	vm0 =	vgt.f32 v22, v17;
	[tilespmem:$0x1FDF0] =	vst v19;
	v19 =	vimm.s32 $0x0  }
0x48: {  	v19 =	vsel vm0, $0xFFFFFFFF, v19  }
0x49: {  	vm0 =	veq.f32 v20, v17;
	[tilespmem:$0x1FE20] =	vst v19;
	v19 =	vimm.s32 $0x0  }
0x4a: {  	v19 =	vsel vm0, $0xFFFFFFFF, v19  }
0x4b: {  	vm0 =	veq.f32 v23, v17;
	[tilespmem:$0x1FE30] =	vst v19;
	v19 =	vimm.s32 $0x0  }
0x4c: {  	v19 =	vsel vm0, $0xFFFFFFFF, v19  }
0x4d: {  	vm0 =	veq.f32 v22, v17;
	[tilespmem:$0x1FDC0] =	vst v19;
	v19 =	vimm.s32 $0x0  }
0x4e: {  	v19 =	vsel vm0, $0xFFFFFFFF, v19  }
0x4f: {  	[tilespmem:$0x1FE00] =	vst v19;
	v19 =	vld [tilespmem:$0x1FF30];
	_ =	sdelay $0x4  }
0x50: {  	vm0 =	vnez.u8 v19  }
0x51: {  	v19 =	vimm.s32 $0x0;
	vm3 =	vmand vm3, vm0  }
0x52: {  	v19 =	vsel vm3, $0xFFFFFFFF, v19  }
0x53: {  	[tilespmem:$0x1FE90] =	vst v19;
	v19 =	vld [tilespmem:$0x1FF80];
	_ =	sdelay $0x4  }
0x54: {  	vm0 =	vnez.u8 v19  }
0x55: {  	v19 =	vimm.s32 $0x0;
	vm0 =	vmand vm11, vm0  }
0x56: {  	v19 =	vsel vm0, $0xFFFFFFFF, v19  }
0x57: {  	vm0 =	vmand vm12, vm1;
	[tilespmem:$0x1FE70] =	vst v19;
	v19 =	vimm.s32 $0x0  }
0x58: {  	v19 =	vsel vm0, $0xFFFFFFFF, v19  }
0x59: {  	[tilespmem:$0x1FE80] =	vst v19;
	v19 =	vld [tilespmem:$0x1FF60];
	_ =	sdelay $0x4  }
0x5a: {  	vm0 =	vnez.u8 v19;
	v19 =	vld [tilespmem:$0x1FEA0];
	_ =	sdelay $0x4  }
0x5b: {  	vm12 =	vmand vm8, vm0;
	vm0 =	vnez.u8 v19;
	v19 =	vld [tilespmem:$0x1FFB0];
	_ =	sdelay $0x4  }
0x5c: {  	vm1 =	vmand vm0, vm2;
	vm0 =	vnez.u8 v19;
	v19 =	vld [tilespmem:$0x1FEB0];
	_ =	sdelay $0x4  }
0x5d: {  	vm2 =	vnez.u8 v19;
	v19 =	vld [tilespmem:$0x1FF00];
	_ =	sdelay $0x4  }
0x5e: {  	vm3 =	vnez.u8 v19;
	v19 =	vld [tilespmem:$0x1FDC0];
	_ =	sdelay $0x4  }
0x5f: {  	vm0 =	vmand vm4, vm0;
	vm4 =	vnez.u8 v19;
	v19 =	vld [tilespmem:$0x1FEC0];
	_ =	sdelay $0x4  }
0x60: {  	vm3 =	vmand vm3, vm4;
	vm4 =	vnez.u8 v19;
	v19 =	vld [tilespmem:$0x1FDD0];
	_ =	sdelay $0x4  }
0x61: {  	vm11 =	vmand vm2, vm5;
	vm5 =	vmand vm9, vm6;
	vm6 =	vnez.u8 v19;
	v19 =	vld [tilespmem:$0x1FDE0];
	_ =	sdelay $0x4  }
0x62: {  	vm6 =	vmand vm4, vm6;
	vm4 =	vnez.u8 v19;
	v19 =	vld [tilespmem:$0x1FDF0];
	_ =	sdelay $0x4  }
0x63: {  	vm8 =	vmand vm10, vm4;
	vm4 =	vnez.u8 v19;
	v19 =	vld [tilespmem:$0x1FEF0];
	_ =	sdelay $0x4  }
0x64: {  	vm3 =	vmor vm4, vm3;
	vm4 =	vnez.u8 v19;
	v19 =	vld [tilespmem:$0x1FE00];
	_ =	sdelay $0x4  }
0x65: {  	vm2 =	vmand vm7, vm14;
	vm7 =	vnez.u8 v19;
	v19 =	vld [tilespmem:$0x1FED0];
	_ =	sdelay $0x3  }
0x66: {  	[tilespmem:$0x1FE10] =	vst v21;
	v20 =	vld [tilespmem:$0x1FE20]  }
0x67: {  	vm4 =	vmand vm4, vm7;
	vm7 =	vnez.u8 v19;
	v19 =	vld [tilespmem:$0x1FE10];
	_ =	sdelay $0x4  }
0x68: {  	vm9 =	vnez.u8 v19;
	v19 =	vsel vm3, $0x1, v1;
	vm3 =	vnez.u8 v20;
	v20 =	vld [tilespmem:$0x1FEE0];
	_ =	sdelay $0x4  }
0x69: {  	vm3 =	vmor vm3, vm4;
	vm4 =	vnez.u8 v20;
	v20 =	vld [tilespmem:$0x1FE30];
	_ =	sdelay $0x3  }
0x6a: {  	[tilespmem:$0x1FE40] =	vst v24  }
0x6b: {  	vm7 =	vmand vm7, vm9;
	vm9 =	vnez.u8 v20;
	v20 =	vld [tilespmem:$0x1FE40];
	_ =	sdelay $0x4  }
0x6c: {  	v18 =	vadd.s32 v19, v18;
	v19 =	vsel vm3, $0x1, v1;
	vm3 =	vnez.u8 v20;
	v20 =	vld [tilespmem:$0x1FE50];
	_ =	sdelay $0x2  }
0x6d: {  	vm4 =	vmand vm4, vm9  }
0x6e: {  	[tilespmem:$0x1FE60] =	vst v25;
	vm3 =	vmor vm3, vm4  }
0x6f: {  	v18 =	vadd.s32 v19, v18;
	v19 =	vsel vm3, $0x1, v1;
	vm3 =	vnez.u8 v20;
	v20 =	vld [tilespmem:$0x1FE60];
	_ =	sdelay $0x3  }
0x70: {  	vm3 =	vmor vm3, vm7  }
0x71: {  	v18 =	vadd.s32 v19, v18;
	v19 =	vsel vm3, $0x1, v1;
	vm3 =	vnez.u8 v20;
	v20 =	vld [tilespmem:$0x1FFF0];
	_ =	sdelay $0x3  }
0x72: {  	vm3 =	vmor vm3, vm6  }
0x73: {  	v18 =	vadd.s32 v19, v18;
	v19 =	vsel vm3, $0x1, v1;
	vm3 =	vnez.u8 v20;
	v20 =	vld [tilespmem:$0x1FFD0];
	_ =	sdelay $0x3  }
0x74: {  	vm3 =	vmor vm3, vm8  }
0x75: {  	v18 =	vadd.s32 v19, v18;
	v19 =	vsel vm3, $0x1, v1;
	vm3 =	vnez.u8 v20;
	v20 =	vld [tilespmem:$0x1FFE0];
	_ =	sdelay $0x3  }
0x76: {  	vm3 =	vmor vm3, vm11  }
0x77: {  	v18 =	vadd.s32 v19, v18;
	v19 =	vsel vm3, $0x1, v1;
	vm3 =	vnez.u8 v20;
	v20 =	vld [tilespmem:$0x1FFC0];
	_ =	sdelay $0x3  }
0x78: {  	vm3 =	vmor vm3, vm5  }
0x79: {  	v18 =	vadd.s32 v19, v18;
	v19 =	vsel vm3, $0x1, v1;
	vm3 =	vnez.u8 v20;
	v20 =	vld [tilespmem:$0x1FF90];
	_ =	sdelay $0x3  }
0x7a: {  	vm2 =	vmor vm3, vm2  }
0x7b: {  	v18 =	vadd.s32 v19, v18;
	v19 =	vsel vm2, $0x1, v1;
	vm2 =	vnez.u8 v20;
	v20 =	vld [tilespmem:$0x1FFA0];
	_ =	sdelay $0x2  }
0x7c: {  	vm15 =	vmand vm13, vm15  }
0x7d: {  	vm2 =	vmor vm2, vm15  }
0x7e: {  	v18 =	vadd.s32 v19, v18;
	v19 =	vsel vm2, $0x1, v1;
	vm2 =	vnez.u8 v20;
	v20 =	vld [tilespmem:$0x1FF70];
	_ =	sdelay $0x3  }
0x7f: {  	vm1 =	vmor vm2, vm1  }
0x80: {  	v18 =	vadd.s32 v19, v18;
	v19 =	vsel vm1, $0x1, v1;
	vm1 =	vnez.u8 v20;
	v20 =	vld [tilespmem:$0x1FF40];
	_ =	sdelay $0x3  }
0x81: {  	vm0 =	vmor vm1, vm0  }
0x82: {  	v18 =	vadd.s32 v19, v18;
	v19 =	vsel vm0, $0x1, v1;
	vm0 =	vnez.u8 v20;
	v20 =	vld [tilespmem:$0x1FE70];
	_ =	sdelay $0x4  }
0x83: {  	vm1 =	vnez.u8 v20;
	v20 =	vld [tilespmem:$0x1FF50];
	_ =	sdelay $0x3  }
0x84: {  	vm0 =	vmor vm0, vm1  }
0x85: {  	v18 =	vadd.s32 v19, v18;
	v19 =	vsel vm0, $0x1, v1;
	vm0 =	vnez.u8 v20;
	v20 =	vld [tilespmem:$0x1FE80];
	_ =	sdelay $0x4  }
0x86: {  	vm1 =	vnez.u8 v20;
	v20 =	vld [tilespmem:$0x1FF10];
	_ =	sdelay $0x3  }
0x87: {  	vm0 =	vmor vm0, vm1  }
0x88: {  	s5 =	sadd.s32 $0x10, s5;
	v18 =	vadd.s32 v19, v18;
	v19 =	vsel vm0, $0x1, v1;
	vm0 =	vnez.u8 v20;
	v20 =	vld [tilespmem:$0x1FF20]  }
0x89: {  	v26 =	vld [tilespmem:s5+$0x0]  }
0x8a: {  	s23 =	sadd.s32 $0xFFFFFFF6, s6;
	s24 =	sadd.s32 $0xFFFFFFF7, s6  }
0x8b: {  	s26 =	sadd.s32 $0xFFFFFFF3, s6;
	s28 =	sadd.s32 $0xFFFFFFF4, s6;
	v27 =	vmov s23;
	v28 =	vmov s24  }
0x8c: {  	v30 =	vmov s26;
	v31 =	vmov s28;
	vm0 =	vmor vm0, vm12  }
0x8d: {  	s29 =	sadd.s32 $0xFFFFFFF5, s6;
	v18 =	vadd.s32 v19, v18;
	v19 =	vsel vm0, $0x1, v1;
	vm0 =	vnez.u8 v20;
	v20 =	vld [tilespmem:$0x1FE90]  }
0x8e: {  	s30 =	sadd.s32 $0xFFFFFFF1, s6;
	v32 =	vmov s29;
	v60 =	vperm.xlane v26, v16;
	v61 =	vperm.xlane v26, v13  }
0x8f: {  	s31 =	sadd.s32 $0xFFFFFFF2, s6;
	v33 =	vmov s30;
	v35 =	vperm.xlane v26, v14;
	v36 =	vperm.xlane v26, v12  }
0x90: {  	s12 =	sadd.s32 $0xFFFFFFFB, s6;
	v34 =	vmov s31;
	v62 =	vperm.xlane v26, v9;
	v37 =	vperm.xlane v26, v10  }
0x91: {  	s7 =	sadd.s32 $0xFFFFFFFF, s6;
	s11 =	sadd.s32 $0xFFFFFFFA, s6;
	v25 =	vmov s12;
	v63 =	vperm.xlane v26, v7;
	v38 =	vperm.xlane v26, v8  }
0x92: {  	v24 =	vmov s11;
	v21 =	vmov s7;
	vm1 =	vnez.u8 v20  }
0x93: {  	s22 =	sadd.s32 $0xFFFFFFF9, s6;
	vm13 =	vgt.u32 v24, v0;
	v24 =	vperm.xlane v26, v6;
	vm0 =	vmor vm0, vm1  }
0x94: {  	s8 =	sadd.s32 $0xFFFFFFFC, s6;
	s10 =	sadd.s32 $0xFFFFFFFE, s6;
	v23 =	vmov s22;
	v18 =	vadd.s32 v19, v18;
	v19 =	vsel vm0, $0x1, v1  }
0x95: {  	v22 =	vmov s10;
	v18 =	vadd.s32 v19, v18;
	v19 =	vmov s8  }
0x96: {  	vm0 =	vgt.u32 v25, v0;
	vm4 =	vgt.u32 v19, v0;
	v19 =	vimm.s32 $0x0  }
0x97: {  	vm10 =	vgt.u32 v27, v0;
	v27 =	vperm.xlane v26, v11;
	v19 =	vsel vm0, $0xFFFFFFFF, v19  }
0x98: {  	vm7 =	vgt.u32 v23, v0;
	vm0 =	vgt.u32 v28, v0;
	[tilespmem:$0x1FEA0] =	vst v19;
	v19 =	vimm.s32 $0x0  }
0x99: {  	v23 =	vperm.xlane v26, v1;
	vm8 =	vgt.u32 v21, v0;
	v19 =	vsel vm0, $0xFFFFFFFF, v19  }
0x9a: {  	v21 =	vperm.xlane v26, v4;
	vm0 =	vgt.u32 v32, v0;
	[tilespmem:$0x1FEB0] =	vst v19;
	v19 =	vimm.s32 $0x0  }
0x9b: {  	vm12 =	vgt.u32 v22, v0;
	v22 =	vimm.s32 $0x0;
	v19 =	vsel vm0, $0xFFFFFFFF, v19  }
0x9c: {  	s9 =	sadd.s32 $0xFFFFFFFD, s6;
	v20 =	vmov s6;
	vm0 =	vgt.u32 v31, v0;
	[tilespmem:$0x1FEC0] =	vst v19;
	v19 =	vimm.s32 $0x0  }
0x9d: {  	vm3 =	vgt.u32 v20, v0;
	v20 =	vmov s9;
	v19 =	vsel vm0, $0xFFFFFFFF, v19  }
0x9e: {  	vm11 =	vgt.u32 v20, v0;
	vm0 =	vgt.u32 v30, v0;
	[tilespmem:$0x1FED0] =	vst v19;
	v19 =	vimm.s32 $0x0  }
0x9f: {  	v20 =	vimm.s32 $0x0;
	v19 =	vsel vm0, $0xFFFFFFFF, v19;
	vm0 =	vgt.u32 v34, v0  }
0xa0: {  	v25 =	vperm.xlane v26, v15;
	[tilespmem:$0x1FEE0] =	vst v19;
	v20 =	vsel vm0, $0xFFFFFFFF, v20;
	vm0 =	vgt.u32 v33, v0  }
0xa1: {  	v19 =	vperm.xlane v26, v5;
	[tilespmem:$0x1FEF0] =	vst v20;
	v20 =	vperm.xlane v26, v3;
	v22 =	vsel vm0, $0xFFFFFFFF, v22  }
0xa2: {  	vm0 =	vgt.f32 v25, v17;
	[tilespmem:$0x1FF00] =	vst v22;
	v22 =	vperm.xlane v26, v2;
	v26 =	vimm.s32 $0x0  }
0xa3: {  	v26 =	vsel vm0, $0xFFFFFFFF, v26  }
0xa4: {  	vm0 =	vgt.f32 v60, v17;
	[tilespmem:$0x1FF10] =	vst v26;
	v26 =	vimm.s32 $0x0  }
0xa5: {  	v26 =	vsel vm0, $0xFFFFFFFF, v26  }
0xa6: {  	vm0 =	veq.f32 v60, v17;
	[tilespmem:$0x1FF20] =	vst v26;
	v26 =	vimm.s32 $0x0  }
0xa7: {  	v26 =	vsel vm0, $0xFFFFFFFF, v26  }
0xa8: {  	vm0 =	vgt.f32 v61, v17;
	[tilespmem:$0x1FF30] =	vst v26;
	v26 =	vimm.s32 $0x0  }
0xa9: {  	v26 =	vsel vm0, $0xFFFFFFFF, v26  }
0xaa: {  	vm0 =	vgt.f32 v35, v17;
	[tilespmem:$0x1FF40] =	vst v26;
	v26 =	vimm.s32 $0x0  }
0xab: {  	v26 =	vsel vm0, $0xFFFFFFFF, v26;
	vm0 =	veq.f32 v25, v17;
	v25 =	vimm.s32 $0x0  }
0xac: {  	v25 =	vsel vm0, $0xFFFFFFFF, v25  }
0xad: {  	vm0 =	vgt.f32 v36, v17;
	[tilespmem:$0x1FF60] =	vst v25;
	v25 =	vimm.s32 $0x0  }
0xae: {  	v25 =	vsel vm0, $0xFFFFFFFF, v25  }
0xaf: {  	vm0 =	veq.f32 v61, v17;
	[tilespmem:$0x1FF70] =	vst v25;
	v25 =	vimm.s32 $0x0  }
0xb0: {  	v25 =	vsel vm0, $0xFFFFFFFF, v25  }
0xb1: {  	vm2 =	vgt.f32 v37, v17;
	[tilespmem:$0x1FF80] =	vst v25;
	v25 =	vimm.s32 $0x0  }
0xb2: {  	v25 =	vsel vm2, $0xFFFFFFFF, v25  }
0xb3: {  	vm2 =	vgt.f32 v27, v17;
	[tilespmem:$0x1FF90] =	vst v25;
	v25 =	vimm.s32 $0x0  }
0xb4: {  	v25 =	vsel vm2, $0xFFFFFFFF, v25  }
0xb5: {  	vm0 =	veq.f32 v36, v17;
	[tilespmem:$0x1FFA0] =	vst v25;
	v25 =	vimm.s32 $0x0  }
0xb6: {  	v25 =	vsel vm0, $0xFFFFFFFF, v25  }
0xb7: {  	vm2 =	vgt.f32 v62, v17;
	[tilespmem:$0x1FFB0] =	vst v25;
	v25 =	vimm.s32 $0x0  }
0xb8: {  	v25 =	vsel vm2, $0xFFFFFFFF, v25  }
0xb9: {  	vm5 =	vgt.f32 v63, v17;
	[tilespmem:$0x1FFC0] =	vst v25;
	v25 =	vimm.s32 $0x0  }
0xba: {  	p0 =	sne.s32 s6, $0x2FF;
	v25 =	vsel vm5, $0xFFFFFFFF, v25  }
.Ltmp0:
0xbb: {  	s25 =	sadd.s32 $0xFFFFFFF8, s6;
	vm5 =	vgt.f32 v38, v17;
	[tilespmem:$0x1FFD0] =	vst v25;
	v25 =	vimm.s32 $0x0;
	(pc) =	sbr.rel @p0 .LBB2_1-.Ltmp0, $4  }
0xbc: {  	v29 =	vmov s25;
	vm14 =	veq.f32 v62, v17;
	v25 =	vsel vm5, $0xFFFFFFFF, v25  }
0xbd: {  	vm9 =	vgt.u32 v29, v0;
	vm5 =	vgt.f32 v24, v17;
	[tilespmem:$0x1FFE0] =	vst v25;
	v25 =	vimm.s32 $0x0  }
0xbe: {  	vm6 =	veq.f32 v38, v17;
	vm15 =	veq.f32 v37, v17;
	[tilespmem:$0x1FF50] =	vst v26;
	v25 =	vsel vm5, $0xFFFFFFFF, v25  }
0xbf: {  	s6 =	sadd.s32 $0x10, s6;
	vm1 =	veq.f32 v35, v17;
	vm2 =	veq.f32 v27, v17;
	vm5 =	veq.f32 v63, v17;
	[tilespmem:$0x1FFF0] =	vst v25  }
0xc0: {  	v2 =	vld [tilespmem:$0x1FF30];
	_ =	sdelay $0x4  }
0xc1: {  	vm0 =	vnez.u8 v2  }
0xc2: {  	v2 =	vimm.s32 $0x0;
	vm3 =	vmand vm3, vm0  }
0xc3: {  	v2 =	vsel vm3, $0xFFFFFFFF, v2  }
0xc4: {  	[tilespmem:$0x1FC50] =	vst v2;
	v2 =	vld [tilespmem:$0x1FF80];
	_ =	sdelay $0x4  }
0xc5: {  	vm0 =	vnez.u8 v2;
	v2 =	vld [tilespmem:$0x1FF60];
	_ =	sdelay $0x4  }
0xc6: {  	vm11 =	vmand vm11, vm0;
	vm0 =	vnez.u8 v2;
	v2 =	vld [tilespmem:$0x1FEA0];
	_ =	sdelay $0x4  }
0xc7: {  	vm1 =	vmand vm12, vm1;
	vm12 =	vmand vm8, vm0;
	vm0 =	vnez.u8 v2;
	v2 =	vld [tilespmem:$0x1FFB0];
	_ =	sdelay $0x4  }
0xc8: {  	vm3 =	vmand vm13, vm15;
	vm15 =	vmand vm0, vm2;
	vm0 =	vnez.u8 v2;
	v2 =	vld [tilespmem:$0x1FEB0];
	_ =	sdelay $0x4  }
0xc9: {  	vm2 =	vnez.u8 v2;
	v2 =	vld [tilespmem:$0x1FF00];
	_ =	sdelay $0x4  }
0xca: {  	vm8 =	vnez.u8 v2;
	v2 =	vld [tilespmem:$0x1FEC0];
	_ =	sdelay $0x3  }
0xcb: {  	vm5 =	vmand vm2, vm5;
	vm2 =	vmand vm7, vm14;
	vm7 =	veq.f32 v23, v17  }
0xcc: {  	vm7 =	vmand vm8, vm7;
	vm8 =	vnez.u8 v2;
	v2 =	vld [tilespmem:$0x1FEF0];
	_ =	sdelay $0x3  }
0xcd: {  	vm6 =	vmand vm9, vm6;
	vm9 =	vgt.f32 v23, v17  }
0xce: {  	vm7 =	vmor vm9, vm7;
	vm9 =	vnez.u8 v2;
	v2 =	vld [tilespmem:$0x1FED0];
	_ =	sdelay $0x3  }
0xcf: {  	vm0 =	vmand vm4, vm0;
	vm4 =	veq.f32 v19, v17  }
0xd0: {  	vm4 =	vmand vm8, vm4;
	vm8 =	veq.f32 v24, v17;
	vm13 =	vnez.u8 v2;
	v2 =	vld [tilespmem:$0x1FEE0]  }
0xd1: {  	vm8 =	vmand vm10, vm8;
	vm10 =	veq.f32 v22, v17  }
0xd2: {  	vm9 =	vmand vm9, vm10;
	vm10 =	veq.f32 v21, v17  }
0xd3: {  	vm10 =	vmand vm13, vm10;
	vm13 =	vgt.f32 v22, v17  }
0xd4: {  	v5 =	vld [tilespmem:$0x1FFF0];
	vm9 =	vmor vm13, vm9  }
0xd5: {  	vm14 =	veq.f32 v20, v17;
	v3 =	vsel vm9, $0x1, v1;
	vm13 =	vnez.u8 v2  }
0xd6: {  	v2 =	vsel vm7, $0x1, v1;
	vm13 =	vmand vm13, vm14;
	vm14 =	vgt.f32 v20, v17  }
0xd7: {  	vm9 =	vgt.f32 v19, v17;
	v2 =	vadd.s32 v2, v18;
	vm7 =	vmor vm14, vm13  }
0xd8: {  	vm4 =	vmor vm9, vm4;
	v2 =	vadd.s32 v3, v2;
	v4 =	vsel vm7, $0x1, v1  }
0xd9: {  	v2 =	vadd.s32 v4, v2;
	v4 =	vsel vm4, $0x1, v1;
	vm4 =	vnez.u8 v5;
	v5 =	vld [tilespmem:$0x1FFD0];
	_ =	sdelay $0x1  }
0xda: {  	vm7 =	vgt.f32 v21, v17  }
0xdb: {  	vm7 =	vmor vm7, vm10  }
0xdc: {  	v3 =	vsel vm7, $0x1, v1;
	vm4 =	vmor vm4, vm8  }
0xdd: {  	v2 =	vadd.s32 v3, v2;
	v3 =	vsel vm4, $0x1, v1;
	vm4 =	vnez.u8 v5  }
0xde: {  	v2 =	vadd.s32 v4, v2;
	v5 =	vld [tilespmem:$0x1FFE0];
	vm4 =	vmor vm4, vm5  }
0xdf: {  	v2 =	vadd.s32 v3, v2;
	v4 =	vsel vm4, $0x1, v1  }
0xe0: {  	v2 =	vadd.s32 v4, v2;
	v4 =	vld [tilespmem:$0x1FFC0];
	_ =	sdelay $0x2  }
0xe1: {  	vm4 =	vnez.u8 v5  }
0xe2: {  	vm4 =	vmor vm4, vm6  }
0xe3: {  	v3 =	vsel vm4, $0x1, v1;
	vm4 =	vnez.u8 v4;
	v4 =	vld [tilespmem:$0x1FF90];
	_ =	sdelay $0x3  }
0xe4: {  	vm2 =	vmor vm4, vm2  }
0xe5: {  	v2 =	vadd.s32 v3, v2;
	v3 =	vsel vm2, $0x1, v1;
	vm2 =	vnez.u8 v4;
	v4 =	vld [tilespmem:$0x1FFA0];
	_ =	sdelay $0x3  }
0xe6: {  	vm2 =	vmor vm2, vm3  }
0xe7: {  	v2 =	vadd.s32 v3, v2;
	v3 =	vsel vm2, $0x1, v1;
	vm2 =	vnez.u8 v4;
	v4 =	vld [tilespmem:$0x1FF70];
	_ =	sdelay $0x3  }
0xe8: {  	vm2 =	vmor vm2, vm15  }
0xe9: {  	v2 =	vadd.s32 v3, v2;
	v3 =	vsel vm2, $0x1, v1;
	vm2 =	vnez.u8 v4;
	v4 =	vld [tilespmem:$0x1FF40];
	_ =	sdelay $0x3  }
0xea: {  	vm0 =	vmor vm2, vm0  }
0xeb: {  	v2 =	vadd.s32 v3, v2;
	v3 =	vsel vm0, $0x1, v1;
	vm0 =	vnez.u8 v4;
	v4 =	vld [tilespmem:$0x1FF50];
	_ =	sdelay $0x3  }
0xec: {  	vm0 =	vmor vm0, vm11  }
0xed: {  	v2 =	vadd.s32 v3, v2;
	v3 =	vsel vm0, $0x1, v1;
	vm0 =	vnez.u8 v4;
	v4 =	vld [tilespmem:$0x1FF10];
	_ =	sdelay $0x3  }
0xee: {  	vm0 =	vmor vm0, vm1  }
0xef: {  	v2 =	vadd.s32 v3, v2;
	v3 =	vsel vm0, $0x1, v1;
	vm0 =	vnez.u8 v4;
	v4 =	vld [tilespmem:$0x1FF20]  }
0xf0: {  	v6 =	vimm.s32 $0x4  }
0xf1: {  	v7 =	vimm.s32 $0x5;
	v8 =	vimm.s32 $0x6;
	v9 =	vimm.s32 $0x7  }
0xf2: {  	v10 =	vimm.s32 $0x8;
	v11 =	vimm.s32 $0x9;
	v12 =	vimm.s32 $0xA  }
0xf3: {  	v13 =	vimm.s32 $0xB;
	v14 =	vimm.s32 $0xC;
	vm0 =	vmor vm0, vm12  }
0xf4: {  	s8 =	simm.s32 $0xC;
	v2 =	vadd.s32 v3, v2;
	v3 =	vsel vm0, $0x1, v1;
	vm0 =	vnez.u8 v4;
	v4 =	vld [tilespmem:$0x1FC50]  }
0xf5: {  	v15 =	vimm.s32 $0xD;
	v16 =	vimm.s32 $0xE;
	[tilespmem:$0x380] =	vst v0;
	s24 =	simm.s32 $0x6;
	s25 =	simm.s32 $0x7;
	s26 =	simm.s32 $0x2;
	v0 =	vmov s8  }
0xf6: {  	s28 =	simm.s32 $0x3;
	s29 =	simm.s32 $0x4;
	s30 =	simm.s32 $0x0;
	v26 =	vmov s24;
	v27 =	vmov s25;
	v28 =	vmov s26  }
0xf7: {  	s10 =	simm.s32 $0xA;
	s23 =	simm.s32 $0x5;
	s31 =	simm.s32 $0x1;
	v29 =	vmov s28;
	v30 =	vmov s29;
	v31 =	vmov s30  }
0xf8: {  	s6 =	simm.s32 $0xF;
	s22 =	simm.s32 $0x9;
	v32 =	vmov s31;
	v23 =	vmov s10;
	v24 =	vmov s23  }
0xf9: {  	s9 =	simm.s32 $0xD;
	v22 =	vmov s22;
	v19 =	vmov s6;
	vm1 =	vnez.u8 v4  }
0xfa: {  	s21 =	simm.s32 $0x8;
	v20 =	vmov s9;
	v17 =	vimm.s32 $0xF;
	vm0 =	vmor vm0, vm1  }
0xfb: {  	v21 =	vmov s21;
	v2 =	vadd.s32 v3, v2;
	v1 =	vsel vm0, $0x1, v1  }
0xfc: {  	s5 =	sadd.s32 $0x10, s4;
	v5 =	vimm.s32 $0x3;
	v18 =	vadd.s32 v1, v2;
	v1 =	vlaneseq.u32  }
0xfd: {  	s7 =	simm.s32 $0xE;
	v3 =	vimm.s32 $0x1;
	v4 =	vimm.s32 $0x2;
	v1 =	vor.u32 s5, v1  }
0xfe: {  	s20 =	simm.s32 $0xB;
	v2 =	vimm.s32 $0x0;
	s5 =	simm.s32 $0x0;
	[tilespmem:$0x300] =	vst v18;
	v18 =	vmov s7;
	vm3 =	vgt.u32 v19, v1  }
0xff: {  	v19 =	vmov s20;
	v25 =	vld [tilespmem:s5+$0x0];
	vm8 =	vgt.u32 v18, v1;
	vm11 =	vgt.u32 v0, v1  }
0x100: {  	vm12 =	vgt.u32 v20, v1;
	vm7 =	vgt.u32 v21, v1;
	vm13 =	vgt.u32 v22, v1  }
0x101: {  	vm0 =	vgt.u32 v23, v1;
	v0 =	vimm.s32 $0x0;
	vm9 =	vgt.u32 v27, v1  }
0x102: {  	vm10 =	vgt.u32 v24, v1;
	v18 =	vimm.s32 $0x0;
	v0 =	vsel vm0, $0xFFFFFFFF, v0  }
0x103: {  	vm4 =	vgt.u32 v19, v1;
	vm0 =	vgt.u32 v26, v1;
	[tilespmem:$0x1FC60] =	vst v0;
	v0 =	vimm.s32 $0x0  }
0x104: {  	v0 =	vsel vm0, $0xFFFFFFFF, v0;
	vm0 =	vgt.u32 v30, v1;
	v33 =	vperm.xlane v25, v16  }
0x105: {  	v18 =	vsel vm0, $0xFFFFFFFF, v18;
	v27 =	vperm.xlane v25, v17;
	v34 =	vperm.xlane v25, v14  }
0x106: {  	vm0 =	vgt.u32 v29, v1;
	v26 =	vperm.xlane v25, v15;
	v35 =	vperm.xlane v25, v12  }
0x107: {  	v36 =	vperm.xlane v25, v13;
	v37 =	vperm.xlane v25, v10;
	[tilespmem:$0x1FC80] =	vst v18;
	v18 =	vimm.s32 $0x0  }
0x108: {  	[tilespmem:$0x1FC70] =	vst v0;
	v62 =	vperm.xlane v25, v11;
	v38 =	vperm.xlane v25, v8;
	v18 =	vsel vm0, $0xFFFFFFFF, v18  }
0x109: {  	v0 =	vld [tilespmem:s4+$0x10];
	v63 =	vperm.xlane v25, v9;
	vm0 =	vgt.u32 v28, v1;
	[tilespmem:$0x1FC90] =	vst v18;
	v18 =	vimm.s32 $0x0  }
0x10a: {  	v19 =	vperm.xlane v25, v6;
	v24 =	vperm.xlane v25, v7;
	v18 =	vsel vm0, $0xFFFFFFFF, v18  }
0x10b: {  	v20 =	vperm.xlane v25, v4;
	vm0 =	vgt.u32 v32, v1;
	[tilespmem:$0x1FCA0] =	vst v18;
	v18 =	vimm.s32 $0x0  }
0x10c: {  	v21 =	vperm.xlane v25, v5;
	v23 =	vperm.xlane v25, v2;
	v18 =	vsel vm0, $0xFFFFFFFF, v18  }
0x10d: {  	v22 =	vperm.xlane v25, v3;
	vm0 =	vgt.u32 v31, v1;
	[tilespmem:$0x1FCB0] =	vst v18;
	v18 =	vimm.s32 $0x0  }
0x10e: {  	v25 =	vimm.s32 $0x0;
	v18 =	vsel vm0, $0xFFFFFFFF, v18;
	vm0 =	vgt.f32 v33, v0  }
0x10f: {  	v25 =	vsel vm0, $0xFFFFFFFF, v25  }
0x110: {  	vm0 =	vgt.f32 v27, v0;
	[tilespmem:$0x1FCD0] =	vst v25;
	v25 =	vimm.s32 $0x0  }
0x111: {  	v25 =	vsel vm0, $0xFFFFFFFF, v25  }
0x112: {  	vm0 =	veq.f32 v27, v0;
	[tilespmem:$0x1FCE0] =	vst v25;
	v25 =	vimm.s32 $0x0  }
0x113: {  	v25 =	vsel vm0, $0xFFFFFFFF, v25  }
0x114: {  	vm0 =	vgt.f32 v34, v0;
	[tilespmem:$0x1FCF0] =	vst v25;
	v25 =	vimm.s32 $0x0  }
0x115: {  	v25 =	vsel vm0, $0xFFFFFFFF, v25  }
0x116: {  	vm0 =	vgt.f32 v26, v0;
	[tilespmem:$0x1FD00] =	vst v25;
	v25 =	vimm.s32 $0x0  }
0x117: {  	v25 =	vsel vm0, $0xFFFFFFFF, v25  }
0x118: {  	vm0 =	veq.f32 v33, v0;
	[tilespmem:$0x1FD10] =	vst v25;
	v25 =	vimm.s32 $0x0  }
0x119: {  	v25 =	vsel vm0, $0xFFFFFFFF, v25  }
0x11a: {  	vm0 =	vgt.f32 v36, v0;
	[tilespmem:$0x1FD20] =	vst v25;
	v25 =	vimm.s32 $0x0  }
0x11b: {  	v25 =	vsel vm0, $0xFFFFFFFF, v25  }
0x11c: {  	vm0 =	veq.f32 v34, v0;
	[tilespmem:$0x1FD30] =	vst v25;
	v25 =	vimm.s32 $0x0  }
0x11d: {  	v25 =	vsel vm0, $0xFFFFFFFF, v25  }
0x11e: {  	vm2 =	vgt.f32 v62, v0;
	[tilespmem:$0x1FD40] =	vst v25;
	v25 =	vimm.s32 $0x0  }
0x11f: {  	v25 =	vsel vm2, $0xFFFFFFFF, v25  }
0x120: {  	vm2 =	vgt.f32 v35, v0;
	[tilespmem:$0x1FD50] =	vst v25;
	v25 =	vimm.s32 $0x0  }
0x121: {  	v25 =	vsel vm2, $0xFFFFFFFF, v25  }
0x122: {  	vm0 =	veq.f32 v36, v0;
	[tilespmem:$0x1FD60] =	vst v25;
	v25 =	vimm.s32 $0x0  }
0x123: {  	v25 =	vsel vm0, $0xFFFFFFFF, v25  }
0x124: {  	vm2 =	vgt.f32 v37, v0;
	[tilespmem:$0x1FD70] =	vst v25;
	v25 =	vimm.s32 $0x0  }
0x125: {  	v25 =	vsel vm2, $0xFFFFFFFF, v25  }
0x126: {  	vm5 =	vgt.f32 v38, v0;
	[tilespmem:$0x1FD80] =	vst v25;
	v25 =	vimm.s32 $0x0  }
0x127: {  	v25 =	vsel vm5, $0xFFFFFFFF, v25  }
0x128: {  	vm5 =	vgt.f32 v63, v0;
	[tilespmem:$0x1FD90] =	vst v25;
	v25 =	vimm.s32 $0x0  }
0x129: {  	vm1 =	veq.f32 v26, v0;
	v25 =	vsel vm5, $0xFFFFFFFF, v25  }
0x12a: {  	vm15 =	veq.f32 v62, v0;
	vm5 =	vgt.f32 v24, v0;
	[tilespmem:$0x1FDA0] =	vst v25;
	v25 =	vimm.s32 $0x0  }
0x12b: {  	vm14 =	veq.f32 v37, v0;
	vm6 =	veq.f32 v63, v0;
	[tilespmem:$0x1FCC0] =	vst v18;
	v25 =	vsel vm5, $0xFFFFFFFF, v25  }
0x12c: {  	s6 =	simm.s32 $0x1F;
	v18 =	vimm.s32 $0x0;
	vm2 =	veq.f32 v35, v0;
	vm5 =	veq.f32 v38, v0;
	[tilespmem:$0x1FDB0] =	vst v25  }
.LBB2_3:
0x12d: {  	vm0 =	vgt.f32 v21, v0;
	v25 =	vimm.s32 $0x0  }
0x12e: {  	v25 =	vsel vm0, $0xFFFFFFFF, v25  }
0x12f: {  	vm0 =	vgt.f32 v19, v0;
	[tilespmem:$0x1FC00] =	vst v25;
	v25 =	vimm.s32 $0x0  }
0x130: {  	v25 =	vsel vm0, $0xFFFFFFFF, v25;
	vm0 =	veq.f32 v24, v0;
	v24 =	vimm.s32 $0x0  }
0x131: {  	v24 =	vsel vm0, $0xFFFFFFFF, v24  }
0x132: {  	vm0 =	vgt.f32 v20, v0;
	[tilespmem:$0x1FB90] =	vst v24;
	v24 =	vimm.s32 $0x0  }
0x133: {  	v24 =	vsel vm0, $0xFFFFFFFF, v24;
	vm0 =	veq.f32 v21, v0;
	v21 =	vimm.s32 $0x0  }
0x134: {  	v21 =	vsel vm0, $0xFFFFFFFF, v21;
	vm0 =	veq.f32 v19, v0;
	v19 =	vimm.s32 $0x0  }
0x135: {  	v19 =	vsel vm0, $0xFFFFFFFF, v19  }
0x136: {  	vm0 =	vgt.f32 v23, v0;
	[tilespmem:$0x1FB80] =	vst v19;
	v19 =	vimm.s32 $0x0  }
0x137: {  	v19 =	vsel vm0, $0xFFFFFFFF, v19  }
0x138: {  	vm0 =	vgt.f32 v22, v0;
	[tilespmem:$0x1FBA0] =	vst v19;
	v19 =	vimm.s32 $0x0  }
0x139: {  	v19 =	vsel vm0, $0xFFFFFFFF, v19  }
0x13a: {  	vm0 =	veq.f32 v20, v0;
	[tilespmem:$0x1FBD0] =	vst v19;
	v19 =	vimm.s32 $0x0  }
0x13b: {  	v19 =	vsel vm0, $0xFFFFFFFF, v19  }
0x13c: {  	vm0 =	veq.f32 v23, v0;
	[tilespmem:$0x1FBE0] =	vst v19;
	v19 =	vimm.s32 $0x0  }
0x13d: {  	v19 =	vsel vm0, $0xFFFFFFFF, v19  }
0x13e: {  	vm0 =	veq.f32 v22, v0;
	[tilespmem:$0x1FB70] =	vst v19;
	v19 =	vimm.s32 $0x0  }
0x13f: {  	v19 =	vsel vm0, $0xFFFFFFFF, v19  }
0x140: {  	[tilespmem:$0x1FBB0] =	vst v19;
	v19 =	vld [tilespmem:$0x1FCF0];
	_ =	sdelay $0x4  }
0x141: {  	vm0 =	vnez.u8 v19  }
0x142: {  	v19 =	vimm.s32 $0x0;
	vm3 =	vmand vm3, vm0  }
0x143: {  	v19 =	vsel vm3, $0xFFFFFFFF, v19  }
0x144: {  	[tilespmem:$0x1FC40] =	vst v19;
	v19 =	vld [tilespmem:$0x1FD40];
	_ =	sdelay $0x4  }
0x145: {  	vm0 =	vnez.u8 v19  }
0x146: {  	v19 =	vimm.s32 $0x0;
	vm0 =	vmand vm11, vm0  }
0x147: {  	v19 =	vsel vm0, $0xFFFFFFFF, v19  }
0x148: {  	vm0 =	vmand vm12, vm1;
	[tilespmem:$0x1FC20] =	vst v19;
	v19 =	vimm.s32 $0x0  }
0x149: {  	v19 =	vsel vm0, $0xFFFFFFFF, v19  }
0x14a: {  	[tilespmem:$0x1FC30] =	vst v19;
	v19 =	vld [tilespmem:$0x1FD20];
	_ =	sdelay $0x4  }
0x14b: {  	vm0 =	vnez.u8 v19;
	v19 =	vld [tilespmem:$0x1FC60];
	_ =	sdelay $0x4  }
0x14c: {  	vm12 =	vmand vm8, vm0;
	vm0 =	vnez.u8 v19;
	v19 =	vld [tilespmem:$0x1FD70];
	_ =	sdelay $0x4  }
0x14d: {  	vm1 =	vmand vm0, vm2;
	vm0 =	vnez.u8 v19;
	v19 =	vld [tilespmem:$0x1FC70];
	_ =	sdelay $0x4  }
0x14e: {  	vm2 =	vnez.u8 v19;
	v19 =	vld [tilespmem:$0x1FCC0];
	_ =	sdelay $0x4  }
0x14f: {  	vm3 =	vnez.u8 v19;
	v19 =	vld [tilespmem:$0x1FB70];
	_ =	sdelay $0x4  }
0x150: {  	vm0 =	vmand vm4, vm0;
	vm4 =	vnez.u8 v19;
	v19 =	vld [tilespmem:$0x1FC80];
	_ =	sdelay $0x4  }
0x151: {  	vm3 =	vmand vm3, vm4;
	vm4 =	vnez.u8 v19;
	v19 =	vld [tilespmem:$0x1FB80];
	_ =	sdelay $0x4  }
0x152: {  	vm11 =	vmand vm2, vm5;
	vm5 =	vmand vm9, vm6;
	vm6 =	vnez.u8 v19;
	v19 =	vld [tilespmem:$0x1FB90];
	_ =	sdelay $0x4  }
0x153: {  	vm6 =	vmand vm4, vm6;
	vm4 =	vnez.u8 v19;
	v19 =	vld [tilespmem:$0x1FBA0];
	_ =	sdelay $0x4  }
0x154: {  	vm8 =	vmand vm10, vm4;
	vm4 =	vnez.u8 v19;
	v19 =	vld [tilespmem:$0x1FCB0];
	_ =	sdelay $0x4  }
0x155: {  	vm3 =	vmor vm4, vm3;
	vm4 =	vnez.u8 v19;
	v19 =	vld [tilespmem:$0x1FBB0];
	_ =	sdelay $0x4  }
0x156: {  	vm2 =	vmand vm7, vm14;
	vm7 =	vnez.u8 v19;
	v19 =	vld [tilespmem:$0x1FC90];
	_ =	sdelay $0x3  }
0x157: {  	[tilespmem:$0x1FBC0] =	vst v21;
	v20 =	vld [tilespmem:$0x1FBD0]  }
0x158: {  	vm4 =	vmand vm4, vm7;
	vm7 =	vnez.u8 v19;
	v19 =	vld [tilespmem:$0x1FBC0];
	_ =	sdelay $0x4  }
0x159: {  	vm9 =	vnez.u8 v19;
	v19 =	vsel vm3, $0x1, v2;
	vm3 =	vnez.u8 v20;
	v20 =	vld [tilespmem:$0x1FCA0];
	_ =	sdelay $0x4  }
0x15a: {  	vm3 =	vmor vm3, vm4;
	vm4 =	vnez.u8 v20;
	v20 =	vld [tilespmem:$0x1FBE0];
	_ =	sdelay $0x3  }
0x15b: {  	[tilespmem:$0x1FBF0] =	vst v24  }
0x15c: {  	vm7 =	vmand vm7, vm9;
	vm9 =	vnez.u8 v20;
	v20 =	vld [tilespmem:$0x1FBF0];
	_ =	sdelay $0x4  }
0x15d: {  	v18 =	vadd.s32 v19, v18;
	v19 =	vsel vm3, $0x1, v2;
	vm3 =	vnez.u8 v20;
	v20 =	vld [tilespmem:$0x1FC00];
	_ =	sdelay $0x2  }
0x15e: {  	vm4 =	vmand vm4, vm9  }
0x15f: {  	[tilespmem:$0x1FC10] =	vst v25;
	vm3 =	vmor vm3, vm4  }
0x160: {  	v18 =	vadd.s32 v19, v18;
	v19 =	vsel vm3, $0x1, v2;
	vm3 =	vnez.u8 v20;
	v20 =	vld [tilespmem:$0x1FC10];
	_ =	sdelay $0x3  }
0x161: {  	vm3 =	vmor vm3, vm7  }
0x162: {  	v18 =	vadd.s32 v19, v18;
	v19 =	vsel vm3, $0x1, v2;
	vm3 =	vnez.u8 v20;
	v20 =	vld [tilespmem:$0x1FDB0];
	_ =	sdelay $0x3  }
0x163: {  	vm3 =	vmor vm3, vm6  }
0x164: {  	v18 =	vadd.s32 v19, v18;
	v19 =	vsel vm3, $0x1, v2;
	vm3 =	vnez.u8 v20;
	v20 =	vld [tilespmem:$0x1FD90];
	_ =	sdelay $0x3  }
0x165: {  	vm3 =	vmor vm3, vm8  }
0x166: {  	v18 =	vadd.s32 v19, v18;
	v19 =	vsel vm3, $0x1, v2;
	vm3 =	vnez.u8 v20;
	v20 =	vld [tilespmem:$0x1FDA0];
	_ =	sdelay $0x3  }
0x167: {  	vm3 =	vmor vm3, vm11  }
0x168: {  	v18 =	vadd.s32 v19, v18;
	v19 =	vsel vm3, $0x1, v2;
	vm3 =	vnez.u8 v20;
	v20 =	vld [tilespmem:$0x1FD80];
	_ =	sdelay $0x3  }
0x169: {  	vm3 =	vmor vm3, vm5  }
0x16a: {  	v18 =	vadd.s32 v19, v18;
	v19 =	vsel vm3, $0x1, v2;
	vm3 =	vnez.u8 v20;
	v20 =	vld [tilespmem:$0x1FD50];
	_ =	sdelay $0x3  }
0x16b: {  	vm2 =	vmor vm3, vm2  }
0x16c: {  	v18 =	vadd.s32 v19, v18;
	v19 =	vsel vm2, $0x1, v2;
	vm2 =	vnez.u8 v20;
	v20 =	vld [tilespmem:$0x1FD60];
	_ =	sdelay $0x2  }
0x16d: {  	vm15 =	vmand vm13, vm15  }
0x16e: {  	vm2 =	vmor vm2, vm15  }
0x16f: {  	v18 =	vadd.s32 v19, v18;
	v19 =	vsel vm2, $0x1, v2;
	vm2 =	vnez.u8 v20;
	v20 =	vld [tilespmem:$0x1FD30];
	_ =	sdelay $0x3  }
0x170: {  	vm1 =	vmor vm2, vm1  }
0x171: {  	v18 =	vadd.s32 v19, v18;
	v19 =	vsel vm1, $0x1, v2;
	vm1 =	vnez.u8 v20;
	v20 =	vld [tilespmem:$0x1FD00];
	_ =	sdelay $0x3  }
0x172: {  	vm0 =	vmor vm1, vm0  }
0x173: {  	v18 =	vadd.s32 v19, v18;
	v19 =	vsel vm0, $0x1, v2;
	vm0 =	vnez.u8 v20;
	v20 =	vld [tilespmem:$0x1FC20];
	_ =	sdelay $0x4  }
0x174: {  	vm1 =	vnez.u8 v20;
	v20 =	vld [tilespmem:$0x1FD10];
	_ =	sdelay $0x3  }
0x175: {  	vm0 =	vmor vm0, vm1  }
0x176: {  	v18 =	vadd.s32 v19, v18;
	v19 =	vsel vm0, $0x1, v2;
	vm0 =	vnez.u8 v20;
	v20 =	vld [tilespmem:$0x1FC30];
	_ =	sdelay $0x4  }
0x177: {  	vm1 =	vnez.u8 v20;
	v20 =	vld [tilespmem:$0x1FCD0];
	_ =	sdelay $0x3  }
0x178: {  	vm0 =	vmor vm0, vm1  }
0x179: {  	s5 =	sadd.s32 $0x10, s5;
	v18 =	vadd.s32 v19, v18;
	v19 =	vsel vm0, $0x1, v2;
	vm0 =	vnez.u8 v20;
	v20 =	vld [tilespmem:$0x1FCE0]  }
0x17a: {  	v26 =	vld [tilespmem:s5+$0x0]  }
0x17b: {  	s23 =	sadd.s32 $0xFFFFFFF6, s6;
	s24 =	sadd.s32 $0xFFFFFFF7, s6  }
0x17c: {  	s26 =	sadd.s32 $0xFFFFFFF3, s6;
	s28 =	sadd.s32 $0xFFFFFFF4, s6;
	v27 =	vmov s23;
	v28 =	vmov s24  }
0x17d: {  	v30 =	vmov s26;
	v31 =	vmov s28;
	vm0 =	vmor vm0, vm12  }
0x17e: {  	s29 =	sadd.s32 $0xFFFFFFF5, s6;
	v18 =	vadd.s32 v19, v18;
	v19 =	vsel vm0, $0x1, v2;
	vm0 =	vnez.u8 v20;
	v20 =	vld [tilespmem:$0x1FC40]  }
0x17f: {  	s30 =	sadd.s32 $0xFFFFFFF1, s6;
	v32 =	vmov s29;
	v60 =	vperm.xlane v26, v17;
	v61 =	vperm.xlane v26, v14  }
0x180: {  	s31 =	sadd.s32 $0xFFFFFFF2, s6;
	v33 =	vmov s30;
	v35 =	vperm.xlane v26, v15;
	v36 =	vperm.xlane v26, v13  }
0x181: {  	s12 =	sadd.s32 $0xFFFFFFFB, s6;
	v34 =	vmov s31;
	v62 =	vperm.xlane v26, v10;
	v37 =	vperm.xlane v26, v11  }
0x182: {  	s7 =	sadd.s32 $0xFFFFFFFF, s6;
	s11 =	sadd.s32 $0xFFFFFFFA, s6;
	v25 =	vmov s12;
	v63 =	vperm.xlane v26, v8;
	v38 =	vperm.xlane v26, v9  }
0x183: {  	v24 =	vmov s11;
	v21 =	vmov s7;
	vm1 =	vnez.u8 v20  }
0x184: {  	s22 =	sadd.s32 $0xFFFFFFF9, s6;
	vm13 =	vgt.u32 v24, v1;
	v24 =	vperm.xlane v26, v7;
	vm0 =	vmor vm0, vm1  }
0x185: {  	s8 =	sadd.s32 $0xFFFFFFFC, s6;
	s10 =	sadd.s32 $0xFFFFFFFE, s6;
	v23 =	vmov s22;
	v18 =	vadd.s32 v19, v18;
	v19 =	vsel vm0, $0x1, v2  }
0x186: {  	v22 =	vmov s10;
	v18 =	vadd.s32 v19, v18;
	v19 =	vmov s8  }
0x187: {  	vm0 =	vgt.u32 v25, v1;
	vm4 =	vgt.u32 v19, v1;
	v19 =	vimm.s32 $0x0  }
0x188: {  	vm10 =	vgt.u32 v27, v1;
	v27 =	vperm.xlane v26, v12;
	v19 =	vsel vm0, $0xFFFFFFFF, v19  }
0x189: {  	vm7 =	vgt.u32 v23, v1;
	vm0 =	vgt.u32 v28, v1;
	[tilespmem:$0x1FC60] =	vst v19;
	v19 =	vimm.s32 $0x0  }
0x18a: {  	v23 =	vperm.xlane v26, v2;
	vm8 =	vgt.u32 v21, v1;
	v19 =	vsel vm0, $0xFFFFFFFF, v19  }
0x18b: {  	v21 =	vperm.xlane v26, v5;
	vm0 =	vgt.u32 v32, v1;
	[tilespmem:$0x1FC70] =	vst v19;
	v19 =	vimm.s32 $0x0  }
0x18c: {  	vm12 =	vgt.u32 v22, v1;
	v22 =	vimm.s32 $0x0;
	v19 =	vsel vm0, $0xFFFFFFFF, v19  }
0x18d: {  	s9 =	sadd.s32 $0xFFFFFFFD, s6;
	v20 =	vmov s6;
	vm0 =	vgt.u32 v31, v1;
	[tilespmem:$0x1FC80] =	vst v19;
	v19 =	vimm.s32 $0x0  }
0x18e: {  	vm3 =	vgt.u32 v20, v1;
	v20 =	vmov s9;
	v19 =	vsel vm0, $0xFFFFFFFF, v19  }
0x18f: {  	vm11 =	vgt.u32 v20, v1;
	vm0 =	vgt.u32 v30, v1;
	[tilespmem:$0x1FC90] =	vst v19;
	v19 =	vimm.s32 $0x0  }
0x190: {  	v20 =	vimm.s32 $0x0;
	v19 =	vsel vm0, $0xFFFFFFFF, v19;
	vm0 =	vgt.u32 v34, v1  }
0x191: {  	v25 =	vperm.xlane v26, v16;
	[tilespmem:$0x1FCA0] =	vst v19;
	v20 =	vsel vm0, $0xFFFFFFFF, v20;
	vm0 =	vgt.u32 v33, v1  }
0x192: {  	v19 =	vperm.xlane v26, v6;
	[tilespmem:$0x1FCB0] =	vst v20;
	v20 =	vperm.xlane v26, v4;
	v22 =	vsel vm0, $0xFFFFFFFF, v22  }
0x193: {  	vm0 =	vgt.f32 v25, v0;
	[tilespmem:$0x1FCC0] =	vst v22;
	v22 =	vperm.xlane v26, v3;
	v26 =	vimm.s32 $0x0  }
0x194: {  	v26 =	vsel vm0, $0xFFFFFFFF, v26  }
0x195: {  	vm0 =	vgt.f32 v60, v0;
	[tilespmem:$0x1FCD0] =	vst v26;
	v26 =	vimm.s32 $0x0  }
0x196: {  	v26 =	vsel vm0, $0xFFFFFFFF, v26  }
0x197: {  	vm0 =	veq.f32 v60, v0;
	[tilespmem:$0x1FCE0] =	vst v26;
	v26 =	vimm.s32 $0x0  }
0x198: {  	v26 =	vsel vm0, $0xFFFFFFFF, v26  }
0x199: {  	vm0 =	vgt.f32 v61, v0;
	[tilespmem:$0x1FCF0] =	vst v26;
	v26 =	vimm.s32 $0x0  }
0x19a: {  	v26 =	vsel vm0, $0xFFFFFFFF, v26  }
0x19b: {  	vm0 =	vgt.f32 v35, v0;
	[tilespmem:$0x1FD00] =	vst v26;
	v26 =	vimm.s32 $0x0  }
0x19c: {  	v26 =	vsel vm0, $0xFFFFFFFF, v26;
	vm0 =	veq.f32 v25, v0;
	v25 =	vimm.s32 $0x0  }
0x19d: {  	v25 =	vsel vm0, $0xFFFFFFFF, v25  }
0x19e: {  	vm0 =	vgt.f32 v36, v0;
	[tilespmem:$0x1FD20] =	vst v25;
	v25 =	vimm.s32 $0x0  }
0x19f: {  	v25 =	vsel vm0, $0xFFFFFFFF, v25  }
0x1a0: {  	vm0 =	veq.f32 v61, v0;
	[tilespmem:$0x1FD30] =	vst v25;
	v25 =	vimm.s32 $0x0  }
0x1a1: {  	v25 =	vsel vm0, $0xFFFFFFFF, v25  }
0x1a2: {  	vm2 =	vgt.f32 v37, v0;
	[tilespmem:$0x1FD40] =	vst v25;
	v25 =	vimm.s32 $0x0  }
0x1a3: {  	v25 =	vsel vm2, $0xFFFFFFFF, v25  }
0x1a4: {  	vm2 =	vgt.f32 v27, v0;
	[tilespmem:$0x1FD50] =	vst v25;
	v25 =	vimm.s32 $0x0  }
0x1a5: {  	v25 =	vsel vm2, $0xFFFFFFFF, v25  }
0x1a6: {  	vm0 =	veq.f32 v36, v0;
	[tilespmem:$0x1FD60] =	vst v25;
	v25 =	vimm.s32 $0x0  }
0x1a7: {  	v25 =	vsel vm0, $0xFFFFFFFF, v25  }
0x1a8: {  	vm2 =	vgt.f32 v62, v0;
	[tilespmem:$0x1FD70] =	vst v25;
	v25 =	vimm.s32 $0x0  }
0x1a9: {  	v25 =	vsel vm2, $0xFFFFFFFF, v25  }
0x1aa: {  	vm5 =	vgt.f32 v63, v0;
	[tilespmem:$0x1FD80] =	vst v25;
	v25 =	vimm.s32 $0x0  }
0x1ab: {  	p0 =	sne.s32 s6, $0x2FF;
	v25 =	vsel vm5, $0xFFFFFFFF, v25  }
.Ltmp1:
0x1ac: {  	s25 =	sadd.s32 $0xFFFFFFF8, s6;
	vm5 =	vgt.f32 v38, v0;
	[tilespmem:$0x1FD90] =	vst v25;
	v25 =	vimm.s32 $0x0;
	(pc) =	sbr.rel @p0 .LBB2_3-.Ltmp1, $4  }
0x1ad: {  	v29 =	vmov s25;
	vm14 =	veq.f32 v62, v0;
	v25 =	vsel vm5, $0xFFFFFFFF, v25  }
0x1ae: {  	vm9 =	vgt.u32 v29, v1;
	vm5 =	vgt.f32 v24, v0;
	[tilespmem:$0x1FDA0] =	vst v25;
	v25 =	vimm.s32 $0x0  }
0x1af: {  	vm6 =	veq.f32 v38, v0;
	vm15 =	veq.f32 v37, v0;
	[tilespmem:$0x1FD10] =	vst v26;
	v25 =	vsel vm5, $0xFFFFFFFF, v25  }
0x1b0: {  	s6 =	sadd.s32 $0x10, s6;
	vm1 =	veq.f32 v35, v0;
	vm2 =	veq.f32 v27, v0;
	vm5 =	veq.f32 v63, v0;
	[tilespmem:$0x1FDB0] =	vst v25  }
0x1b1: {  	v3 =	vld [tilespmem:$0x1FCF0];
	_ =	sdelay $0x4  }
0x1b2: {  	vm0 =	vnez.u8 v3  }
0x1b3: {  	v3 =	vimm.s32 $0x0;
	vm3 =	vmand vm3, vm0  }
0x1b4: {  	v3 =	vsel vm3, $0xFFFFFFFF, v3  }
0x1b5: {  	[tilespmem:$0x1FA00] =	vst v3;
	v3 =	vld [tilespmem:$0x1FD40];
	_ =	sdelay $0x4  }
0x1b6: {  	vm0 =	vnez.u8 v3;
	v3 =	vld [tilespmem:$0x1FD20];
	_ =	sdelay $0x4  }
0x1b7: {  	vm11 =	vmand vm11, vm0;
	vm0 =	vnez.u8 v3;
	v3 =	vld [tilespmem:$0x1FC60];
	_ =	sdelay $0x4  }
0x1b8: {  	vm1 =	vmand vm12, vm1;
	vm12 =	vmand vm8, vm0;
	vm0 =	vnez.u8 v3;
	v3 =	vld [tilespmem:$0x1FD70];
	_ =	sdelay $0x4  }
0x1b9: {  	vm3 =	vmand vm13, vm15;
	vm15 =	vmand vm0, vm2;
	vm0 =	vnez.u8 v3;
	v3 =	vld [tilespmem:$0x1FC70];
	_ =	sdelay $0x4  }
0x1ba: {  	vm2 =	vnez.u8 v3;
	v3 =	vld [tilespmem:$0x1FCC0];
	_ =	sdelay $0x4  }
0x1bb: {  	vm8 =	vnez.u8 v3;
	v3 =	vld [tilespmem:$0x1FC80];
	_ =	sdelay $0x3  }
0x1bc: {  	vm5 =	vmand vm2, vm5;
	vm2 =	vmand vm7, vm14;
	vm7 =	veq.f32 v23, v0  }
0x1bd: {  	vm7 =	vmand vm8, vm7;
	vm8 =	vnez.u8 v3;
	v3 =	vld [tilespmem:$0x1FCB0];
	_ =	sdelay $0x3  }
0x1be: {  	vm6 =	vmand vm9, vm6;
	vm9 =	vgt.f32 v23, v0  }
0x1bf: {  	vm7 =	vmor vm9, vm7;
	vm9 =	vnez.u8 v3;
	v3 =	vld [tilespmem:$0x1FC90];
	_ =	sdelay $0x4  }
0x1c0: {  	vm0 =	vmand vm4, vm0;
	vm4 =	veq.f32 v19, v0;
	vm13 =	vnez.u8 v3;
	v3 =	vld [tilespmem:$0x1FCA0]  }
0x1c1: {  	vm4 =	vmand vm8, vm4;
	vm8 =	veq.f32 v24, v0  }
0x1c2: {  	vm8 =	vmand vm10, vm8;
	vm10 =	veq.f32 v22, v0  }
0x1c3: {  	vm9 =	vmand vm9, vm10;
	vm10 =	veq.f32 v21, v0  }
0x1c4: {  	vm10 =	vmand vm13, vm10;
	vm13 =	vgt.f32 v22, v0  }
0x1c5: {  	vm14 =	veq.f32 v20, v0;
	vm9 =	vmor vm13, vm9;
	vm13 =	vnez.u8 v3  }
0x1c6: {  	v3 =	vsel vm7, $0x1, v2;
	vm13 =	vmand vm13, vm14;
	vm14 =	vgt.f32 v20, v0  }
0x1c7: {  	v4 =	vsel vm9, $0x1, v2;
	v3 =	vadd.s32 v3, v18;
	vm7 =	vmor vm14, vm13  }
0x1c8: {  	v3 =	vadd.s32 v4, v3;
	v5 =	vsel vm7, $0x1, v2  }
0x1c9: {  	v3 =	vadd.s32 v5, v3;
	v5 =	vld [tilespmem:$0x1FDB0];
	_ =	sdelay $0x2  }
0x1ca: {  	vm9 =	vgt.f32 v19, v0  }
0x1cb: {  	vm4 =	vmor vm9, vm4  }
0x1cc: {  	v4 =	vsel vm4, $0x1, v2;
	vm4 =	vnez.u8 v5;
	v5 =	vld [tilespmem:$0x1FD90];
	_ =	sdelay $0x1  }
0x1cd: {  	vm7 =	vgt.f32 v21, v0  }
0x1ce: {  	vm7 =	vmor vm7, vm10  }
0x1cf: {  	v0 =	vsel vm7, $0x1, v2;
	vm4 =	vmor vm4, vm8  }
0x1d0: {  	v0 =	vadd.s32 v0, v3;
	v3 =	vsel vm4, $0x1, v2;
	vm4 =	vnez.u8 v5  }
0x1d1: {  	v0 =	vadd.s32 v4, v0;
	v5 =	vld [tilespmem:$0x1FDA0];
	vm4 =	vmor vm4, vm5  }
0x1d2: {  	v0 =	vadd.s32 v3, v0;
	v4 =	vsel vm4, $0x1, v2  }
0x1d3: {  	v0 =	vadd.s32 v4, v0;
	v4 =	vld [tilespmem:$0x1FD80];
	_ =	sdelay $0x2  }
0x1d4: {  	vm4 =	vnez.u8 v5  }
0x1d5: {  	vm4 =	vmor vm4, vm6  }
0x1d6: {  	v3 =	vsel vm4, $0x1, v2;
	vm4 =	vnez.u8 v4;
	v4 =	vld [tilespmem:$0x1FD50];
	_ =	sdelay $0x3  }
0x1d7: {  	vm2 =	vmor vm4, vm2  }
0x1d8: {  	v0 =	vadd.s32 v3, v0;
	v3 =	vsel vm2, $0x1, v2;
	vm2 =	vnez.u8 v4;
	v4 =	vld [tilespmem:$0x1FD60];
	_ =	sdelay $0x3  }
0x1d9: {  	vm2 =	vmor vm2, vm3  }
0x1da: {  	v0 =	vadd.s32 v3, v0;
	v3 =	vsel vm2, $0x1, v2;
	vm2 =	vnez.u8 v4;
	v4 =	vld [tilespmem:$0x1FD30];
	_ =	sdelay $0x3  }
0x1db: {  	vm2 =	vmor vm2, vm15  }
0x1dc: {  	v0 =	vadd.s32 v3, v0;
	v3 =	vsel vm2, $0x1, v2;
	vm2 =	vnez.u8 v4;
	v4 =	vld [tilespmem:$0x1FD00];
	_ =	sdelay $0x3  }
0x1dd: {  	vm0 =	vmor vm2, vm0  }
0x1de: {  	v0 =	vadd.s32 v3, v0;
	v3 =	vsel vm0, $0x1, v2;
	vm0 =	vnez.u8 v4;
	v4 =	vld [tilespmem:$0x1FD10];
	_ =	sdelay $0x3  }
0x1df: {  	vm0 =	vmor vm0, vm11  }
0x1e0: {  	v0 =	vadd.s32 v3, v0;
	v3 =	vsel vm0, $0x1, v2;
	vm0 =	vnez.u8 v4;
	v4 =	vld [tilespmem:$0x1FCD0];
	_ =	sdelay $0x3  }
0x1e1: {  	vm0 =	vmor vm0, vm1  }
0x1e2: {  	v0 =	vadd.s32 v3, v0;
	v3 =	vsel vm0, $0x1, v2;
	vm0 =	vnez.u8 v4;
	v4 =	vld [tilespmem:$0x1FCE0]  }
0x1e3: {  	v6 =	vimm.s32 $0x4;
	v7 =	vimm.s32 $0x5  }
0x1e4: {  	v8 =	vimm.s32 $0x6;
	v9 =	vimm.s32 $0x7;
	v10 =	vimm.s32 $0x8  }
0x1e5: {  	v11 =	vimm.s32 $0x9;
	v12 =	vimm.s32 $0xA;
	v13 =	vimm.s32 $0xB  }
0x1e6: {  	v14 =	vimm.s32 $0xC;
	v15 =	vimm.s32 $0xD;
	vm0 =	vmor vm0, vm12  }
0x1e7: {  	s8 =	simm.s32 $0xC;
	v0 =	vadd.s32 v3, v0;
	v3 =	vsel vm0, $0x1, v2;
	vm0 =	vnez.u8 v4;
	v4 =	vld [tilespmem:$0x1FA00]  }
0x1e8: {  	v16 =	vimm.s32 $0xE;
	v17 =	vimm.s32 $0xF;
	[tilespmem:$0x390] =	vst v1;
	s24 =	simm.s32 $0x6;
	s25 =	simm.s32 $0x7;
	s26 =	simm.s32 $0x2;
	v1 =	vmov s8  }
0x1e9: {  	s28 =	simm.s32 $0x3;
	s29 =	simm.s32 $0x4;
	s30 =	simm.s32 $0x0;
	v26 =	vmov s24;
	v27 =	vmov s25;
	v28 =	vmov s26  }
0x1ea: {  	s10 =	simm.s32 $0xA;
	s23 =	simm.s32 $0x5;
	s31 =	simm.s32 $0x1;
	v29 =	vmov s28;
	v30 =	vmov s29;
	v31 =	vmov s30  }
0x1eb: {  	s6 =	simm.s32 $0xF;
	s22 =	simm.s32 $0x9;
	v32 =	vmov s31;
	v23 =	vmov s10;
	v24 =	vmov s23  }
0x1ec: {  	s9 =	simm.s32 $0xD;
	s21 =	simm.s32 $0x8;
	v22 =	vmov s22;
	v19 =	vmov s6;
	vm1 =	vnez.u8 v4  }
0x1ed: {  	v20 =	vmov s9;
	v21 =	vmov s21;
	vm0 =	vmor vm0, vm1  }
0x1ee: {  	v5 =	vimm.s32 $0x3;
	v0 =	vadd.s32 v3, v0;
	v2 =	vsel vm0, $0x1, v2  }
0x1ef: {  	s5 =	sadd.s32 $0x20, s4;
	v3 =	vimm.s32 $0x1;
	v18 =	vadd.s32 v2, v0;
	v0 =	vlaneseq.u32  }
0x1f0: {  	s7 =	simm.s32 $0xE;
	s20 =	simm.s32 $0xB;
	v4 =	vimm.s32 $0x2;
	v2 =	vimm.s32 $0x0;
	v0 =	vor.u32 s5, v0  }
0x1f1: {  	s5 =	simm.s32 $0x0;
	[tilespmem:$0x310] =	vst v18;
	v18 =	vmov s7;
	vm3 =	vgt.u32 v19, v0;
	v19 =	vmov s20  }
0x1f2: {  	v25 =	vld [tilespmem:s5+$0x0];
	vm11 =	vgt.u32 v1, v0;
	vm0 =	vgt.u32 v22, v0;
	v1 =	vimm.s32 $0x0  }
0x1f3: {  	vm9 =	vgt.u32 v18, v0;
	vm12 =	vgt.u32 v20, v0;
	v1 =	vsel vm0, $0xFFFFFFFF, v1  }
0x1f4: {  	vm7 =	vgt.u32 v21, v0;
	vm0 =	vgt.u32 v23, v0;
	[tilespmem:$0x1FA10] =	vst v1;
	v1 =	vimm.s32 $0x0  }
0x1f5: {  	vm10 =	vgt.u32 v27, v0;
	v18 =	vimm.s32 $0x0;
	v1 =	vsel vm0, $0xFFFFFFFF, v1  }
0x1f6: {  	vm4 =	vgt.u32 v19, v0;
	vm0 =	vgt.u32 v26, v0;
	[tilespmem:$0x1FA20] =	vst v1;
	v1 =	vimm.s32 $0x0  }
0x1f7: {  	v33 =	vperm.xlane v25, v16;
	v27 =	vperm.xlane v25, v17;
	v1 =	vsel vm0, $0xFFFFFFFF, v1  }
0x1f8: {  	v34 =	vperm.xlane v25, v14;
	vm0 =	vgt.u32 v24, v0;
	[tilespmem:$0x1FA30] =	vst v1;
	v1 =	vimm.s32 $0x0  }
0x1f9: {  	v26 =	vperm.xlane v25, v15;
	v1 =	vsel vm0, $0xFFFFFFFF, v1;
	vm0 =	vgt.u32 v30, v0  }
0x1fa: {  	v35 =	vperm.xlane v25, v12;
	v36 =	vperm.xlane v25, v13;
	v18 =	vsel vm0, $0xFFFFFFFF, v18  }
0x1fb: {  	v37 =	vperm.xlane v25, v10;
	vm0 =	vgt.u32 v29, v0;
	[tilespmem:$0x1FA50] =	vst v18;
	v18 =	vimm.s32 $0x0  }
0x1fc: {  	v62 =	vperm.xlane v25, v11;
	v38 =	vperm.xlane v25, v8;
	[tilespmem:$0x1FA40] =	vst v1;
	v18 =	vsel vm0, $0xFFFFFFFF, v18  }
0x1fd: {  	v63 =	vperm.xlane v25, v9;
	v1 =	vld [tilespmem:s4+$0x20];
	vm0 =	vgt.u32 v28, v0;
	[tilespmem:$0x1FA60] =	vst v18;
	v18 =	vimm.s32 $0x0  }
0x1fe: {  	v19 =	vperm.xlane v25, v6;
	v24 =	vperm.xlane v25, v7;
	v18 =	vsel vm0, $0xFFFFFFFF, v18  }
0x1ff: {  	v20 =	vperm.xlane v25, v4;
	vm0 =	vgt.u32 v32, v0;
	[tilespmem:$0x1FA70] =	vst v18;
	v18 =	vimm.s32 $0x0  }
0x200: {  	v21 =	vperm.xlane v25, v5;
	v23 =	vperm.xlane v25, v2;
	v18 =	vsel vm0, $0xFFFFFFFF, v18  }
0x201: {  	v22 =	vperm.xlane v25, v3;
	vm0 =	vgt.u32 v31, v0;
	[tilespmem:$0x1FA80] =	vst v18;
	v18 =	vimm.s32 $0x0  }
0x202: {  	v25 =	vimm.s32 $0x0;
	v18 =	vsel vm0, $0xFFFFFFFF, v18;
	vm0 =	vgt.f32 v33, v1  }
0x203: {  	v25 =	vsel vm0, $0xFFFFFFFF, v25  }
0x204: {  	vm0 =	vgt.f32 v27, v1;
	[tilespmem:$0x1FAA0] =	vst v25;
	v25 =	vimm.s32 $0x0  }
0x205: {  	v25 =	vsel vm0, $0xFFFFFFFF, v25  }
0x206: {  	vm0 =	veq.f32 v27, v1;
	[tilespmem:$0x1FAB0] =	vst v25;
	v25 =	vimm.s32 $0x0  }
0x207: {  	v25 =	vsel vm0, $0xFFFFFFFF, v25  }
0x208: {  	vm0 =	vgt.f32 v34, v1;
	[tilespmem:$0x1FAC0] =	vst v25;
	v25 =	vimm.s32 $0x0  }
0x209: {  	v25 =	vsel vm0, $0xFFFFFFFF, v25  }
0x20a: {  	vm0 =	vgt.f32 v26, v1;
	[tilespmem:$0x1FAD0] =	vst v25;
	v25 =	vimm.s32 $0x0  }
0x20b: {  	v25 =	vsel vm0, $0xFFFFFFFF, v25  }
0x20c: {  	vm0 =	vgt.f32 v36, v1;
	[tilespmem:$0x1FAE0] =	vst v25;
	v25 =	vimm.s32 $0x0  }
0x20d: {  	v25 =	vsel vm0, $0xFFFFFFFF, v25  }
0x20e: {  	vm0 =	vgt.f32 v62, v1;
	[tilespmem:$0x1FAF0] =	vst v25;
	v25 =	vimm.s32 $0x0  }
0x20f: {  	v25 =	vsel vm0, $0xFFFFFFFF, v25  }
0x210: {  	vm0 =	vgt.f32 v35, v1;
	[tilespmem:$0x1FB00] =	vst v25;
	v25 =	vimm.s32 $0x0  }
0x211: {  	v25 =	vsel vm0, $0xFFFFFFFF, v25  }
0x212: {  	vm0 =	veq.f32 v36, v1;
	[tilespmem:$0x1FB10] =	vst v25;
	v25 =	vimm.s32 $0x0  }
0x213: {  	v25 =	vsel vm0, $0xFFFFFFFF, v25  }
0x214: {  	vm0 =	vgt.f32 v37, v1;
	[tilespmem:$0x1FB20] =	vst v25;
	v25 =	vimm.s32 $0x0  }
0x215: {  	v25 =	vsel vm0, $0xFFFFFFFF, v25  }
0x216: {  	vm0 =	vgt.f32 v38, v1;
	[tilespmem:$0x1FB30] =	vst v25;
	v25 =	vimm.s32 $0x0  }
0x217: {  	v25 =	vsel vm0, $0xFFFFFFFF, v25  }
0x218: {  	vm8 =	veq.f32 v33, v1;
	vm0 =	vgt.f32 v63, v1;
	[tilespmem:$0x1FB40] =	vst v25;
	v25 =	vimm.s32 $0x0  }
0x219: {  	vm1 =	veq.f32 v34, v1;
	vm13 =	veq.f32 v26, v1;
	v25 =	vsel vm0, $0xFFFFFFFF, v25  }
0x21a: {  	vm15 =	veq.f32 v62, v1;
	vm0 =	vgt.f32 v24, v1;
	[tilespmem:$0x1FB50] =	vst v25;
	v25 =	vimm.s32 $0x0  }
0x21b: {  	vm2 =	veq.f32 v35, v1;
	vm14 =	veq.f32 v37, v1;
	[tilespmem:$0x1FA90] =	vst v18;
	v25 =	vsel vm0, $0xFFFFFFFF, v25  }
0x21c: {  	s4 =	simm.s32 $0x1F;
	vm5 =	veq.f32 v38, v1;
	vm6 =	veq.f32 v63, v1;
	v18 =	vimm.s32 $0x0;
	[tilespmem:$0x1FB60] =	vst v25  }
.LBB2_5:
0x21d: {  	vm0 =	vgt.f32 v21, v1;
	v25 =	vimm.s32 $0x0  }
0x21e: {  	v25 =	vsel vm0, $0xFFFFFFFF, v25  }
0x21f: {  	vm0 =	vgt.f32 v19, v1;
	[tilespmem:$0x1F9D0] =	vst v25;
	v25 =	vimm.s32 $0x0  }
0x220: {  	v25 =	vsel vm0, $0xFFFFFFFF, v25;
	vm0 =	veq.f32 v24, v1;
	v24 =	vimm.s32 $0x0  }
0x221: {  	v24 =	vsel vm0, $0xFFFFFFFF, v24  }
0x222: {  	vm0 =	vgt.f32 v20, v1;
	[tilespmem:$0x1F960] =	vst v24;
	v24 =	vimm.s32 $0x0  }
0x223: {  	v24 =	vsel vm0, $0xFFFFFFFF, v24;
	vm0 =	veq.f32 v21, v1;
	v21 =	vimm.s32 $0x0  }
0x224: {  	v21 =	vsel vm0, $0xFFFFFFFF, v21;
	vm0 =	veq.f32 v19, v1;
	v19 =	vimm.s32 $0x0  }
0x225: {  	v19 =	vsel vm0, $0xFFFFFFFF, v19  }
0x226: {  	vm0 =	vgt.f32 v23, v1;
	[tilespmem:$0x1F950] =	vst v19;
	v19 =	vimm.s32 $0x0  }
0x227: {  	v19 =	vsel vm0, $0xFFFFFFFF, v19  }
0x228: {  	vm0 =	vgt.f32 v22, v1;
	[tilespmem:$0x1F970] =	vst v19;
	v19 =	vimm.s32 $0x0  }
0x229: {  	v19 =	vsel vm0, $0xFFFFFFFF, v19  }
0x22a: {  	vm0 =	veq.f32 v20, v1;
	[tilespmem:$0x1F9A0] =	vst v19;
	v19 =	vimm.s32 $0x0  }
0x22b: {  	v19 =	vsel vm0, $0xFFFFFFFF, v19  }
0x22c: {  	vm0 =	veq.f32 v23, v1;
	[tilespmem:$0x1F9B0] =	vst v19;
	v19 =	vimm.s32 $0x0  }
0x22d: {  	v19 =	vsel vm0, $0xFFFFFFFF, v19  }
0x22e: {  	vm0 =	veq.f32 v22, v1;
	[tilespmem:$0x1F940] =	vst v19;
	v19 =	vimm.s32 $0x0  }
0x22f: {  	v19 =	vsel vm0, $0xFFFFFFFF, v19  }
0x230: {  	[tilespmem:$0x1F980] =	vst v19;
	v19 =	vld [tilespmem:$0x1FAC0];
	_ =	sdelay $0x4  }
0x231: {  	vm0 =	vmmov vm8;
	vm8 =	vnez.u8 v19  }
0x232: {  	v19 =	vimm.s32 $0x0;
	vm3 =	vmand vm3, vm8  }
0x233: {  	v19 =	vsel vm3, $0xFFFFFFFF, v19  }
0x234: {  	[tilespmem:$0x1F9F0] =	vst v19;
	v19 =	vld [tilespmem:$0x1FA10];
	_ =	sdelay $0x4  }
0x235: {  	vm3 =	vnez.u8 v19;
	v19 =	vld [tilespmem:$0x1FA20];
	_ =	sdelay $0x4  }
0x236: {  	vm1 =	vmand vm11, vm1;
	vm11 =	vmand vm3, vm15;
	vm3 =	vnez.u8 v19;
	v19 =	vld [tilespmem:$0x1FB20];
	_ =	sdelay $0x4  }
0x237: {  	vm13 =	vmand vm12, vm13;
	vm12 =	vmand vm9, vm0;
	vm0 =	vnez.u8 v19;
	v19 =	vld [tilespmem:$0x1FA30];
	_ =	sdelay $0x4  }
0x238: {  	vm9 =	vmand vm3, vm2;
	vm2 =	vnez.u8 v19;
	v19 =	vld [tilespmem:$0x1FA90];
	_ =	sdelay $0x4  }
0x239: {  	vm3 =	vnez.u8 v19;
	v19 =	vld [tilespmem:$0x1F940];
	_ =	sdelay $0x4  }
0x23a: {  	vm8 =	vmand vm4, vm0;
	vm0 =	vnez.u8 v19;
	v19 =	vld [tilespmem:$0x1FA50];
	_ =	sdelay $0x4  }
0x23b: {  	vm0 =	vmand vm3, vm0;
	vm3 =	vnez.u8 v19;
	v19 =	vld [tilespmem:$0x1F950];
	_ =	sdelay $0x4  }
0x23c: {  	vm4 =	vnez.u8 v19;
	v19 =	vld [tilespmem:$0x1FA40];
	_ =	sdelay $0x3  }
0x23d: {  	vm15 =	vmand vm2, vm5  }
0x23e: {  	vm5 =	vmand vm10, vm6;
	vm6 =	vmand vm3, vm4;
	vm3 =	vnez.u8 v19;
	v19 =	vld [tilespmem:$0x1F960];
	_ =	sdelay $0x4  }
0x23f: {  	vm4 =	vnez.u8 v19;
	v19 =	vld [tilespmem:$0x1F970];
	_ =	sdelay $0x4  }
0x240: {  	vm2 =	vmand vm7, vm14;
	vm7 =	vmand vm3, vm4;
	vm3 =	vnez.u8 v19;
	v19 =	vld [tilespmem:$0x1FA80];
	_ =	sdelay $0x4  }
0x241: {  	vm0 =	vmor vm3, vm0;
	vm3 =	vnez.u8 v19;
	v19 =	vld [tilespmem:$0x1F980];
	_ =	sdelay $0x4  }
0x242: {  	vm4 =	vnez.u8 v19;
	v19 =	vld [tilespmem:$0x1FA60];
	_ =	sdelay $0x3  }
0x243: {  	[tilespmem:$0x1F990] =	vst v21;
	v20 =	vld [tilespmem:$0x1F9A0]  }
0x244: {  	vm3 =	vmand vm3, vm4;
	vm4 =	vnez.u8 v19;
	v19 =	vld [tilespmem:$0x1F990];
	_ =	sdelay $0x4  }
0x245: {  	vm10 =	vnez.u8 v19;
	v19 =	vsel vm0, $0x1, v2;
	vm0 =	vnez.u8 v20;
	v20 =	vld [tilespmem:$0x1FA70];
	_ =	sdelay $0x4  }
0x246: {  	vm0 =	vmor vm0, vm3;
	vm3 =	vnez.u8 v20;
	v20 =	vld [tilespmem:$0x1F9B0];
	_ =	sdelay $0x3  }
0x247: {  	[tilespmem:$0x1F9C0] =	vst v24  }
0x248: {  	vm4 =	vmand vm4, vm10;
	vm10 =	vnez.u8 v20;
	v20 =	vld [tilespmem:$0x1F9C0];
	_ =	sdelay $0x4  }
0x249: {  	v18 =	vadd.s32 v19, v18;
	v19 =	vsel vm0, $0x1, v2;
	vm0 =	vnez.u8 v20;
	v20 =	vld [tilespmem:$0x1F9D0];
	_ =	sdelay $0x2  }
0x24a: {  	vm3 =	vmand vm3, vm10  }
0x24b: {  	[tilespmem:$0x1F9E0] =	vst v25;
	vm0 =	vmor vm0, vm3  }
0x24c: {  	v18 =	vadd.s32 v19, v18;
	v19 =	vsel vm0, $0x1, v2;
	vm0 =	vnez.u8 v20;
	v20 =	vld [tilespmem:$0x1F9E0];
	_ =	sdelay $0x3  }
0x24d: {  	vm0 =	vmor vm0, vm4  }
0x24e: {  	v18 =	vadd.s32 v19, v18;
	v19 =	vsel vm0, $0x1, v2;
	vm0 =	vnez.u8 v20;
	v20 =	vld [tilespmem:$0x1FB60];
	_ =	sdelay $0x3  }
0x24f: {  	vm0 =	vmor vm0, vm6  }
0x250: {  	v18 =	vadd.s32 v19, v18;
	v19 =	vsel vm0, $0x1, v2;
	vm0 =	vnez.u8 v20;
	v20 =	vld [tilespmem:$0x1FB40];
	_ =	sdelay $0x3  }
0x251: {  	vm0 =	vmor vm0, vm7  }
0x252: {  	v18 =	vadd.s32 v19, v18;
	v19 =	vsel vm0, $0x1, v2;
	vm0 =	vnez.u8 v20;
	v20 =	vld [tilespmem:$0x1FB50];
	_ =	sdelay $0x3  }
0x253: {  	vm0 =	vmor vm0, vm15  }
0x254: {  	v18 =	vadd.s32 v19, v18;
	v19 =	vsel vm0, $0x1, v2;
	vm0 =	vnez.u8 v20;
	v20 =	vld [tilespmem:$0x1FB30];
	_ =	sdelay $0x3  }
0x255: {  	vm0 =	vmor vm0, vm5  }
0x256: {  	v18 =	vadd.s32 v19, v18;
	v19 =	vsel vm0, $0x1, v2;
	vm0 =	vnez.u8 v20;
	v20 =	vld [tilespmem:$0x1FB00];
	_ =	sdelay $0x3  }
0x257: {  	vm0 =	vmor vm0, vm2  }
0x258: {  	v18 =	vadd.s32 v19, v18;
	v19 =	vsel vm0, $0x1, v2;
	vm0 =	vnez.u8 v20;
	v20 =	vld [tilespmem:$0x1FB10];
	_ =	sdelay $0x3  }
0x259: {  	vm0 =	vmor vm0, vm11  }
0x25a: {  	v18 =	vadd.s32 v19, v18;
	v19 =	vsel vm0, $0x1, v2;
	vm0 =	vnez.u8 v20;
	v20 =	vld [tilespmem:$0x1FAF0];
	_ =	sdelay $0x3  }
0x25b: {  	vm0 =	vmor vm0, vm9  }
0x25c: {  	v18 =	vadd.s32 v19, v18;
	v19 =	vsel vm0, $0x1, v2;
	vm0 =	vnez.u8 v20;
	v20 =	vld [tilespmem:$0x1FAD0];
	_ =	sdelay $0x3  }
0x25d: {  	vm0 =	vmor vm0, vm8  }
0x25e: {  	v18 =	vadd.s32 v19, v18;
	v19 =	vsel vm0, $0x1, v2;
	vm0 =	vnez.u8 v20;
	v20 =	vld [tilespmem:$0x1FAE0];
	_ =	sdelay $0x3  }
0x25f: {  	vm0 =	vmor vm0, vm1  }
0x260: {  	v18 =	vadd.s32 v19, v18;
	v19 =	vsel vm0, $0x1, v2;
	vm0 =	vnez.u8 v20;
	v20 =	vld [tilespmem:$0x1FAA0];
	_ =	sdelay $0x3  }
0x261: {  	vm0 =	vmor vm0, vm13  }
0x262: {  	v18 =	vadd.s32 v19, v18;
	v19 =	vsel vm0, $0x1, v2;
	vm0 =	vnez.u8 v20;
	v20 =	vld [tilespmem:$0x1FAB0];
	_ =	sdelay $0x2  }
0x263: {  	s5 =	sadd.s32 $0x10, s5  }
0x264: {  	v26 =	vld [tilespmem:s5+$0x0];
	vm0 =	vmor vm0, vm12  }
0x265: {  	v18 =	vadd.s32 v19, v18;
	v19 =	vsel vm0, $0x1, v2;
	vm0 =	vnez.u8 v20;
	v20 =	vld [tilespmem:$0x1F9F0]  }
0x266: {  	s23 =	sadd.s32 $0xFFFFFFF6, s4;
	s24 =	sadd.s32 $0xFFFFFFF7, s4  }
0x267: {  	s26 =	sadd.s32 $0xFFFFFFF3, s4;
	s28 =	sadd.s32 $0xFFFFFFF4, s4;
	s29 =	sadd.s32 $0xFFFFFFF5, s4;
	v27 =	vmov s23;
	v28 =	vmov s24  }
0x268: {  	s11 =	sadd.s32 $0xFFFFFFFB, s4;
	s30 =	sadd.s32 $0xFFFFFFF1, s4;
	s31 =	sadd.s32 $0xFFFFFFF2, s4;
	v30 =	vmov s26;
	v31 =	vmov s28;
	v32 =	vmov s29  }
0x269: {  	v33 =	vmov s30;
	v34 =	vmov s31;
	v25 =	vmov s11  }
0x26a: {  	v60 =	vperm.xlane v26, v17;
	v61 =	vperm.xlane v26, v14;
	vm1 =	vnez.u8 v20  }
0x26b: {  	v35 =	vperm.xlane v26, v15;
	v36 =	vperm.xlane v26, v13;
	vm0 =	vmor vm0, vm1  }
0x26c: {  	s7 =	sadd.s32 $0xFFFFFFFC, s4;
	s10 =	sadd.s32 $0xFFFFFFFA, s4;
	v62 =	vperm.xlane v26, v10;
	v18 =	vadd.s32 v19, v18;
	v19 =	vsel vm0, $0x1, v2  }
0x26d: {  	v24 =	vmov s10;
	v18 =	vadd.s32 v19, v18;
	v19 =	vmov s7  }
0x26e: {  	vm0 =	vgt.u32 v24, v0;
	vm4 =	vgt.u32 v19, v0;
	v19 =	vimm.s32 $0x0  }
0x26f: {  	v37 =	vperm.xlane v26, v11;
	v63 =	vperm.xlane v26, v8;
	v19 =	vsel vm0, $0xFFFFFFFF, v19  }
0x270: {  	s6 =	sadd.s32 $0xFFFFFFFF, s4;
	s22 =	sadd.s32 $0xFFFFFFF9, s4;
	v38 =	vperm.xlane v26, v9;
	vm0 =	vgt.u32 v25, v0;
	[tilespmem:$0x1FA10] =	vst v19;
	v19 =	vimm.s32 $0x0  }
0x271: {  	s9 =	sadd.s32 $0xFFFFFFFE, s4;
	v21 =	vmov s6;
	v23 =	vmov s22;
	v19 =	vsel vm0, $0xFFFFFFFF, v19  }
0x272: {  	v22 =	vmov s9;
	vm0 =	vgt.u32 v28, v0;
	[tilespmem:$0x1FA20] =	vst v19;
	v19 =	vimm.s32 $0x0  }
0x273: {  	vm7 =	vgt.u32 v23, v0;
	v23 =	vperm.xlane v26, v2;
	v19 =	vsel vm0, $0xFFFFFFFF, v19  }
0x274: {  	vm9 =	vgt.u32 v21, v0;
	vm0 =	vgt.u32 v27, v0;
	[tilespmem:$0x1FA30] =	vst v19;
	v19 =	vimm.s32 $0x0  }
0x275: {  	v21 =	vperm.xlane v26, v5;
	vm12 =	vgt.u32 v22, v0;
	v19 =	vsel vm0, $0xFFFFFFFF, v19  }
0x276: {  	v20 =	vmov s4;
	vm0 =	vgt.u32 v32, v0;
	[tilespmem:$0x1FA40] =	vst v19;
	v19 =	vimm.s32 $0x0  }
0x277: {  	s8 =	sadd.s32 $0xFFFFFFFD, s4;
	v22 =	vimm.s32 $0x0;
	vm3 =	vgt.u32 v20, v0;
	v19 =	vsel vm0, $0xFFFFFFFF, v19  }
0x278: {  	v20 =	vmov s8;
	vm0 =	vgt.u32 v31, v0;
	[tilespmem:$0x1FA50] =	vst v19;
	v19 =	vimm.s32 $0x0  }
0x279: {  	vm11 =	vgt.u32 v20, v0;
	v24 =	vperm.xlane v26, v7;
	v19 =	vsel vm0, $0xFFFFFFFF, v19  }
0x27a: {  	v20 =	vimm.s32 $0x0;
	vm0 =	vgt.u32 v30, v0;
	[tilespmem:$0x1FA60] =	vst v19;
	v19 =	vimm.s32 $0x0  }
0x27b: {  	v25 =	vperm.xlane v26, v16;
	v19 =	vsel vm0, $0xFFFFFFFF, v19;
	vm0 =	vgt.u32 v34, v0  }
0x27c: {  	v27 =	vperm.xlane v26, v12;
	[tilespmem:$0x1FA70] =	vst v19;
	v20 =	vsel vm0, $0xFFFFFFFF, v20;
	vm0 =	vgt.u32 v33, v0  }
0x27d: {  	v19 =	vperm.xlane v26, v6;
	[tilespmem:$0x1FA80] =	vst v20;
	v20 =	vperm.xlane v26, v4;
	v22 =	vsel vm0, $0xFFFFFFFF, v22  }
0x27e: {  	vm0 =	vgt.f32 v25, v1;
	[tilespmem:$0x1FA90] =	vst v22;
	v22 =	vperm.xlane v26, v3;
	v26 =	vimm.s32 $0x0  }
0x27f: {  	v26 =	vsel vm0, $0xFFFFFFFF, v26  }
0x280: {  	vm0 =	vgt.f32 v60, v1;
	[tilespmem:$0x1FAA0] =	vst v26;
	v26 =	vimm.s32 $0x0  }
0x281: {  	v26 =	vsel vm0, $0xFFFFFFFF, v26  }
0x282: {  	vm0 =	veq.f32 v60, v1;
	[tilespmem:$0x1FAB0] =	vst v26;
	v26 =	vimm.s32 $0x0  }
0x283: {  	v26 =	vsel vm0, $0xFFFFFFFF, v26  }
0x284: {  	vm0 =	vgt.f32 v61, v1;
	[tilespmem:$0x1FAC0] =	vst v26;
	v26 =	vimm.s32 $0x0  }
0x285: {  	v26 =	vsel vm0, $0xFFFFFFFF, v26  }
0x286: {  	vm8 =	veq.f32 v25, v1;
	vm0 =	vgt.f32 v35, v1;
	[tilespmem:$0x1FAD0] =	vst v26;
	v26 =	vimm.s32 $0x0  }
0x287: {  	v25 =	vimm.s32 $0x0;
	v26 =	vsel vm0, $0xFFFFFFFF, v26;
	vm0 =	vgt.f32 v36, v1  }
0x288: {  	v25 =	vsel vm0, $0xFFFFFFFF, v25  }
0x289: {  	vm0 =	vgt.f32 v37, v1;
	[tilespmem:$0x1FAF0] =	vst v25;
	v25 =	vimm.s32 $0x0  }
0x28a: {  	v25 =	vsel vm0, $0xFFFFFFFF, v25  }
0x28b: {  	vm0 =	vgt.f32 v27, v1;
	[tilespmem:$0x1FB00] =	vst v25;
	v25 =	vimm.s32 $0x0  }
0x28c: {  	v25 =	vsel vm0, $0xFFFFFFFF, v25  }
0x28d: {  	vm0 =	veq.f32 v36, v1;
	[tilespmem:$0x1FB10] =	vst v25;
	v25 =	vimm.s32 $0x0  }
0x28e: {  	v25 =	vsel vm0, $0xFFFFFFFF, v25  }
0x28f: {  	vm0 =	vgt.f32 v62, v1;
	[tilespmem:$0x1FB20] =	vst v25;
	v25 =	vimm.s32 $0x0  }
0x290: {  	v25 =	vsel vm0, $0xFFFFFFFF, v25  }
0x291: {  	vm0 =	vgt.f32 v63, v1;
	[tilespmem:$0x1FB30] =	vst v25;
	v25 =	vimm.s32 $0x0  }
0x292: {  	p0 =	sne.s32 s4, $0x2FF;
	s25 =	sadd.s32 $0xFFFFFFF8, s4;
	v25 =	vsel vm0, $0xFFFFFFFF, v25  }
.Ltmp2:
0x293: {  	v29 =	vmov s25;
	vm0 =	vgt.f32 v38, v1;
	[tilespmem:$0x1FB40] =	vst v25;
	v25 =	vimm.s32 $0x0;
	(pc) =	sbr.rel @p0 .LBB2_5-.Ltmp2, $4  }
0x294: {  	vm14 =	veq.f32 v62, v1;
	vm10 =	vgt.u32 v29, v0;
	v25 =	vsel vm0, $0xFFFFFFFF, v25  }
0x295: {  	vm6 =	veq.f32 v38, v1;
	vm0 =	vgt.f32 v24, v1;
	[tilespmem:$0x1FB50] =	vst v25;
	v25 =	vimm.s32 $0x0  }
0x296: {  	vm15 =	veq.f32 v37, v1;
	vm5 =	veq.f32 v63, v1;
	[tilespmem:$0x1FAE0] =	vst v26;
	v25 =	vsel vm0, $0xFFFFFFFF, v25  }
0x297: {  	vm13 =	veq.f32 v35, v1;
	s4 =	sadd.s32 $0x10, s4;
	vm1 =	veq.f32 v61, v1;
	vm2 =	veq.f32 v27, v1;
	[tilespmem:$0x1FB60] =	vst v25  }
0x298: {  	v3 =	vld [tilespmem:$0x1FAC0]  }
0x299: {  	v28 =	vld [tilespmem:$0x1FA10]  }
0x29a: {  	v29 =	vld [tilespmem:$0x1FA20]  }
0x29b: {  	v30 =	vld [tilespmem:$0x1FB20]  }
0x29c: {  	v31 =	vld [tilespmem:$0x1FA30]  }
0x29d: {  	v27 =	vimm.s32 $0x0  }
0x29e: {  	vm11 =	vmand vm11, vm1;
	vm13 =	vmand vm12, vm13;
	vm12 =	vmand vm9, vm8;
	v32 =	vld [tilespmem:$0x1FA90]  }
0x29f: {  	vm6 =	vmand vm10, vm6;
	v33 =	vld [tilespmem:$0x1FA50];
	vm10 =	veq.f32 v21, v1;
	vm0 =	vnez.u8 v3  }
0x2a0: {  	v34 =	vld [tilespmem:$0x1FA40];
	vm9 =	vnez.u8 v28;
	vm8 =	vnez.u8 v30;
	vm0 =	vmand vm3, vm0  }
0x2a1: {  	vm3 =	vmand vm9, vm15;
	vm15 =	vnez.u8 v29;
	vm9 =	vnez.u8 v31  }
0x2a2: {  	v35 =	vld [tilespmem:$0x1FA80];
	v3 =	vsel vm0, $0xFFFFFFFF, v27;
	vm1 =	vmand vm15, vm2;
	vm0 =	vmand vm4, vm8  }
0x2a3: {  	v36 =	vld [tilespmem:$0x1FA60];
	vm2 =	vmand vm7, vm14;
	vm14 =	veq.f32 v23, v1;
	vm15 =	vnez.u8 v32  }
0x2a4: {  	vm4 =	veq.f32 v19, v1;
	vm7 =	vmand vm15, vm14;
	vm14 =	vnez.u8 v33  }
0x2a5: {  	v37 =	vld [tilespmem:$0x1FA70];
	vm15 =	veq.f32 v24, v1;
	vm4 =	vmand vm14, vm4;
	vm14 =	vnez.u8 v34  }
0x2a6: {  	v41 =	vld [tilespmem:$0x1FB60];
	vm5 =	vmand vm9, vm5;
	vm8 =	vmand vm14, vm15;
	vm15 =	vgt.f32 v23, v1  }
0x2a7: {  	v43 =	vld [tilespmem:$0x1FB40];
	vm14 =	veq.f32 v22, v1;
	vm7 =	vmor vm15, vm7;
	vm15 =	vnez.u8 v35  }
0x2a8: {  	v45 =	vld [tilespmem:$0x1FB50];
	vm9 =	vmand vm15, vm14;
	vm14 =	vnez.u8 v36;
	vm15 =	veq.f32 v20, v1  }
0x2a9: {  	v47 =	vld [tilespmem:$0x1FB30];
	v38 =	vsel vm7, $0x1, v2;
	vm10 =	vmand vm14, vm10;
	vm14 =	vgt.f32 v22, v1  }
0x2aa: {  	v49 =	vld [tilespmem:$0x1FB00];
	[tilespmem:$0x1F930] =	vst v3;
	v3 =	vadd.s32 v38, v18;
	vm9 =	vmor vm14, vm9;
	vm14 =	vnez.u8 v37  }
0x2ab: {  	v51 =	vld [tilespmem:$0x1FB10];
	vm14 =	vmand vm14, vm15;
	vm15 =	vgt.f32 v20, v1;
	v4 =	vsel vm9, $0x1, v2  }
0x2ac: {  	v53 =	vld [tilespmem:$0x1FAF0];
	vm9 =	vmor vm15, vm14;
	vm14 =	vgt.f32 v21, v1;
	v3 =	vadd.s32 v4, v3  }
0x2ad: {  	v62 =	vld [tilespmem:$0x1F930];
	vm15 =	vgt.f32 v19, v1;
	v5 =	vsel vm9, $0x1, v2;
	vm7 =	vmor vm14, vm10  }
0x2ae: {  	vm4 =	vmor vm15, vm4;
	vm9 =	vnez.u8 v41;
	vm10 =	vnez.u8 v43  }
0x2af: {  	vm14 =	vnez.u8 v45;
	vm15 =	vnez.u8 v47;
	v39 =	vsel vm7, $0x1, v2  }
0x2b0: {  	v3 =	vadd.s32 v5, v3;
	v40 =	vsel vm4, $0x1, v2;
	vm4 =	vmor vm9, vm8  }
0x2b1: {  	vm2 =	vmor vm15, vm2;
	vm7 =	vnez.u8 v49;
	vm8 =	vnez.u8 v51  }
0x2b2: {  	v55 =	vld [tilespmem:$0x1FAD0];
	vm9 =	vnez.u8 v53;
	vm15 =	vnez.u8 v62;
	v1 =	vadd.s32 v39, v3  }
0x2b3: {  	v42 =	vsel vm4, $0x1, v2;
	vm4 =	vmor vm10, vm5;
	v48 =	vsel vm2, $0x1, v2  }
0x2b4: {  	v57 =	vld [tilespmem:$0x1FAE0];
	vm2 =	vmor vm7, vm3;
	vm1 =	vmor vm8, vm1;
	v1 =	vadd.s32 v40, v1  }
0x2b5: {  	v61 =	vld [tilespmem:$0x1FAB0];
	v44 =	vsel vm4, $0x1, v2;
	vm4 =	vmor vm14, vm6;
	v1 =	vadd.s32 v42, v1  }
0x2b6: {  	v59 =	vld [tilespmem:$0x1FAA0];
	vm0 =	vmor vm9, vm0;
	v46 =	vsel vm4, $0x1, v2;
	v1 =	vadd.s32 v44, v1  }
0x2b7: {  	vm10 =	vnez.u8 v55;
	v50 =	vsel vm2, $0x1, v2;
	v1 =	vadd.s32 v46, v1  }
0x2b8: {  	v52 =	vsel vm1, $0x1, v2;
	v54 =	vsel vm0, $0x1, v2;
	v1 =	vadd.s32 v48, v1  }
0x2b9: {  	vm0 =	vmor vm10, vm11;
	vm11 =	vnez.u8 v57;
	v1 =	vadd.s32 v50, v1  }
0x2ba: {  	vm14 =	vnez.u8 v61;
	v56 =	vsel vm0, $0x1, v2;
	v1 =	vadd.s32 v52, v1  }
0x2bb: {  	vm0 =	vmor vm11, vm13;
	vm13 =	vnez.u8 v59;
	v1 =	vadd.s32 v54, v1  }
0x2bc: {  	v58 =	vsel vm0, $0x1, v2;
	vm0 =	vmor vm13, vm12;
	v1 =	vadd.s32 v56, v1  }
0x2bd: {  	v60 =	vsel vm0, $0x1, v2;
	vm0 =	vmor vm14, vm15;
	v1 =	vadd.s32 v58, v1  }
0x2be: {  	v63 =	vsel vm0, $0x1, v2;
	v1 =	vadd.s32 v60, v1  }
0x2bf: {  	[tilespmem:$0x3A0] =	vst v0;
	s4 =	simm.s32 $0x30;
	v1 =	vadd.s32 v63, v1  }
0x2c0: {  	s5 =	simm.s32 $0x300;
	s6 =	simm.s32 $0x380;
	s31 =	simm.s32 $0x1;
	[tilespmem:$0x320] =	vst v1  }
0x2c1: {  	[spmem:s2] =	stream.indirect.scatter [tilespmem:s6], [sflag:$0x1], $0x1, s5, s4, $0xb8;
	[tilespmem:$0x430] =	vst v63  }
0x2c2: {  	_ =	swait.ge [sflag:s31], $0x30  }
0x2c3: {  	[sflag:s31] =	ssyncset.done $0x0  }
0x2c4: {  	[sflag:s31] =	ssyncadd.s32 $0xFFFFFFD0  }
0x2c5: {  	p0 =	sne.s32 s3, $0x0;
	[bflag:$0x0] =	sbarrier.arrive $0xFFFF  }
0x2c6: {  	_ =	sfence.sel @p0 $0x180000  }
0x2c7: {  	[bflag:$0x0] =	sbarrier.arrive @p0 $0xFFFF  }
0x2c8: {  	_ =	strace @p0 $0x90000047  }
0x2c9: {  	s3 =	simm.s32 @!p0 $0x1C01;
	s2 =	sshrl.u32 @!p0 s2, $0x3;
	[bflag:$0x2] =	sbarrier.arrive @p0 $0xFFFF  }
0x2ca: {  	[hbm:s1], [sflag:s3] =	dma.local @!p0 [spmem:s2], $0x30  }
0x2cb: {  	s1 =	simm.s32 @!p0 $0x1  }
0x2cc: {  	_ =	swait.ge @!p0 [sflag:s1], $0x30  }
0x2cd: {  	[sflag:s1] =	ssyncset.done @!p0 $0x0  }
0x2ce: {  	[sflag:s1] =	ssyncadd.s32 @!p0 $0xFFFFFFD0  }
0x2cf: {  	_ =	sfence.sel @!p0 $0x180000  }
0x2d0: {  	[bflag:$0x0] =	sbarrier.arrive @!p0 $0xFFFF  }
0x2d1: {  	_ =	strace @!p0 $0x90000047  }
0x2d2: {  	s0 =	sadd.s32 @!p0 $0x100000, s0;
	[bflag:$0x2] =	sbarrier.arrive @!p0 $0xFFFF  }
0x2d3: {  	[sflag:s0] =	ssyncadd.tile.s32 @!p0 $0x1;
	_ =	shalt  }
.Lfunc_end2:
_tile_overlayer_lowered:
.L_overlay_start_2:
0x2d4: {  	(tag) =	ssettag $0x2  }
0x2d5: {  	s0 =	rddreg [dreg:$0x0];
	s2 =	stileid.u32  }
0x2d6: {  	s1 =	rddreg [dreg:$0x1];
	p0 =	sne.s32 s2, $0x0  }
0x2d7: {  	s3 =	rddreg [dreg:$0x2];
	[bflag:$0x3] =	sbarrier.arrive $0xFFFF;
	s2 =	simm.s32 @!p0 $0x1C01  }
0x2d8: {  	[timem:s3], [sflag:s2] =	dma.local @!p0 [hbm:s0], s1  }
0x2d9: {  	s0 =	simm.s32 @!p0 $0x1  }
0x2da: {  	_ =	swait.ge @!p0 [sflag:s0], s1  }
0x2db: {  	s1 =	ssub.s32 @!p0 $0x0, s1;
	[sflag:s0] =	ssyncset.done @!p0 $0x0  }
0x2dc: {  	[sflag:s0] =	ssyncadd.s32 @!p0 s1  }
0x2dd: {  	[bflag:$0x3] =	sbarrier.arrive $0xFFFF  }
0x2de: {  	_ =	shalt  }

</sc_bundles>
